<compile_context>
chip_gen: v7x
topology: tpu7x:2x2x1
jax: 0.10.2.dev20260603
libtpu: 0.0.44.dev20260713+nightly
codegen_flags: <defaults>
</compile_context>

<pallas_src>
import functools

import jax
import jax.numpy as jnp
from jax import lax
from jax.experimental import pallas as pl
from jax.experimental.pallas import tpu as pltpu
from jax.experimental.pallas import tpu_sc as plsc

N_NODES = 10000
NODE_DIM = 128
EDGE_DIM = 16
HIDDEN_DIM = 128
N_EDGES = 320000

NC = 2
NS = 16
NW = NC * NS
PHASE_EPW = (5000, 5000)
P = len(PHASE_EPW)
CH = 128
STRIPE = 1000
KG = 6
KS = 3


def _split(epw, per_iter):
    outer = epw // per_iter
    rem = epw - outer * per_iter
    tail = []
    while rem >= CH:
        tail.append(CH)
        rem -= CH
    if rem:
        assert rem % 8 == 0
        tail.append(rem)
    return outer, tuple(tail)


@functools.cache
def _make_sc_gather(epw):
    outer, tail = _split(epw, KG * CH)
    mesh = plsc.VectorSubcoreMesh(core_axis_name="c", subcore_axis_name="s")

    def body_fn(x_hbm, src_hbm, out_hbm, idx_v, rows_v, sem):
        wid = lax.axis_index("s") * NC + lax.axis_index("c")

        def step(base, chunks):
            n = sum(chunks)
            pltpu.sync_copy(src_hbm.at[pl.ds(base, n)], idx_v.at[pl.ds(0, n)])
            cps, off = [], 0
            for c in chunks:
                cps.append(
                    pltpu.async_copy(
                        x_hbm.at[idx_v.at[pl.ds(off, c)]],
                        rows_v.at[pl.ds(off, c)],
                        sem,
                    )
                )
                off += c
            for cp in cps:
                cp.wait()
            pltpu.sync_copy(rows_v.at[pl.ds(0, n)], out_hbm.at[pl.ds(base, n)])

        def body(j, carry):
            step(wid * epw + j * (KG * CH), (CH,) * KG)
            return carry

        lax.fori_loop(0, outer, body, 0)
        if tail:
            step(wid * epw + outer * KG * CH, tail)

    return pl.kernel(
        body_fn,
        mesh=mesh,
        out_type=jax.ShapeDtypeStruct((epw * NW, NODE_DIM), jnp.float32),
        scratch_types=[
            pltpu.VMEM((KG * CH,), jnp.int32),
            pltpu.VMEM((KG * CH, NODE_DIM), jnp.float32),
            pltpu.SemaphoreType.DMA,
        ],
    )


@functools.cache
def _make_sc_scatter(epw):
    outer, tail = _split(epw, KS * CH)
    mesh = plsc.VectorSubcoreMesh(core_axis_name="c", subcore_axis_name="s")

    def body_fn(msg_hbm, dst_hbm, zero_hbm, out_hbm, idx_vs, idx_t, rows_v, agg_sh, isem):
        cid = lax.axis_index("c")
        sid = lax.axis_index("s")
        wid = sid * NC + cid
        @pl.when(sid < N_NODES // STRIPE)
        def _():
            pltpu.sync_copy(
                zero_hbm.at[pl.ds(sid * STRIPE, STRIPE)],
                agg_sh.at[pl.ds(sid * STRIPE, STRIPE)],
            )

        plsc.subcore_barrier()

        def step(base, bufs):
            n = sum(b.shape[0] for b in bufs)
            icps, off = [], 0
            for b in bufs:
                icps.append(
                    pltpu.async_copy(
                        dst_hbm.at[pl.ds(base + off, b.shape[0])], b, isem
                    )
                )
                off += b.shape[0]
            pltpu.sync_copy(msg_hbm.at[pl.ds(base, n)], rows_v.at[pl.ds(0, n)])
            for cp in icps:
                cp.wait()
            off = 0
            for b in bufs:
                pltpu.sync_copy(
                    rows_v.at[pl.ds(off, b.shape[0])], agg_sh.at[b], add=True
                )
                off += b.shape[0]

        def body(j, carry):
            step(wid * epw + j * (KS * CH), idx_vs)
            return carry

        lax.fori_loop(0, outer, body, 0)
        if tail:
            step(wid * epw + outer * (KS * CH), idx_t)
        plsc.subcore_barrier()

        @pl.when(sid < N_NODES // STRIPE)
        def _():
            pltpu.sync_copy(
                agg_sh.at[pl.ds(sid * STRIPE, STRIPE)],
                out_hbm.at[pl.ds(cid * N_NODES + sid * STRIPE, STRIPE)],
            )

    return pl.kernel(
        body_fn,
        mesh=mesh,
        out_type=jax.ShapeDtypeStruct((NC * N_NODES, HIDDEN_DIM), jnp.float32),
        scratch_types=[
            [pltpu.VMEM((CH,), jnp.int32) for _ in range(KS)],
            [pltpu.VMEM((c,), jnp.int32) for c in tail],
            pltpu.VMEM((KS * CH, HIDDEN_DIM), jnp.float32),
            pltpu.VMEM_SHARED((N_NODES, HIDDEN_DIM), jnp.float32),
            pltpu.SemaphoreType.DMA,
        ],
    )


def _mlp_body(gx_ref, ea_ref, w1x_ref, w1e_ref, b1_ref, w2_ref, b2_ref, out_ref):
    gx = gx_ref[...].astype(jnp.bfloat16)
    ea_t = ea_ref[...].astype(jnp.bfloat16)
    h = jnp.dot(gx, w1x_ref[...], preferred_element_type=jnp.float32)
    h = h + lax.dot_general(
        ea_t,
        w1e_ref[...],
        dimension_numbers=(((0,), (0,)), ((), ())),
        preferred_element_type=jnp.float32,
    )
    h = jnp.maximum(h + b1_ref[...], 0.0).astype(jnp.bfloat16)
    out_ref[...] = (
        jnp.dot(h, w2_ref[...], preferred_element_type=jnp.float32) + b2_ref[...]
    )


def _gru_body(*refs):
    part_refs = refs[: 2 * P]
    x_ref, wih_ref, whh_ref, bih_ref, bhh_ref, out_ref = refs[2 * P :]
    agg = part_refs[0][...]
    for r in part_refs[1:]:
        agg = agg + r[...]
    x = x_ref[...]
    gi = jnp.dot(agg, wih_ref[...], preferred_element_type=jnp.float32) + bih_ref[...]
    gh = jnp.dot(x, whh_ref[...], preferred_element_type=jnp.float32) + bhh_ref[...]
    i_r = gi[:, :NODE_DIM]
    i_z = gi[:, NODE_DIM : 2 * NODE_DIM]
    i_n = gi[:, 2 * NODE_DIM :]
    h_r = gh[:, :NODE_DIM]
    h_z = gh[:, NODE_DIM : 2 * NODE_DIM]
    h_n = gh[:, 2 * NODE_DIM :]
    r = jax.nn.sigmoid(i_r + h_r)
    z = jax.nn.sigmoid(i_z + h_z)
    n = jnp.tanh(i_n + r * h_n)
    out_ref[...] = (1.0 - z) * n + z * x


BE = 6400
BN = 2000


def kernel(x, edge_index, edge_attr, W1, b1, W2, b2, W_ih, b_ih, W_hh, b_hh):
    src = edge_index[0].astype(jnp.int32)
    dst = edge_index[1].astype(jnp.int32)
    ea_t = edge_attr.T

    w1x_t = W1[:, :NODE_DIM].T.astype(jnp.bfloat16)
    w1e_t = W1[:, NODE_DIM:].T.astype(jnp.bfloat16)
    w2_t = W2.T.astype(jnp.bfloat16)
    zero = jnp.zeros((N_NODES, HIDDEN_DIM), jnp.float32)

    def mlp(gathered, edge_base, n_edges):
        return pl.pallas_call(
            _mlp_body,
            grid=(n_edges // BE,),
            in_specs=[
                pl.BlockSpec((BE, NODE_DIM), lambda i: (i, 0)),
                pl.BlockSpec(
                    (EDGE_DIM, BE), lambda i, b=edge_base // BE: (0, b + i)
                ),
                pl.BlockSpec((NODE_DIM, HIDDEN_DIM), lambda i: (0, 0)),
                pl.BlockSpec((EDGE_DIM, HIDDEN_DIM), lambda i: (0, 0)),
                pl.BlockSpec((1, HIDDEN_DIM), lambda i: (0, 0)),
                pl.BlockSpec((HIDDEN_DIM, HIDDEN_DIM), lambda i: (0, 0)),
                pl.BlockSpec((1, HIDDEN_DIM), lambda i: (0, 0)),
            ],
            out_specs=pl.BlockSpec((BE, HIDDEN_DIM), lambda i: (i, 0)),
            out_shape=jax.ShapeDtypeStruct((n_edges, HIDDEN_DIM), jnp.float32),
        )(
            gathered,
            ea_t,
            w1x_t,
            w1e_t,
            b1.reshape(1, HIDDEN_DIM),
            w2_t,
            b2.reshape(1, HIDDEN_DIM),
        )

    partials = []
    edge_base = 0
    for epw in PHASE_EPW:
        ep = epw * NW
        src_p = lax.dynamic_slice_in_dim(src, edge_base, ep)
        dst_p = lax.dynamic_slice_in_dim(dst, edge_base, ep)
        gathered = _make_sc_gather(epw)(x, src_p)
        messages = mlp(gathered, edge_base, ep)
        agg2 = _make_sc_scatter(epw)(messages, dst_p, zero)
        partials.append(agg2)
        edge_base += ep

    gru_in_specs = []
    gru_args = []
    for agg2 in partials:
        for half in range(NC):
            gru_in_specs.append(
                pl.BlockSpec(
                    (BN, HIDDEN_DIM),
                    lambda i, h=half: (h * (N_NODES // BN) + i, 0),
                )
            )
            gru_args.append(agg2)
    gru_in_specs += [
        pl.BlockSpec((BN, NODE_DIM), lambda i: (i, 0)),
        pl.BlockSpec((HIDDEN_DIM, 3 * NODE_DIM), lambda i: (0, 0)),
        pl.BlockSpec((NODE_DIM, 3 * NODE_DIM), lambda i: (0, 0)),
        pl.BlockSpec((1, 3 * NODE_DIM), lambda i: (0, 0)),
        pl.BlockSpec((1, 3 * NODE_DIM), lambda i: (0, 0)),
    ]
    gru_args += [
        x,
        W_ih.T,
        W_hh.T,
        b_ih.reshape(1, 3 * NODE_DIM),
        b_hh.reshape(1, 3 * NODE_DIM),
    ]

    x_new = pl.pallas_call(
        _gru_body,
        grid=(N_NODES // BN,),
        in_specs=gru_in_specs,
        out_specs=pl.BlockSpec((BN, NODE_DIM), lambda i: (i, 0)),
        out_shape=jax.ShapeDtypeStruct((N_NODES, NODE_DIM), jnp.float32),
    )(*gru_args)
    return x_new

# --- scband reference (transcript-rebuilt; emitter-appended) ---
"""Pipeline reference for scband-mpnnlayer-77326591197521 (READ-ONLY COPY).

The authoritative reference and input builder live on the scoring server;
editing this copy changes nothing except your own understanding.
"""

import jax, jax.numpy as jnp
import numpy as np

NODE_DIM = 128
EDGE_DIM = 16
HIDDEN_DIM = 128
N_NODES = 10000
N_EDGES = 320000


def setup_inputs(seed: int = 0) -> dict:
    key = jax.random.key(seed)
    ks = jax.random.split(key, 12)
    x = jax.random.normal(ks[0], (N_NODES, NODE_DIM), dtype=jnp.float32)
    edge_index = jax.random.randint(ks[1], (2, N_EDGES), 0, N_NODES, dtype=jnp.int64)
    edge_attr = jax.random.normal(ks[2], (N_EDGES, EDGE_DIM), dtype=jnp.float32)
    # message_fn: Linear(node+edge -> hidden), ReLU, Linear(hidden -> hidden)
    s1 = 1.0 / np.sqrt(NODE_DIM + EDGE_DIM)
    W1 = jax.random.uniform(ks[3], (HIDDEN_DIM, NODE_DIM + EDGE_DIM), minval=-s1, maxval=s1, dtype=jnp.float32)
    b1 = jax.random.uniform(ks[4], (HIDDEN_DIM,), minval=-s1, maxval=s1, dtype=jnp.float32)
    s2 = 1.0 / np.sqrt(HIDDEN_DIM)
    W2 = jax.random.uniform(ks[5], (HIDDEN_DIM, HIDDEN_DIM), minval=-s2, maxval=s2, dtype=jnp.float32)
    b2 = jax.random.uniform(ks[6], (HIDDEN_DIM,), minval=-s2, maxval=s2, dtype=jnp.float32)
    # GRUCell(input_size=HIDDEN_DIM, hidden_size=NODE_DIM)
    sg = 1.0 / np.sqrt(NODE_DIM)
    W_ih = jax.random.uniform(ks[7], (3 * NODE_DIM, HIDDEN_DIM), minval=-sg, maxval=sg, dtype=jnp.float32)
    b_ih = jax.random.uniform(ks[8], (3 * NODE_DIM,), minval=-sg, maxval=sg, dtype=jnp.float32)
    W_hh = jax.random.uniform(ks[9], (3 * NODE_DIM, NODE_DIM), minval=-sg, maxval=sg, dtype=jnp.float32)
    b_hh = jax.random.uniform(ks[10], (3 * NODE_DIM,), minval=-sg, maxval=sg, dtype=jnp.float32)
    return {"x": x, "edge_index": edge_index, "edge_attr": edge_attr,
            "W1": W1, "b1": b1, "W2": W2, "b2": b2,
            "W_ih": W_ih, "b_ih": b_ih, "W_hh": W_hh, "b_hh": b_hh}


def reference(x, edge_index, edge_attr, W1, b1, W2, b2, W_ih, b_ih, W_hh, b_hh):
    src = edge_index[0]
    dst = edge_index[1]
    # message_fn
    msg_input = jnp.concatenate([jnp.take(x, src, axis=0), edge_attr], axis=-1)
    h = jnp.maximum(msg_input @ W1.T + b1, 0.0)
    messages = h @ W2.T + b2
    # scatter-add aggregation (index_add_)
    agg = jnp.zeros((x.shape[0], messages.shape[1]), dtype=x.dtype).at[dst].add(messages)
    # GRUCell update: input=agg, hidden=x
    gi = agg @ W_ih.T + b_ih
    gh = x @ W_hh.T + b_hh
    i_r, i_z, i_n = jnp.split(gi, 3, axis=-1)
    h_r, h_z, h_n = jnp.split(gh, 3, axis=-1)
    r = jax.nn.sigmoid(i_r + h_r)
    z = jax.nn.sigmoid(i_z + h_z)
    n = jnp.tanh(i_n + r * h_n)
    x_new = (1.0 - z) * n + z * x
    return x_new

if __name__ == "__main__":
    import jax
    _d = setup_inputs()
    print(jax.jit(kernel)(*tuple(_d.values())))

</pallas_src>

<mosaic_0001>
#map = affine_map<(d0, d1) -> (0, 0)>
#map1 = affine_map<(d0, d1) -> (0)>
module attributes {stable_mosaic.version = 14 : i64} {
  func.func @body_fn(%arg0: i32, %arg1: i32, %arg2: memref<10000x128xf32, #tpu.memory_space<hbm>>, %arg3: memref<160000xi32, #tpu.memory_space<hbm>>, %arg4: memref<160000x128xf32, #tpu.memory_space<hbm>>, %arg5: memref<768xi32, #tpu.memory_space<vmem>>, %arg6: memref<768x128xf32, #tpu.memory_space<vmem>>, %arg7: memref<!tpu.dma_semaphore, #tpu.memory_space<semaphore_mem>>) attributes {dimension_semantics = [#tpu.dimension_semantics<core_parallel>, #tpu.dimension_semantics<subcore_parallel>], iteration_bounds = array<i64: 2, 16>, scalar_prefetch = 0 : i64, scratch_operands = 3 : i64, tpu.core_type = #tpu.core_type<sc_vector_subcore>, window_params = [{transform_indices = #map}, {transform_indices = #map1}, {transform_indices = #map}]} {
    %mul3A = arith.constant 2 : i32
    %mul3A_0 = arith.muli %arg1, %mul3A : i32
    %add3A = arith.addi %mul3A_0, %arg0 : i32
    %scan3A = arith.constant 0 : i32
    %scan3A_1 = arith.constant 0 : i32
    %scan3A_2 = arith.constant 6 : i32
    %scan3A_3 = arith.addi %scan3A_1, %scan3A_2 : i32
    %scan3A_4 = arith.constant 1 : i32
    scf.for %scan3A_72 = %scan3A_1 to %scan3A_3 step %scan3A_4  : i32 {
      %mul3A_73 = arith.constant 5000 : i32
      %mul3A_74 = arith.muli %add3A, %mul3A_73 : i32
      %mul3A_75 = arith.constant 768 : i32
      %mul3A_76 = arith.muli %scan3A_72, %mul3A_75 : i32
      %add3A_77 = arith.addi %mul3A_74, %mul3A_76 : i32
      "tpu.region"() ({
        %run_scoped3A = tpu.sem_alloc : memref<!tpu.dma_semaphore, #tpu.memory_space<semaphore_mem>>
        %dma_start3A_174 = arith.constant 0 : i32
        %dma_start3A_175 = tpu.memref_slice %arg5[%dma_start3A_174] : memref<768xi32, #tpu.memory_space<vmem>> -> memref<768xi32, #tpu.memory_space<vmem>>
        %dma_start3A_176 = tpu.memref_slice %arg3[%add3A_77] : memref<160000xi32, #tpu.memory_space<hbm>> -> memref<768xi32, #tpu.memory_space<hbm>>
        %dma_start3A_177 = arith.constant 0 : i32
        %dma_start3A_178 = tpu.memref_slice %arg5[%dma_start3A_177] : memref<768xi32, #tpu.memory_space<vmem>> -> memref<768xi32, #tpu.memory_space<vmem>>
        %dma_start3A_179 = tpu.memref_slice %arg3[%add3A_77] : memref<160000xi32, #tpu.memory_space<hbm>> -> memref<768xi32, #tpu.memory_space<hbm>>
        tpu.enqueue_dma source(%dma_start3A_179 : memref<768xi32, #tpu.memory_space<hbm>>) target(%dma_start3A_178 : memref<768xi32, #tpu.memory_space<vmem>>) target_semaphore(%run_scoped3A : memref<!tpu.dma_semaphore, #tpu.memory_space<semaphore_mem>>)
        %dma_wait3A_180 = arith.constant 0 : i32
        %dma_wait3A_181 = tpu.memref_slice %arg5[%dma_wait3A_180] : memref<768xi32, #tpu.memory_space<vmem>> -> memref<768xi32, #tpu.memory_space<vmem>>
        %dma_wait3A_182 = tpu.memref_slice %arg3[%add3A_77] : memref<160000xi32, #tpu.memory_space<hbm>> -> memref<768xi32, #tpu.memory_space<hbm>>
        %dma_wait3A_183 = arith.constant 0 : i32
        %dma_wait3A_184 = tpu.memref_slice %arg5[%dma_wait3A_183] : memref<768xi32, #tpu.memory_space<vmem>> -> memref<768xi32, #tpu.memory_space<vmem>>
        %dma_wait3A_185 = tpu.memref_slice %arg3[%add3A_77] : memref<160000xi32, #tpu.memory_space<hbm>> -> memref<768xi32, #tpu.memory_space<hbm>>
        tpu.wait_dma2 semaphore(%run_scoped3A : memref<!tpu.dma_semaphore, #tpu.memory_space<semaphore_mem>>) src(%dma_wait3A_185 : memref<768xi32, #tpu.memory_space<hbm>>) dst(%dma_wait3A_184 : memref<768xi32, #tpu.memory_space<vmem>>)
        tpu.yield
      }) : () -> ()
      %dma_start3A_78 = arith.constant 0 : i32
      %dma_start3A_79 = arith.constant 0 : i32
      %dma_start3A_80 = tpu.memref_slice %arg6[%dma_start3A_78, %dma_start3A_79] : memref<768x128xf32, #tpu.memory_space<vmem>> -> memref<128x128xf32, #tpu.memory_space<vmem>>
      %dma_start3A_81 = arith.constant 0 : i32
      %dma_start3A_82 = tpu.memref_slice %arg5[%dma_start3A_81] : memref<768xi32, #tpu.memory_space<vmem>> -> memref<128xi32, #tpu.memory_space<vmem>>
      %dma_start3A_83 = arith.constant 0 : i32
      %dma_start3A_84 = arith.constant 0 : i32
      %dma_start3A_85 = tpu.memref_slice %arg2[%dma_start3A_83, %dma_start3A_84] : memref<10000x128xf32, #tpu.memory_space<hbm>> -> memref<10000x128xf32, #tpu.memory_space<hbm>>
      tpu.enqueue_indirect_dma source(%dma_start3A_85 : memref<10000x128xf32, #tpu.memory_space<hbm>>) target(%dma_start3A_80 : memref<128x128xf32, #tpu.memory_space<vmem>>) offsets(%dma_start3A_82 : memref<128xi32, #tpu.memory_space<vmem>>) semaphore(%arg7 : memref<!tpu.dma_semaphore, #tpu.memory_space<semaphore_mem>>)
      %dma_start3A_86 = arith.constant 128 : i32
      %dma_start3A_87 = arith.constant 0 : i32
      %dma_start3A_88 = tpu.memref_slice %arg6[%dma_start3A_86, %dma_start3A_87] : memref<768x128xf32, #tpu.memory_space<vmem>> -> memref<128x128xf32, #tpu.memory_space<vmem>>
      %dma_start3A_89 = arith.constant 128 : i32
      %dma_start3A_90 = tpu.memref_slice %arg5[%dma_start3A_89] : memref<768xi32, #tpu.memory_space<vmem>> -> memref<128xi32, #tpu.memory_space<vmem>>
      %dma_start3A_91 = arith.constant 0 : i32
      %dma_start3A_92 = arith.constant 0 : i32
      %dma_start3A_93 = tpu.memref_slice %arg2[%dma_start3A_91, %dma_start3A_92] : memref<10000x128xf32, #tpu.memory_space<hbm>> -> memref<10000x128xf32, #tpu.memory_space<hbm>>
      tpu.enqueue_indirect_dma source(%dma_start3A_93 : memref<10000x128xf32, #tpu.memory_space<hbm>>) target(%dma_start3A_88 : memref<128x128xf32, #tpu.memory_space<vmem>>) offsets(%dma_start3A_90 : memref<128xi32, #tpu.memory_space<vmem>>) semaphore(%arg7 : memref<!tpu.dma_semaphore, #tpu.memory_space<semaphore_mem>>)
      %dma_start3A_94 = arith.constant 256 : i32
      %dma_start3A_95 = arith.constant 0 : i32
      %dma_start3A_96 = tpu.memref_slice %arg6[%dma_start3A_94, %dma_start3A_95] : memref<768x128xf32, #tpu.memory_space<vmem>> -> memref<128x128xf32, #tpu.memory_space<vmem>>
      %dma_start3A_97 = arith.constant 256 : i32
      %dma_start3A_98 = tpu.memref_slice %arg5[%dma_start3A_97] : memref<768xi32, #tpu.memory_space<vmem>> -> memref<128xi32, #tpu.memory_space<vmem>>
      %dma_start3A_99 = arith.constant 0 : i32
      %dma_start3A_100 = arith.constant 0 : i32
      %dma_start3A_101 = tpu.memref_slice %arg2[%dma_start3A_99, %dma_start3A_100] : memref<10000x128xf32, #tpu.memory_space<hbm>> -> memref<10000x128xf32, #tpu.memory_space<hbm>>
      tpu.enqueue_indirect_dma source(%dma_start3A_101 : memref<10000x128xf32, #tpu.memory_space<hbm>>) target(%dma_start3A_96 : memref<128x128xf32, #tpu.memory_space<vmem>>) offsets(%dma_start3A_98 : memref<128xi32, #tpu.memory_space<vmem>>) semaphore(%arg7 : memref<!tpu.dma_semaphore, #tpu.memory_space<semaphore_mem>>)
      %dma_start3A_102 = arith.constant 384 : i32
      %dma_start3A_103 = arith.constant 0 : i32
      %dma_start3A_104 = tpu.memref_slice %arg6[%dma_start3A_102, %dma_start3A_103] : memref<768x128xf32, #tpu.memory_space<vmem>> -> memref<128x128xf32, #tpu.memory_space<vmem>>
      %dma_start3A_105 = arith.constant 384 : i32
      %dma_start3A_106 = tpu.memref_slice %arg5[%dma_start3A_105] : memref<768xi32, #tpu.memory_space<vmem>> -> memref<128xi32, #tpu.memory_space<vmem>>
      %dma_start3A_107 = arith.constant 0 : i32
      %dma_start3A_108 = arith.constant 0 : i32
      %dma_start3A_109 = tpu.memref_slice %arg2[%dma_start3A_107, %dma_start3A_108] : memref<10000x128xf32, #tpu.memory_space<hbm>> -> memref<10000x128xf32, #tpu.memory_space<hbm>>
      tpu.enqueue_indirect_dma source(%dma_start3A_109 : memref<10000x128xf32, #tpu.memory_space<hbm>>) target(%dma_start3A_104 : memref<128x128xf32, #tpu.memory_space<vmem>>) offsets(%dma_start3A_106 : memref<128xi32, #tpu.memory_space<vmem>>) semaphore(%arg7 : memref<!tpu.dma_semaphore, #tpu.memory_space<semaphore_mem>>)
      %dma_start3A_110 = arith.constant 512 : i32
      %dma_start3A_111 = arith.constant 0 : i32
      %dma_start3A_112 = tpu.memref_slice %arg6[%dma_start3A_110, %dma_start3A_111] : memref<768x128xf32, #tpu.memory_space<vmem>> -> memref<128x128xf32, #tpu.memory_space<vmem>>
      %dma_start3A_113 = arith.constant 512 : i32
      %dma_start3A_114 = tpu.memref_slice %arg5[%dma_start3A_113] : memref<768xi32, #tpu.memory_space<vmem>> -> memref<128xi32, #tpu.memory_space<vmem>>
      %dma_start3A_115 = arith.constant 0 : i32
      %dma_start3A_116 = arith.constant 0 : i32
      %dma_start3A_117 = tpu.memref_slice %arg2[%dma_start3A_115, %dma_start3A_116] : memref<10000x128xf32, #tpu.memory_space<hbm>> -> memref<10000x128xf32, #tpu.memory_space<hbm>>
      tpu.enqueue_indirect_dma source(%dma_start3A_117 : memref<10000x128xf32, #tpu.memory_space<hbm>>) target(%dma_start3A_112 : memref<128x128xf32, #tpu.memory_space<vmem>>) offsets(%dma_start3A_114 : memref<128xi32, #tpu.memory_space<vmem>>) semaphore(%arg7 : memref<!tpu.dma_semaphore, #tpu.memory_space<semaphore_mem>>)
      %dma_start3A_118 = arith.constant 640 : i32
      %dma_start3A_119 = arith.constant 0 : i32
      %dma_start3A_120 = tpu.memref_slice %arg6[%dma_start3A_118, %dma_start3A_119] : memref<768x128xf32, #tpu.memory_space<vmem>> -> memref<128x128xf32, #tpu.memory_space<vmem>>
      %dma_start3A_121 = arith.constant 640 : i32
      %dma_start3A_122 = tpu.memref_slice %arg5[%dma_start3A_121] : memref<768xi32, #tpu.memory_space<vmem>> -> memref<128xi32, #tpu.memory_space<vmem>>
      %dma_start3A_123 = arith.constant 0 : i32
      %dma_start3A_124 = arith.constant 0 : i32
      %dma_start3A_125 = tpu.memref_slice %arg2[%dma_start3A_123, %dma_start3A_124] : memref<10000x128xf32, #tpu.memory_space<hbm>> -> memref<10000x128xf32, #tpu.memory_space<hbm>>
      tpu.enqueue_indirect_dma source(%dma_start3A_125 : memref<10000x128xf32, #tpu.memory_space<hbm>>) target(%dma_start3A_120 : memref<128x128xf32, #tpu.memory_space<vmem>>) offsets(%dma_start3A_122 : memref<128xi32, #tpu.memory_space<vmem>>) semaphore(%arg7 : memref<!tpu.dma_semaphore, #tpu.memory_space<semaphore_mem>>)
      %dma_wait3A_126 = arith.constant 0 : i32
      %dma_wait3A_127 = arith.constant 0 : i32
      %dma_wait3A_128 = tpu.memref_slice %arg6[%dma_wait3A_126, %dma_wait3A_127] : memref<768x128xf32, #tpu.memory_space<vmem>> -> memref<128x128xf32, #tpu.memory_space<vmem>>
      %dma_wait3A_129 = arith.constant 0 : i32
      %dma_wait3A_130 = tpu.memref_slice %arg5[%dma_wait3A_129] : memref<768xi32, #tpu.memory_space<vmem>> -> memref<128xi32, #tpu.memory_space<vmem>>
      %dma_wait3A_131 = arith.constant 0 : i32
      %dma_wait3A_132 = arith.constant 0 : i32
      %dma_wait3A_133 = tpu.memref_slice %arg2[%dma_wait3A_131, %dma_wait3A_132] : memref<10000x128xf32, #tpu.memory_space<hbm>> -> memref<10000x128xf32, #tpu.memory_space<hbm>>
      tpu.wait_indirect_dma semaphore(%arg7 : memref<!tpu.dma_semaphore, #tpu.memory_space<semaphore_mem>>) src(%dma_wait3A_133 : memref<10000x128xf32, #tpu.memory_space<hbm>>) dst(%dma_wait3A_128 : memref<128x128xf32, #tpu.memory_space<vmem>>)
      %dma_wait3A_134 = arith.constant 128 : i32
      %dma_wait3A_135 = arith.constant 0 : i32
      %dma_wait3A_136 = tpu.memref_slice %arg6[%dma_wait3A_134, %dma_wait3A_135] : memref<768x128xf32, #tpu.memory_space<vmem>> -> memref<128x128xf32, #tpu.memory_space<vmem>>
      %dma_wait3A_137 = arith.constant 128 : i32
      %dma_wait3A_138 = tpu.memref_slice %arg5[%dma_wait3A_137] : memref<768xi32, #tpu.memory_space<vmem>> -> memref<128xi32, #tpu.memory_space<vmem>>
      %dma_wait3A_139 = arith.constant 0 : i32
      %dma_wait3A_140 = arith.constant 0 : i32
      %dma_wait3A_141 = tpu.memref_slice %arg2[%dma_wait3A_139, %dma_wait3A_140] : memref<10000x128xf32, #tpu.memory_space<hbm>> -> memref<10000x128xf32, #tpu.memory_space<hbm>>
      tpu.wait_indirect_dma semaphore(%arg7 : memref<!tpu.dma_semaphore, #tpu.memory_space<semaphore_mem>>) src(%dma_wait3A_141 : memref<10000x128xf32, #tpu.memory_space<hbm>>) dst(%dma_wait3A_136 : memref<128x128xf32, #tpu.memory_space<vmem>>)
      %dma_wait3A_142 = arith.constant 256 : i32
      %dma_wait3A_143 = arith.constant 0 : i32
      %dma_wait3A_144 = tpu.memref_slice %arg6[%dma_wait3A_142, %dma_wait3A_143] : memref<768x128xf32, #tpu.memory_space<vmem>> -> memref<128x128xf32, #tpu.memory_space<vmem>>
      %dma_wait3A_145 = arith.constant 256 : i32
      %dma_wait3A_146 = tpu.memref_slice %arg5[%dma_wait3A_145] : memref<768xi32, #tpu.memory_space<vmem>> -> memref<128xi32, #tpu.memory_space<vmem>>
      %dma_wait3A_147 = arith.constant 0 : i32
      %dma_wait3A_148 = arith.constant 0 : i32
      %dma_wait3A_149 = tpu.memref_slice %arg2[%dma_wait3A_147, %dma_wait3A_148] : memref<10000x128xf32, #tpu.memory_space<hbm>> -> memref<10000x128xf32, #tpu.memory_space<hbm>>
      tpu.wait_indirect_dma semaphore(%arg7 : memref<!tpu.dma_semaphore, #tpu.memory_space<semaphore_mem>>) src(%dma_wait3A_149 : memref<10000x128xf32, #tpu.memory_space<hbm>>) dst(%dma_wait3A_144 : memref<128x128xf32, #tpu.memory_space<vmem>>)
      %dma_wait3A_150 = arith.constant 384 : i32
      %dma_wait3A_151 = arith.constant 0 : i32
      %dma_wait3A_152 = tpu.memref_slice %arg6[%dma_wait3A_150, %dma_wait3A_151] : memref<768x128xf32, #tpu.memory_space<vmem>> -> memref<128x128xf32, #tpu.memory_space<vmem>>
      %dma_wait3A_153 = arith.constant 384 : i32
      %dma_wait3A_154 = tpu.memref_slice %arg5[%dma_wait3A_153] : memref<768xi32, #tpu.memory_space<vmem>> -> memref<128xi32, #tpu.memory_space<vmem>>
      %dma_wait3A_155 = arith.constant 0 : i32
      %dma_wait3A_156 = arith.constant 0 : i32
      %dma_wait3A_157 = tpu.memref_slice %arg2[%dma_wait3A_155, %dma_wait3A_156] : memref<10000x128xf32, #tpu.memory_space<hbm>> -> memref<10000x128xf32, #tpu.memory_space<hbm>>
      tpu.wait_indirect_dma semaphore(%arg7 : memref<!tpu.dma_semaphore, #tpu.memory_space<semaphore_mem>>) src(%dma_wait3A_157 : memref<10000x128xf32, #tpu.memory_space<hbm>>) dst(%dma_wait3A_152 : memref<128x128xf32, #tpu.memory_space<vmem>>)
      %dma_wait3A_158 = arith.constant 512 : i32
      %dma_wait3A_159 = arith.constant 0 : i32
      %dma_wait3A_160 = tpu.memref_slice %arg6[%dma_wait3A_158, %dma_wait3A_159] : memref<768x128xf32, #tpu.memory_space<vmem>> -> memref<128x128xf32, #tpu.memory_space<vmem>>
      %dma_wait3A_161 = arith.constant 512 : i32
      %dma_wait3A_162 = tpu.memref_slice %arg5[%dma_wait3A_161] : memref<768xi32, #tpu.memory_space<vmem>> -> memref<128xi32, #tpu.memory_space<vmem>>
      %dma_wait3A_163 = arith.constant 0 : i32
      %dma_wait3A_164 = arith.constant 0 : i32
      %dma_wait3A_165 = tpu.memref_slice %arg2[%dma_wait3A_163, %dma_wait3A_164] : memref<10000x128xf32, #tpu.memory_space<hbm>> -> memref<10000x128xf32, #tpu.memory_space<hbm>>
      tpu.wait_indirect_dma semaphore(%arg7 : memref<!tpu.dma_semaphore, #tpu.memory_space<semaphore_mem>>) src(%dma_wait3A_165 : memref<10000x128xf32, #tpu.memory_space<hbm>>) dst(%dma_wait3A_160 : memref<128x128xf32, #tpu.memory_space<vmem>>)
      %dma_wait3A_166 = arith.constant 640 : i32
      %dma_wait3A_167 = arith.constant 0 : i32
      %dma_wait3A_168 = tpu.memref_slice %arg6[%dma_wait3A_166, %dma_wait3A_167] : memref<768x128xf32, #tpu.memory_space<vmem>> -> memref<128x128xf32, #tpu.memory_space<vmem>>
      %dma_wait3A_169 = arith.constant 640 : i32
      %dma_wait3A_170 = tpu.memref_slice %arg5[%dma_wait3A_169] : memref<768xi32, #tpu.memory_space<vmem>> -> memref<128xi32, #tpu.memory_space<vmem>>
      %dma_wait3A_171 = arith.constant 0 : i32
      %dma_wait3A_172 = arith.constant 0 : i32
      %dma_wait3A_173 = tpu.memref_slice %arg2[%dma_wait3A_171, %dma_wait3A_172] : memref<10000x128xf32, #tpu.memory_space<hbm>> -> memref<10000x128xf32, #tpu.memory_space<hbm>>
      tpu.wait_indirect_dma semaphore(%arg7 : memref<!tpu.dma_semaphore, #tpu.memory_space<semaphore_mem>>) src(%dma_wait3A_173 : memref<10000x128xf32, #tpu.memory_space<hbm>>) dst(%dma_wait3A_168 : memref<128x128xf32, #tpu.memory_space<vmem>>)
      "tpu.region"() ({
        %run_scoped3A = tpu.sem_alloc : memref<!tpu.dma_semaphore, #tpu.memory_space<semaphore_mem>>
        %dma_start3A_174 = arith.constant 0 : i32
        %dma_start3A_175 = arith.constant 0 : i32
        %dma_start3A_176 = tpu.memref_slice %arg6[%dma_start3A_174, %dma_start3A_175] : memref<768x128xf32, #tpu.memory_space<vmem>> -> memref<768x128xf32, #tpu.memory_space<vmem>>
        %dma_start3A_177 = arith.constant 0 : i32
        %dma_start3A_178 = tpu.memref_slice %arg4[%add3A_77, %dma_start3A_177] : memref<160000x128xf32, #tpu.memory_space<hbm>> -> memref<768x128xf32, #tpu.memory_space<hbm>>
        %dma_start3A_179 = arith.constant 0 : i32
        %dma_start3A_180 = tpu.memref_slice %arg4[%add3A_77, %dma_start3A_179] : memref<160000x128xf32, #tpu.memory_space<hbm>> -> memref<768x128xf32, #tpu.memory_space<hbm>>
        %dma_start3A_181 = arith.constant 0 : i32
        %dma_start3A_182 = arith.constant 0 : i32
        %dma_start3A_183 = tpu.memref_slice %arg6[%dma_start3A_181, %dma_start3A_182] : memref<768x128xf32, #tpu.memory_space<vmem>> -> memref<768x128xf32, #tpu.memory_space<vmem>>
        tpu.enqueue_dma source(%dma_start3A_183 : memref<768x128xf32, #tpu.memory_space<vmem>>) target(%dma_start3A_180 : memref<768x128xf32, #tpu.memory_space<hbm>>) target_semaphore(%run_scoped3A : memref<!tpu.dma_semaphore, #tpu.memory_space<semaphore_mem>>)
        %dma_wait3A_184 = arith.constant 0 : i32
        %dma_wait3A_185 = arith.constant 0 : i32
        %dma_wait3A_186 = tpu.memref_slice %arg6[%dma_wait3A_184, %dma_wait3A_185] : memref<768x128xf32, #tpu.memory_space<vmem>> -> memref<768x128xf32, #tpu.memory_space<vmem>>
        %dma_wait3A_187 = arith.constant 0 : i32
        %dma_wait3A_188 = tpu.memref_slice %arg4[%add3A_77, %dma_wait3A_187] : memref<160000x128xf32, #tpu.memory_space<hbm>> -> memref<768x128xf32, #tpu.memory_space<hbm>>
        %dma_wait3A_189 = arith.constant 0 : i32
        %dma_wait3A_190 = tpu.memref_slice %arg4[%add3A_77, %dma_wait3A_189] : memref<160000x128xf32, #tpu.memory_space<hbm>> -> memref<768x128xf32, #tpu.memory_space<hbm>>
        %dma_wait3A_191 = arith.constant 0 : i32
        %dma_wait3A_192 = arith.constant 0 : i32
        %dma_wait3A_193 = tpu.memref_slice %arg6[%dma_wait3A_191, %dma_wait3A_192] : memref<768x128xf32, #tpu.memory_space<vmem>> -> memref<768x128xf32, #tpu.memory_space<vmem>>
        tpu.wait_dma2 semaphore(%run_scoped3A : memref<!tpu.dma_semaphore, #tpu.memory_space<semaphore_mem>>) src(%dma_wait3A_193 : memref<768x128xf32, #tpu.memory_space<vmem>>) dst(%dma_wait3A_190 : memref<768x128xf32, #tpu.memory_space<hbm>>)
        tpu.yield
      }) : () -> ()
    }
    %scan3A_5 = arith.constant 6 : i32
    %mul3A_6 = arith.constant 5000 : i32
    %mul3A_7 = arith.muli %add3A, %mul3A_6 : i32
    %add3A_8 = arith.constant 4608 : i32
    %add3A_9 = arith.addi %mul3A_7, %add3A_8 : i32
    "tpu.region"() ({
      %run_scoped3A = tpu.sem_alloc : memref<!tpu.dma_semaphore, #tpu.memory_space<semaphore_mem>>
      %dma_start3A_72 = arith.constant 0 : i32
      %dma_start3A_73 = tpu.memref_slice %arg5[%dma_start3A_72] : memref<768xi32, #tpu.memory_space<vmem>> -> memref<392xi32, #tpu.memory_space<vmem>>
      %dma_start3A_74 = tpu.memref_slice %arg3[%add3A_9] : memref<160000xi32, #tpu.memory_space<hbm>> -> memref<392xi32, #tpu.memory_space<hbm>>
      %dma_start3A_75 = arith.constant 0 : i32
      %dma_start3A_76 = tpu.memref_slice %arg5[%dma_start3A_75] : memref<768xi32, #tpu.memory_space<vmem>> -> memref<392xi32, #tpu.memory_space<vmem>>
      %dma_start3A_77 = tpu.memref_slice %arg3[%add3A_9] : memref<160000xi32, #tpu.memory_space<hbm>> -> memref<392xi32, #tpu.memory_space<hbm>>
      tpu.enqueue_dma source(%dma_start3A_77 : memref<392xi32, #tpu.memory_space<hbm>>) target(%dma_start3A_76 : memref<392xi32, #tpu.memory_space<vmem>>) target_semaphore(%run_scoped3A : memref<!tpu.dma_semaphore, #tpu.memory_space<semaphore_mem>>)
      %dma_wait3A_78 = arith.constant 0 : i32
      %dma_wait3A_79 = tpu.memref_slice %arg5[%dma_wait3A_78] : memref<768xi32, #tpu.memory_space<vmem>> -> memref<392xi32, #tpu.memory_space<vmem>>
      %dma_wait3A_80 = tpu.memref_slice %arg3[%add3A_9] : memref<160000xi32, #tpu.memory_space<hbm>> -> memref<392xi32, #tpu.memory_space<hbm>>
      %dma_wait3A_81 = arith.constant 0 : i32
      %dma_wait3A_82 = tpu.memref_slice %arg5[%dma_wait3A_81] : memref<768xi32, #tpu.memory_space<vmem>> -> memref<392xi32, #tpu.memory_space<vmem>>
      %dma_wait3A_83 = tpu.memref_slice %arg3[%add3A_9] : memref<160000xi32, #tpu.memory_space<hbm>> -> memref<392xi32, #tpu.memory_space<hbm>>
      tpu.wait_dma2 semaphore(%run_scoped3A : memref<!tpu.dma_semaphore, #tpu.memory_space<semaphore_mem>>) src(%dma_wait3A_83 : memref<392xi32, #tpu.memory_space<hbm>>) dst(%dma_wait3A_82 : memref<392xi32, #tpu.memory_space<vmem>>)
      tpu.yield
    }) : () -> ()
    %dma_start3A = arith.constant 0 : i32
    %dma_start3A_10 = arith.constant 0 : i32
    %dma_start3A_11 = tpu.memref_slice %arg6[%dma_start3A, %dma_start3A_10] : memref<768x128xf32, #tpu.memory_space<vmem>> -> memref<128x128xf32, #tpu.memory_space<vmem>>
    %dma_start3A_12 = arith.constant 0 : i32
    %dma_start3A_13 = tpu.memref_slice %arg5[%dma_start3A_12] : memref<768xi32, #tpu.memory_space<vmem>> -> memref<128xi32, #tpu.memory_space<vmem>>
    %dma_start3A_14 = arith.constant 0 : i32
    %dma_start3A_15 = arith.constant 0 : i32
    %dma_start3A_16 = tpu.memref_slice %arg2[%dma_start3A_14, %dma_start3A_15] : memref<10000x128xf32, #tpu.memory_space<hbm>> -> memref<10000x128xf32, #tpu.memory_space<hbm>>
    tpu.enqueue_indirect_dma source(%dma_start3A_16 : memref<10000x128xf32, #tpu.memory_space<hbm>>) target(%dma_start3A_11 : memref<128x128xf32, #tpu.memory_space<vmem>>) offsets(%dma_start3A_13 : memref<128xi32, #tpu.memory_space<vmem>>) semaphore(%arg7 : memref<!tpu.dma_semaphore, #tpu.memory_space<semaphore_mem>>)
    %dma_start3A_17 = arith.constant 128 : i32
    %dma_start3A_18 = arith.constant 0 : i32
    %dma_start3A_19 = tpu.memref_slice %arg6[%dma_start3A_17, %dma_start3A_18] : memref<768x128xf32, #tpu.memory_space<vmem>> -> memref<128x128xf32, #tpu.memory_space<vmem>>
    %dma_start3A_20 = arith.constant 128 : i32
    %dma_start3A_21 = tpu.memref_slice %arg5[%dma_start3A_20] : memref<768xi32, #tpu.memory_space<vmem>> -> memref<128xi32, #tpu.memory_space<vmem>>
    %dma_start3A_22 = arith.constant 0 : i32
    %dma_start3A_23 = arith.constant 0 : i32
    %dma_start3A_24 = tpu.memref_slice %arg2[%dma_start3A_22, %dma_start3A_23] : memref<10000x128xf32, #tpu.memory_space<hbm>> -> memref<10000x128xf32, #tpu.memory_space<hbm>>
    tpu.enqueue_indirect_dma source(%dma_start3A_24 : memref<10000x128xf32, #tpu.memory_space<hbm>>) target(%dma_start3A_19 : memref<128x128xf32, #tpu.memory_space<vmem>>) offsets(%dma_start3A_21 : memref<128xi32, #tpu.memory_space<vmem>>) semaphore(%arg7 : memref<!tpu.dma_semaphore, #tpu.memory_space<semaphore_mem>>)
    %dma_start3A_25 = arith.constant 256 : i32
    %dma_start3A_26 = arith.constant 0 : i32
    %dma_start3A_27 = tpu.memref_slice %arg6[%dma_start3A_25, %dma_start3A_26] : memref<768x128xf32, #tpu.memory_space<vmem>> -> memref<128x128xf32, #tpu.memory_space<vmem>>
    %dma_start3A_28 = arith.constant 256 : i32
    %dma_start3A_29 = tpu.memref_slice %arg5[%dma_start3A_28] : memref<768xi32, #tpu.memory_space<vmem>> -> memref<128xi32, #tpu.memory_space<vmem>>
    %dma_start3A_30 = arith.constant 0 : i32
    %dma_start3A_31 = arith.constant 0 : i32
    %dma_start3A_32 = tpu.memref_slice %arg2[%dma_start3A_30, %dma_start3A_31] : memref<10000x128xf32, #tpu.memory_space<hbm>> -> memref<10000x128xf32, #tpu.memory_space<hbm>>
    tpu.enqueue_indirect_dma source(%dma_start3A_32 : memref<10000x128xf32, #tpu.memory_space<hbm>>) target(%dma_start3A_27 : memref<128x128xf32, #tpu.memory_space<vmem>>) offsets(%dma_start3A_29 : memref<128xi32, #tpu.memory_space<vmem>>) semaphore(%arg7 : memref<!tpu.dma_semaphore, #tpu.memory_space<semaphore_mem>>)
    %dma_start3A_33 = arith.constant 384 : i32
    %dma_start3A_34 = arith.constant 0 : i32
    %dma_start3A_35 = tpu.memref_slice %arg6[%dma_start3A_33, %dma_start3A_34] : memref<768x128xf32, #tpu.memory_space<vmem>> -> memref<8x128xf32, #tpu.memory_space<vmem>>
    %dma_start3A_36 = arith.constant 384 : i32
    %dma_start3A_37 = tpu.memref_slice %arg5[%dma_start3A_36] : memref<768xi32, #tpu.memory_space<vmem>> -> memref<8xi32, #tpu.memory_space<vmem>>
    %dma_start3A_38 = arith.constant 0 : i32
    %dma_start3A_39 = arith.constant 0 : i32
    %dma_start3A_40 = tpu.memref_slice %arg2[%dma_start3A_38, %dma_start3A_39] : memref<10000x128xf32, #tpu.memory_space<hbm>> -> memref<10000x128xf32, #tpu.memory_space<hbm>>
    tpu.enqueue_indirect_dma source(%dma_start3A_40 : memref<10000x128xf32, #tpu.memory_space<hbm>>) target(%dma_start3A_35 : memref<8x128xf32, #tpu.memory_space<vmem>>) offsets(%dma_start3A_37 : memref<8xi32, #tpu.memory_space<vmem>>) semaphore(%arg7 : memref<!tpu.dma_semaphore, #tpu.memory_space<semaphore_mem>>)
    %dma_wait3A = arith.constant 0 : i32
    %dma_wait3A_41 = arith.constant 0 : i32
    %dma_wait3A_42 = tpu.memref_slice %arg6[%dma_wait3A, %dma_wait3A_41] : memref<768x128xf32, #tpu.memory_space<vmem>> -> memref<128x128xf32, #tpu.memory_space<vmem>>
    %dma_wait3A_43 = arith.constant 0 : i32
    %dma_wait3A_44 = tpu.memref_slice %arg5[%dma_wait3A_43] : memref<768xi32, #tpu.memory_space<vmem>> -> memref<128xi32, #tpu.memory_space<vmem>>
    %dma_wait3A_45 = arith.constant 0 : i32
    %dma_wait3A_46 = arith.constant 0 : i32
    %dma_wait3A_47 = tpu.memref_slice %arg2[%dma_wait3A_45, %dma_wait3A_46] : memref<10000x128xf32, #tpu.memory_space<hbm>> -> memref<10000x128xf32, #tpu.memory_space<hbm>>
    tpu.wait_indirect_dma semaphore(%arg7 : memref<!tpu.dma_semaphore, #tpu.memory_space<semaphore_mem>>) src(%dma_wait3A_47 : memref<10000x128xf32, #tpu.memory_space<hbm>>) dst(%dma_wait3A_42 : memref<128x128xf32, #tpu.memory_space<vmem>>)
    %dma_wait3A_48 = arith.constant 128 : i32
    %dma_wait3A_49 = arith.constant 0 : i32
    %dma_wait3A_50 = tpu.memref_slice %arg6[%dma_wait3A_48, %dma_wait3A_49] : memref<768x128xf32, #tpu.memory_space<vmem>> -> memref<128x128xf32, #tpu.memory_space<vmem>>
    %dma_wait3A_51 = arith.constant 128 : i32
    %dma_wait3A_52 = tpu.memref_slice %arg5[%dma_wait3A_51] : memref<768xi32, #tpu.memory_space<vmem>> -> memref<128xi32, #tpu.memory_space<vmem>>
    %dma_wait3A_53 = arith.constant 0 : i32
    %dma_wait3A_54 = arith.constant 0 : i32
    %dma_wait3A_55 = tpu.memref_slice %arg2[%dma_wait3A_53, %dma_wait3A_54] : memref<10000x128xf32, #tpu.memory_space<hbm>> -> memref<10000x128xf32, #tpu.memory_space<hbm>>
    tpu.wait_indirect_dma semaphore(%arg7 : memref<!tpu.dma_semaphore, #tpu.memory_space<semaphore_mem>>) src(%dma_wait3A_55 : memref<10000x128xf32, #tpu.memory_space<hbm>>) dst(%dma_wait3A_50 : memref<128x128xf32, #tpu.memory_space<vmem>>)
    %dma_wait3A_56 = arith.constant 256 : i32
    %dma_wait3A_57 = arith.constant 0 : i32
    %dma_wait3A_58 = tpu.memref_slice %arg6[%dma_wait3A_56, %dma_wait3A_57] : memref<768x128xf32, #tpu.memory_space<vmem>> -> memref<128x128xf32, #tpu.memory_space<vmem>>
    %dma_wait3A_59 = arith.constant 256 : i32
    %dma_wait3A_60 = tpu.memref_slice %arg5[%dma_wait3A_59] : memref<768xi32, #tpu.memory_space<vmem>> -> memref<128xi32, #tpu.memory_space<vmem>>
    %dma_wait3A_61 = arith.constant 0 : i32
    %dma_wait3A_62 = arith.constant 0 : i32
    %dma_wait3A_63 = tpu.memref_slice %arg2[%dma_wait3A_61, %dma_wait3A_62] : memref<10000x128xf32, #tpu.memory_space<hbm>> -> memref<10000x128xf32, #tpu.memory_space<hbm>>
    tpu.wait_indirect_dma semaphore(%arg7 : memref<!tpu.dma_semaphore, #tpu.memory_space<semaphore_mem>>) src(%dma_wait3A_63 : memref<10000x128xf32, #tpu.memory_space<hbm>>) dst(%dma_wait3A_58 : memref<128x128xf32, #tpu.memory_space<vmem>>)
    %dma_wait3A_64 = arith.constant 384 : i32
    %dma_wait3A_65 = arith.constant 0 : i32
    %dma_wait3A_66 = tpu.memref_slice %arg6[%dma_wait3A_64, %dma_wait3A_65] : memref<768x128xf32, #tpu.memory_space<vmem>> -> memref<8x128xf32, #tpu.memory_space<vmem>>
    %dma_wait3A_67 = arith.constant 384 : i32
    %dma_wait3A_68 = tpu.memref_slice %arg5[%dma_wait3A_67] : memref<768xi32, #tpu.memory_space<vmem>> -> memref<8xi32, #tpu.memory_space<vmem>>
    %dma_wait3A_69 = arith.constant 0 : i32
    %dma_wait3A_70 = arith.constant 0 : i32
    %dma_wait3A_71 = tpu.memref_slice %arg2[%dma_wait3A_69, %dma_wait3A_70] : memref<10000x128xf32, #tpu.memory_space<hbm>> -> memref<10000x128xf32, #tpu.memory_space<hbm>>
    tpu.wait_indirect_dma semaphore(%arg7 : memref<!tpu.dma_semaphore, #tpu.memory_space<semaphore_mem>>) src(%dma_wait3A_71 : memref<10000x128xf32, #tpu.memory_space<hbm>>) dst(%dma_wait3A_66 : memref<8x128xf32, #tpu.memory_space<vmem>>)
    "tpu.region"() ({
      %run_scoped3A = tpu.sem_alloc : memref<!tpu.dma_semaphore, #tpu.memory_space<semaphore_mem>>
      %dma_start3A_72 = arith.constant 0 : i32
      %dma_start3A_73 = arith.constant 0 : i32
      %dma_start3A_74 = tpu.memref_slice %arg6[%dma_start3A_72, %dma_start3A_73] : memref<768x128xf32, #tpu.memory_space<vmem>> -> memref<392x128xf32, #tpu.memory_space<vmem>>
      %dma_start3A_75 = arith.constant 0 : i32
      %dma_start3A_76 = tpu.memref_slice %arg4[%add3A_9, %dma_start3A_75] : memref<160000x128xf32, #tpu.memory_space<hbm>> -> memref<392x128xf32, #tpu.memory_space<hbm>>
      %dma_start3A_77 = arith.constant 0 : i32
      %dma_start3A_78 = tpu.memref_slice %arg4[%add3A_9, %dma_start3A_77] : memref<160000x128xf32, #tpu.memory_space<hbm>> -> memref<392x128xf32, #tpu.memory_space<hbm>>
      %dma_start3A_79 = arith.constant 0 : i32
      %dma_start3A_80 = arith.constant 0 : i32
      %dma_start3A_81 = tpu.memref_slice %arg6[%dma_start3A_79, %dma_start3A_80] : memref<768x128xf32, #tpu.memory_space<vmem>> -> memref<392x128xf32, #tpu.memory_space<vmem>>
      tpu.enqueue_dma source(%dma_start3A_81 : memref<392x128xf32, #tpu.memory_space<vmem>>) target(%dma_start3A_78 : memref<392x128xf32, #tpu.memory_space<hbm>>) target_semaphore(%run_scoped3A : memref<!tpu.dma_semaphore, #tpu.memory_space<semaphore_mem>>)
      %dma_wait3A_82 = arith.constant 0 : i32
      %dma_wait3A_83 = arith.constant 0 : i32
      %dma_wait3A_84 = tpu.memref_slice %arg6[%dma_wait3A_82, %dma_wait3A_83] : memref<768x128xf32, #tpu.memory_space<vmem>> -> memref<392x128xf32, #tpu.memory_space<vmem>>
      %dma_wait3A_85 = arith.constant 0 : i32
      %dma_wait3A_86 = tpu.memref_slice %arg4[%add3A_9, %dma_wait3A_85] : memref<160000x128xf32, #tpu.memory_space<hbm>> -> memref<392x128xf32, #tpu.memory_space<hbm>>
      %dma_wait3A_87 = arith.constant 0 : i32
      %dma_wait3A_88 = tpu.memref_slice %arg4[%add3A_9, %dma_wait3A_87] : memref<160000x128xf32, #tpu.memory_space<hbm>> -> memref<392x128xf32, #tpu.memory_space<hbm>>
      %dma_wait3A_89 = arith.constant 0 : i32
      %dma_wait3A_90 = arith.constant 0 : i32
      %dma_wait3A_91 = tpu.memref_slice %arg6[%dma_wait3A_89, %dma_wait3A_90] : memref<768x128xf32, #tpu.memory_space<vmem>> -> memref<392x128xf32, #tpu.memory_space<vmem>>
      tpu.wait_dma2 semaphore(%run_scoped3A : memref<!tpu.dma_semaphore, #tpu.memory_space<semaphore_mem>>) src(%dma_wait3A_91 : memref<392x128xf32, #tpu.memory_space<vmem>>) dst(%dma_wait3A_88 : memref<392x128xf32, #tpu.memory_space<hbm>>)
      tpu.yield
    }) : () -> ()
    return
  }
}

#map = affine_map<(d0, d1) -> (0, 0)>
#map1 = affine_map<(d0, d1) -> (0)>
module attributes {stable_mosaic.version = 14 : i64} {
  func.func @body_fn(%arg0: i32, %arg1: i32, %arg2: memref<10000x128xf32, #tpu.memory_space<hbm>>, %arg3: memref<160000xi32, #tpu.memory_space<hbm>>, %arg4: memref<160000x128xf32, #tpu.memory_space<hbm>>, %arg5: memref<768xi32, #tpu.memory_space<vmem>>, %arg6: memref<768x128xf32, #tpu.memory_space<vmem>>, %arg7: memref<!tpu.dma_semaphore, #tpu.memory_space<semaphore_mem>>) attributes {dimension_semantics = [#tpu.dimension_semantics<core_parallel>, #tpu.dimension_semantics<subcore_parallel>], iteration_bounds = array<i64: 2, 16>, scalar_prefetch = 0 : i64, scratch_operands = 3 : i64, tpu.core_type = #tpu.core_type<sc_vector_subcore>, window_params = [{transform_indices = #map}, {transform_indices = #map1}, {transform_indices = #map}]} {
    %mul3A = arith.constant 2 : i32
    %mul3A_0 = arith.muli %arg1, %mul3A : i32
    %add3A = arith.addi %mul3A_0, %arg0 : i32
    %scan3A = arith.constant 0 : i32
    %scan3A_1 = arith.constant 0 : i32
    %scan3A_2 = arith.constant 6 : i32
    %scan3A_3 = arith.addi %scan3A_1, %scan3A_2 : i32
    %scan3A_4 = arith.constant 1 : i32
    scf.for %scan3A_72 = %scan3A_1 to %scan3A_3 step %scan3A_4  : i32 {
      %mul3A_73 = arith.constant 5000 : i32
      %mul3A_74 = arith.muli %add3A, %mul3A_73 : i32
      %mul3A_75 = arith.constant 768 : i32
      %mul3A_76 = arith.muli %scan3A_72, %mul3A_75 : i32
      %add3A_77 = arith.addi %mul3A_74, %mul3A_76 : i32
      "tpu.region"() ({
        %run_scoped3A = tpu.sem_alloc : memref<!tpu.dma_semaphore, #tpu.memory_space<semaphore_mem>>
        %dma_start3A_174 = arith.constant 0 : i32
        %dma_start3A_175 = tpu.memref_slice %arg5[%dma_start3A_174] : memref<768xi32, #tpu.memory_space<vmem>> -> memref<768xi32, #tpu.memory_space<vmem>>
        %dma_start3A_176 = tpu.memref_slice %arg3[%add3A_77] : memref<160000xi32, #tpu.memory_space<hbm>> -> memref<768xi32, #tpu.memory_space<hbm>>
        %dma_start3A_177 = arith.constant 0 : i32
        %dma_start3A_178 = tpu.memref_slice %arg5[%dma_start3A_177] : memref<768xi32, #tpu.memory_space<vmem>> -> memref<768xi32, #tpu.memory_space<vmem>>
        %dma_start3A_179 = tpu.memref_slice %arg3[%add3A_77] : memref<160000xi32, #tpu.memory_space<hbm>> -> memref<768xi32, #tpu.memory_space<hbm>>
        tpu.enqueue_dma source(%dma_start3A_179 : memref<768xi32, #tpu.memory_space<hbm>>) target(%dma_start3A_178 : memref<768xi32, #tpu.memory_space<vmem>>) target_semaphore(%run_scoped3A : memref<!tpu.dma_semaphore, #tpu.memory_space<semaphore_mem>>)
        %dma_wait3A_180 = arith.constant 0 : i32
        %dma_wait3A_181 = tpu.memref_slice %arg5[%dma_wait3A_180] : memref<768xi32, #tpu.memory_space<vmem>> -> memref<768xi32, #tpu.memory_space<vmem>>
        %dma_wait3A_182 = tpu.memref_slice %arg3[%add3A_77] : memref<160000xi32, #tpu.memory_space<hbm>> -> memref<768xi32, #tpu.memory_space<hbm>>
        %dma_wait3A_183 = arith.constant 0 : i32
        %dma_wait3A_184 = tpu.memref_slice %arg5[%dma_wait3A_183] : memref<768xi32, #tpu.memory_space<vmem>> -> memref<768xi32, #tpu.memory_space<vmem>>
        %dma_wait3A_185 = tpu.memref_slice %arg3[%add3A_77] : memref<160000xi32, #tpu.memory_space<hbm>> -> memref<768xi32, #tpu.memory_space<hbm>>
        tpu.wait_dma2 semaphore(%run_scoped3A : memref<!tpu.dma_semaphore, #tpu.memory_space<semaphore_mem>>) src(%dma_wait3A_185 : memref<768xi32, #tpu.memory_space<hbm>>) dst(%dma_wait3A_184 : memref<768xi32, #tpu.memory_space<vmem>>)
        tpu.yield
      }) : () -> ()
      %dma_start3A_78 = arith.constant 0 : i32
      %dma_start3A_79 = arith.constant 0 : i32
      %dma_start3A_80 = tpu.memref_slice %arg6[%dma_start3A_78, %dma_start3A_79] : memref<768x128xf32, #tpu.memory_space<vmem>> -> memref<128x128xf32, #tpu.memory_space<vmem>>
      %dma_start3A_81 = arith.constant 0 : i32
      %dma_start3A_82 = tpu.memref_slice %arg5[%dma_start3A_81] : memref<768xi32, #tpu.memory_space<vmem>> -> memref<128xi32, #tpu.memory_space<vmem>>
      %dma_start3A_83 = arith.constant 0 : i32
      %dma_start3A_84 = arith.constant 0 : i32
      %dma_start3A_85 = tpu.memref_slice %arg2[%dma_start3A_83, %dma_start3A_84] : memref<10000x128xf32, #tpu.memory_space<hbm>> -> memref<10000x128xf32, #tpu.memory_space<hbm>>
      tpu.enqueue_indirect_dma source(%dma_start3A_85 : memref<10000x128xf32, #tpu.memory_space<hbm>>) target(%dma_start3A_80 : memref<128x128xf32, #tpu.memory_space<vmem>>) offsets(%dma_start3A_82 : memref<128xi32, #tpu.memory_space<vmem>>) semaphore(%arg7 : memref<!tpu.dma_semaphore, #tpu.memory_space<semaphore_mem>>)
      %dma_start3A_86 = arith.constant 128 : i32
      %dma_start3A_87 = arith.constant 0 : i32
      %dma_start3A_88 = tpu.memref_slice %arg6[%dma_start3A_86, %dma_start3A_87] : memref<768x128xf32, #tpu.memory_space<vmem>> -> memref<128x128xf32, #tpu.memory_space<vmem>>
      %dma_start3A_89 = arith.constant 128 : i32
      %dma_start3A_90 = tpu.memref_slice %arg5[%dma_start3A_89] : memref<768xi32, #tpu.memory_space<vmem>> -> memref<128xi32, #tpu.memory_space<vmem>>
      %dma_start3A_91 = arith.constant 0 : i32
      %dma_start3A_92 = arith.constant 0 : i32
      %dma_start3A_93 = tpu.memref_slice %arg2[%dma_start3A_91, %dma_start3A_92] : memref<10000x128xf32, #tpu.memory_space<hbm>> -> memref<10000x128xf32, #tpu.memory_space<hbm>>
      tpu.enqueue_indirect_dma source(%dma_start3A_93 : memref<10000x128xf32, #tpu.memory_space<hbm>>) target(%dma_start3A_88 : memref<128x128xf32, #tpu.memory_space<vmem>>) offsets(%dma_start3A_90 : memref<128xi32, #tpu.memory_space<vmem>>) semaphore(%arg7 : memref<!tpu.dma_semaphore, #tpu.memory_space<semaphore_mem>>)
      %dma_start3A_94 = arith.constant 256 : i32
      %dma_start3A_95 = arith.constant 0 : i32
      %dma_start3A_96 = tpu.memref_slice %arg6[%dma_start3A_94, %dma_start3A_95] : memref<768x128xf32, #tpu.memory_space<vmem>> -> memref<128x128xf32, #tpu.memory_space<vmem>>
      %dma_start3A_97 = arith.constant 256 : i32
      %dma_start3A_98 = tpu.memref_slice %arg5[%dma_start3A_97] : memref<768xi32, #tpu.memory_space<vmem>> -> memref<128xi32, #tpu.memory_space<vmem>>
      %dma_start3A_99 = arith.constant 0 : i32
      %dma_start3A_100 = arith.constant 0 : i32
      %dma_start3A_101 = tpu.memref_slice %arg2[%dma_start3A_99, %dma_start3A_100] : memref<10000x128xf32, #tpu.memory_space<hbm>> -> memref<10000x128xf32, #tpu.memory_space<hbm>>
      tpu.enqueue_indirect_dma source(%dma_start3A_101 : memref<10000x128xf32, #tpu.memory_space<hbm>>) target(%dma_start3A_96 : memref<128x128xf32, #tpu.memory_space<vmem>>) offsets(%dma_start3A_98 : memref<128xi32, #tpu.memory_space<vmem>>) semaphore(%arg7 : memref<!tpu.dma_semaphore, #tpu.memory_space<semaphore_mem>>)
      %dma_start3A_102 = arith.constant 384 : i32
      %dma_start3A_103 = arith.constant 0 : i32
      %dma_start3A_104 = tpu.memref_slice %arg6[%dma_start3A_102, %dma_start3A_103] : memref<768x128xf32, #tpu.memory_space<vmem>> -> memref<128x128xf32, #tpu.memory_space<vmem>>
      %dma_start3A_105 = arith.constant 384 : i32
      %dma_start3A_106 = tpu.memref_slice %arg5[%dma_start3A_105] : memref<768xi32, #tpu.memory_space<vmem>> -> memref<128xi32, #tpu.memory_space<vmem>>
      %dma_start3A_107 = arith.constant 0 : i32
      %dma_start3A_108 = arith.constant 0 : i32
      %dma_start3A_109 = tpu.memref_slice %arg2[%dma_start3A_107, %dma_start3A_108] : memref<10000x128xf32, #tpu.memory_space<hbm>> -> memref<10000x128xf32, #tpu.memory_space<hbm>>
      tpu.enqueue_indirect_dma source(%dma_start3A_109 : memref<10000x128xf32, #tpu.memory_space<hbm>>) target(%dma_start3A_104 : memref<128x128xf32, #tpu.memory_space<vmem>>) offsets(%dma_start3A_106 : memref<128xi32, #tpu.memory_space<vmem>>) semaphore(%arg7 : memref<!tpu.dma_semaphore, #tpu.memory_space<semaphore_mem>>)
      %dma_start3A_110 = arith.constant 512 : i32
      %dma_start3A_111 = arith.constant 0 : i32
      %dma_start3A_112 = tpu.memref_slice %arg6[%dma_start3A_110, %dma_start3A_111] : memref<768x128xf32, #tpu.memory_space<vmem>> -> memref<128x128xf32, #tpu.memory_space<vmem>>
      %dma_start3A_113 = arith.constant 512 : i32
      %dma_start3A_114 = tpu.memref_slice %arg5[%dma_start3A_113] : memref<768xi32, #tpu.memory_space<vmem>> -> memref<128xi32, #tpu.memory_space<vmem>>
      %dma_start3A_115 = arith.constant 0 : i32
      %dma_start3A_116 = arith.constant 0 : i32
      %dma_start3A_117 = tpu.memref_slice %arg2[%dma_start3A_115, %dma_start3A_116] : memref<10000x128xf32, #tpu.memory_space<hbm>> -> memref<10000x128xf32, #tpu.memory_space<hbm>>
      tpu.enqueue_indirect_dma source(%dma_start3A_117 : memref<10000x128xf32, #tpu.memory_space<hbm>>) target(%dma_start3A_112 : memref<128x128xf32, #tpu.memory_space<vmem>>) offsets(%dma_start3A_114 : memref<128xi32, #tpu.memory_space<vmem>>) semaphore(%arg7 : memref<!tpu.dma_semaphore, #tpu.memory_space<semaphore_mem>>)
      %dma_start3A_118 = arith.constant 640 : i32
      %dma_start3A_119 = arith.constant 0 : i32
      %dma_start3A_120 = tpu.memref_slice %arg6[%dma_start3A_118, %dma_start3A_119] : memref<768x128xf32, #tpu.memory_space<vmem>> -> memref<128x128xf32, #tpu.memory_space<vmem>>
      %dma_start3A_121 = arith.constant 640 : i32
      %dma_start3A_122 = tpu.memref_slice %arg5[%dma_start3A_121] : memref<768xi32, #tpu.memory_space<vmem>> -> memref<128xi32, #tpu.memory_space<vmem>>
      %dma_start3A_123 = arith.constant 0 : i32
      %dma_start3A_124 = arith.constant 0 : i32
      %dma_start3A_125 = tpu.memref_slice %arg2[%dma_start3A_123, %dma_start3A_124] : memref<10000x128xf32, #tpu.memory_space<hbm>> -> memref<10000x128xf32, #tpu.memory_space<hbm>>
      tpu.enqueue_indirect_dma source(%dma_start3A_125 : memref<10000x128xf32, #tpu.memory_space<hbm>>) target(%dma_start3A_120 : memref<128x128xf32, #tpu.memory_space<vmem>>) offsets(%dma_start3A_122 : memref<128xi32, #tpu.memory_space<vmem>>) semaphore(%arg7 : memref<!tpu.dma_semaphore, #tpu.memory_space<semaphore_mem>>)
      %dma_wait3A_126 = arith.constant 0 : i32
      %dma_wait3A_127 = arith.constant 0 : i32
      %dma_wait3A_128 = tpu.memref_slice %arg6[%dma_wait3A_126, %dma_wait3A_127] : memref<768x128xf32, #tpu.memory_space<vmem>> -> memref<128x128xf32, #tpu.memory_space<vmem>>
      %dma_wait3A_129 = arith.constant 0 : i32
      %dma_wait3A_130 = tpu.memref_slice %arg5[%dma_wait3A_129] : memref<768xi32, #tpu.memory_space<vmem>> -> memref<128xi32, #tpu.memory_space<vmem>>
      %dma_wait3A_131 = arith.constant 0 : i32
      %dma_wait3A_132 = arith.constant 0 : i32
      %dma_wait3A_133 = tpu.memref_slice %arg2[%dma_wait3A_131, %dma_wait3A_132] : memref<10000x128xf32, #tpu.memory_space<hbm>> -> memref<10000x128xf32, #tpu.memory_space<hbm>>
      tpu.wait_indirect_dma semaphore(%arg7 : memref<!tpu.dma_semaphore, #tpu.memory_space<semaphore_mem>>) src(%dma_wait3A_133 : memref<10000x128xf32, #tpu.memory_space<hbm>>) dst(%dma_wait3A_128 : memref<128x128xf32, #tpu.memory_space<vmem>>)
      %dma_wait3A_134 = arith.constant 128 : i32
      %dma_wait3A_135 = arith.constant 0 : i32
      %dma_wait3A_136 = tpu.memref_slice %arg6[%dma_wait3A_134, %dma_wait3A_135] : memref<768x128xf32, #tpu.memory_space<vmem>> -> memref<128x128xf32, #tpu.memory_space<vmem>>
      %dma_wait3A_137 = arith.constant 128 : i32
      %dma_wait3A_138 = tpu.memref_slice %arg5[%dma_wait3A_137] : memref<768xi32, #tpu.memory_space<vmem>> -> memref<128xi32, #tpu.memory_space<vmem>>
      %dma_wait3A_139 = arith.constant 0 : i32
      %dma_wait3A_140 = arith.constant 0 : i32
      %dma_wait3A_141 = tpu.memref_slice %arg2[%dma_wait3A_139, %dma_wait3A_140] : memref<10000x128xf32, #tpu.memory_space<hbm>> -> memref<10000x128xf32, #tpu.memory_space<hbm>>
      tpu.wait_indirect_dma semaphore(%arg7 : memref<!tpu.dma_semaphore, #tpu.memory_space<semaphore_mem>>) src(%dma_wait3A_141 : memref<10000x128xf32, #tpu.memory_space<hbm>>) dst(%dma_wait3A_136 : memref<128x128xf32, #tpu.memory_space<vmem>>)
      %dma_wait3A_142 = arith.constant 256 : i32
      %dma_wait3A_143 = arith.constant 0 : i32
      %dma_wait3A_144 = tpu.memref_slice %arg6[%dma_wait3A_142, %dma_wait3A_143] : memref<768x128xf32, #tpu.memory_space<vmem>> -> memref<128x128xf32, #tpu.memory_space<vmem>>
      %dma_wait3A_145 = arith.constant 256 : i32
      %dma_wait3A_146 = tpu.memref_slice %arg5[%dma_wait3A_145] : memref<768xi32, #tpu.memory_space<vmem>> -> memref<128xi32, #tpu.memory_space<vmem>>
      %dma_wait3A_147 = arith.constant 0 : i32
      %dma_wait3A_148 = arith.constant 0 : i32
      %dma_wait3A_149 = tpu.memref_slice %arg2[%dma_wait3A_147, %dma_wait3A_148] : memref<10000x128xf32, #tpu.memory_space<hbm>> -> memref<10000x128xf32, #tpu.memory_space<hbm>>
      tpu.wait_indirect_dma semaphore(%arg7 : memref<!tpu.dma_semaphore, #tpu.memory_space<semaphore_mem>>) src(%dma_wait3A_149 : memref<10000x128xf32, #tpu.memory_space<hbm>>) dst(%dma_wait3A_144 : memref<128x128xf32, #tpu.memory_space<vmem>>)
      %dma_wait3A_150 = arith.constant 384 : i32
      %dma_wait3A_151 = arith.constant 0 : i32
      %dma_wait3A_152 = tpu.memref_slice %arg6[%dma_wait3A_150, %dma_wait3A_151] : memref<768x128xf32, #tpu.memory_space<vmem>> -> memref<128x128xf32, #tpu.memory_space<vmem>>
      %dma_wait3A_153 = arith.constant 384 : i32
      %dma_wait3A_154 = tpu.memref_slice %arg5[%dma_wait3A_153] : memref<768xi32, #tpu.memory_space<vmem>> -> memref<128xi32, #tpu.memory_space<vmem>>
      %dma_wait3A_155 = arith.constant 0 : i32
      %dma_wait3A_156 = arith.constant 0 : i32
      %dma_wait3A_157 = tpu.memref_slice %arg2[%dma_wait3A_155, %dma_wait3A_156] : memref<10000x128xf32, #tpu.memory_space<hbm>> -> memref<10000x128xf32, #tpu.memory_space<hbm>>
      tpu.wait_indirect_dma semaphore(%arg7 : memref<!tpu.dma_semaphore, #tpu.memory_space<semaphore_mem>>) src(%dma_wait3A_157 : memref<10000x128xf32, #tpu.memory_space<hbm>>) dst(%dma_wait3A_152 : memref<128x128xf32, #tpu.memory_space<vmem>>)
      %dma_wait3A_158 = arith.constant 512 : i32
      %dma_wait3A_159 = arith.constant 0 : i32
      %dma_wait3A_160 = tpu.memref_slice %arg6[%dma_wait3A_158, %dma_wait3A_159] : memref<768x128xf32, #tpu.memory_space<vmem>> -> memref<128x128xf32, #tpu.memory_space<vmem>>
      %dma_wait3A_161 = arith.constant 512 : i32
      %dma_wait3A_162 = tpu.memref_slice %arg5[%dma_wait3A_161] : memref<768xi32, #tpu.memory_space<vmem>> -> memref<128xi32, #tpu.memory_space<vmem>>
      %dma_wait3A_163 = arith.constant 0 : i32
      %dma_wait3A_164 = arith.constant 0 : i32
      %dma_wait3A_165 = tpu.memref_slice %arg2[%dma_wait3A_163, %dma_wait3A_164] : memref<10000x128xf32, #tpu.memory_space<hbm>> -> memref<10000x128xf32, #tpu.memory_space<hbm>>
      tpu.wait_indirect_dma semaphore(%arg7 : memref<!tpu.dma_semaphore, #tpu.memory_space<semaphore_mem>>) src(%dma_wait3A_165 : memref<10000x128xf32, #tpu.memory_space<hbm>>) dst(%dma_wait3A_160 : memref<128x128xf32, #tpu.memory_space<vmem>>)
      %dma_wait3A_166 = arith.constant 640 : i32
      %dma_wait3A_167 = arith.constant 0 : i32
      %dma_wait3A_168 = tpu.memref_slice %arg6[%dma_wait3A_166, %dma_wait3A_167] : memref<768x128xf32, #tpu.memory_space<vmem>> -> memref<128x128xf32, #tpu.memory_space<vmem>>
      %dma_wait3A_169 = arith.constant 640 : i32
      %dma_wait3A_170 = tpu.memref_slice %arg5[%dma_wait3A_169] : memref<768xi32, #tpu.memory_space<vmem>> -> memref<128xi32, #tpu.memory_space<vmem>>
      %dma_wait3A_171 = arith.constant 0 : i32
      %dma_wait3A_172 = arith.constant 0 : i32
      %dma_wait3A_173 = tpu.memref_slice %arg2[%dma_wait3A_171, %dma_wait3A_172] : memref<10000x128xf32, #tpu.memory_space<hbm>> -> memref<10000x128xf32, #tpu.memory_space<hbm>>
      tpu.wait_indirect_dma semaphore(%arg7 : memref<!tpu.dma_semaphore, #tpu.memory_space<semaphore_mem>>) src(%dma_wait3A_173 : memref<10000x128xf32, #tpu.memory_space<hbm>>) dst(%dma_wait3A_168 : memref<128x128xf32, #tpu.memory_space<vmem>>)
      "tpu.region"() ({
        %run_scoped3A = tpu.sem_alloc : memref<!tpu.dma_semaphore, #tpu.memory_space<semaphore_mem>>
        %dma_start3A_174 = arith.constant 0 : i32
        %dma_start3A_175 = arith.constant 0 : i32
        %dma_start3A_176 = tpu.memref_slice %arg6[%dma_start3A_174, %dma_start3A_175] : memref<768x128xf32, #tpu.memory_space<vmem>> -> memref<768x128xf32, #tpu.memory_space<vmem>>
        %dma_start3A_177 = arith.constant 0 : i32
        %dma_start3A_178 = tpu.memref_slice %arg4[%add3A_77, %dma_start3A_177] : memref<160000x128xf32, #tpu.memory_space<hbm>> -> memref<768x128xf32, #tpu.memory_space<hbm>>
        %dma_start3A_179 = arith.constant 0 : i32
        %dma_start3A_180 = tpu.memref_slice %arg4[%add3A_77, %dma_start3A_179] : memref<160000x128xf32, #tpu.memory_space<hbm>> -> memref<768x128xf32, #tpu.memory_space<hbm>>
        %dma_start3A_181 = arith.constant 0 : i32
        %dma_start3A_182 = arith.constant 0 : i32
        %dma_start3A_183 = tpu.memref_slice %arg6[%dma_start3A_181, %dma_start3A_182] : memref<768x128xf32, #tpu.memory_space<vmem>> -> memref<768x128xf32, #tpu.memory_space<vmem>>
        tpu.enqueue_dma source(%dma_start3A_183 : memref<768x128xf32, #tpu.memory_space<vmem>>) target(%dma_start3A_180 : memref<768x128xf32, #tpu.memory_space<hbm>>) target_semaphore(%run_scoped3A : memref<!tpu.dma_semaphore, #tpu.memory_space<semaphore_mem>>)
        %dma_wait3A_184 = arith.constant 0 : i32
        %dma_wait3A_185 = arith.constant 0 : i32
        %dma_wait3A_186 = tpu.memref_slice %arg6[%dma_wait3A_184, %dma_wait3A_185] : memref<768x128xf32, #tpu.memory_space<vmem>> -> memref<768x128xf32, #tpu.memory_space<vmem>>
        %dma_wait3A_187 = arith.constant 0 : i32
        %dma_wait3A_188 = tpu.memref_slice %arg4[%add3A_77, %dma_wait3A_187] : memref<160000x128xf32, #tpu.memory_space<hbm>> -> memref<768x128xf32, #tpu.memory_space<hbm>>
        %dma_wait3A_189 = arith.constant 0 : i32
        %dma_wait3A_190 = tpu.memref_slice %arg4[%add3A_77, %dma_wait3A_189] : memref<160000x128xf32, #tpu.memory_space<hbm>> -> memref<768x128xf32, #tpu.memory_space<hbm>>
        %dma_wait3A_191 = arith.constant 0 : i32
        %dma_wait3A_192 = arith.constant 0 : i32
        %dma_wait3A_193 = tpu.memref_slice %arg6[%dma_wait3A_191, %dma_wait3A_192] : memref<768x128xf32, #tpu.memory_space<vmem>> -> memref<768x128xf32, #tpu.memory_space<vmem>>
        tpu.wait_dma2 semaphore(%run_scoped3A : memref<!tpu.dma_semaphore, #tpu.memory_space<semaphore_mem>>) src(%dma_wait3A_193 : memref<768x128xf32, #tpu.memory_space<vmem>>) dst(%dma_wait3A_190 : memref<768x128xf32, #tpu.memory_space<hbm>>)
        tpu.yield
      }) : () -> ()
    }
    %scan3A_5 = arith.constant 6 : i32
    %mul3A_6 = arith.constant 5000 : i32
    %mul3A_7 = arith.muli %add3A, %mul3A_6 : i32
    %add3A_8 = arith.constant 4608 : i32
    %add3A_9 = arith.addi %mul3A_7, %add3A_8 : i32
    "tpu.region"() ({
      %run_scoped3A = tpu.sem_alloc : memref<!tpu.dma_semaphore, #tpu.memory_space<semaphore_mem>>
      %dma_start3A_72 = arith.constant 0 : i32
      %dma_start3A_73 = tpu.memref_slice %arg5[%dma_start3A_72] : memref<768xi32, #tpu.memory_space<vmem>> -> memref<392xi32, #tpu.memory_space<vmem>>
      %dma_start3A_74 = tpu.memref_slice %arg3[%add3A_9] : memref<160000xi32, #tpu.memory_space<hbm>> -> memref<392xi32, #tpu.memory_space<hbm>>
      %dma_start3A_75 = arith.constant 0 : i32
      %dma_start3A_76 = tpu.memref_slice %arg5[%dma_start3A_75] : memref<768xi32, #tpu.memory_space<vmem>> -> memref<392xi32, #tpu.memory_space<vmem>>
      %dma_start3A_77 = tpu.memref_slice %arg3[%add3A_9] : memref<160000xi32, #tpu.memory_space<hbm>> -> memref<392xi32, #tpu.memory_space<hbm>>
      tpu.enqueue_dma source(%dma_start3A_77 : memref<392xi32, #tpu.memory_space<hbm>>) target(%dma_start3A_76 : memref<392xi32, #tpu.memory_space<vmem>>) target_semaphore(%run_scoped3A : memref<!tpu.dma_semaphore, #tpu.memory_space<semaphore_mem>>)
      %dma_wait3A_78 = arith.constant 0 : i32
      %dma_wait3A_79 = tpu.memref_slice %arg5[%dma_wait3A_78] : memref<768xi32, #tpu.memory_space<vmem>> -> memref<392xi32, #tpu.memory_space<vmem>>
      %dma_wait3A_80 = tpu.memref_slice %arg3[%add3A_9] : memref<160000xi32, #tpu.memory_space<hbm>> -> memref<392xi32, #tpu.memory_space<hbm>>
      %dma_wait3A_81 = arith.constant 0 : i32
      %dma_wait3A_82 = tpu.memref_slice %arg5[%dma_wait3A_81] : memref<768xi32, #tpu.memory_space<vmem>> -> memref<392xi32, #tpu.memory_space<vmem>>
      %dma_wait3A_83 = tpu.memref_slice %arg3[%add3A_9] : memref<160000xi32, #tpu.memory_space<hbm>> -> memref<392xi32, #tpu.memory_space<hbm>>
      tpu.wait_dma2 semaphore(%run_scoped3A : memref<!tpu.dma_semaphore, #tpu.memory_space<semaphore_mem>>) src(%dma_wait3A_83 : memref<392xi32, #tpu.memory_space<hbm>>) dst(%dma_wait3A_82 : memref<392xi32, #tpu.memory_space<vmem>>)
      tpu.yield
    }) : () -> ()
    %dma_start3A = arith.constant 0 : i32
    %dma_start3A_10 = arith.constant 0 : i32
    %dma_start3A_11 = tpu.memref_slice %arg6[%dma_start3A, %dma_start3A_10] : memref<768x128xf32, #tpu.memory_space<vmem>> -> memref<128x128xf32, #tpu.memory_space<vmem>>
    %dma_start3A_12 = arith.constant 0 : i32
    %dma_start3A_13 = tpu.memref_slice %arg5[%dma_start3A_12] : memref<768xi32, #tpu.memory_space<vmem>> -> memref<128xi32, #tpu.memory_space<vmem>>
    %dma_start3A_14 = arith.constant 0 : i32
    %dma_start3A_15 = arith.constant 0 : i32
    %dma_start3A_16 = tpu.memref_slice %arg2[%dma_start3A_14, %dma_start3A_15] : memref<10000x128xf32, #tpu.memory_space<hbm>> -> memref<10000x128xf32, #tpu.memory_space<hbm>>
    tpu.enqueue_indirect_dma source(%dma_start3A_16 : memref<10000x128xf32, #tpu.memory_space<hbm>>) target(%dma_start3A_11 : memref<128x128xf32, #tpu.memory_space<vmem>>) offsets(%dma_start3A_13 : memref<128xi32, #tpu.memory_space<vmem>>) semaphore(%arg7 : memref<!tpu.dma_semaphore, #tpu.memory_space<semaphore_mem>>)
    %dma_start3A_17 = arith.constant 128 : i32
    %dma_start3A_18 = arith.constant 0 : i32
    %dma_start3A_19 = tpu.memref_slice %arg6[%dma_start3A_17, %dma_start3A_18] : memref<768x128xf32, #tpu.memory_space<vmem>> -> memref<128x128xf32, #tpu.memory_space<vmem>>
    %dma_start3A_20 = arith.constant 128 : i32
    %dma_start3A_21 = tpu.memref_slice %arg5[%dma_start3A_20] : memref<768xi32, #tpu.memory_space<vmem>> -> memref<128xi32, #tpu.memory_space<vmem>>
    %dma_start3A_22 = arith.constant 0 : i32
    %dma_start3A_23 = arith.constant 0 : i32
    %dma_start3A_24 = tpu.memref_slice %arg2[%dma_start3A_22, %dma_start3A_23] : memref<10000x128xf32, #tpu.memory_space<hbm>> -> memref<10000x128xf32, #tpu.memory_space<hbm>>
    tpu.enqueue_indirect_dma source(%dma_start3A_24 : memref<10000x128xf32, #tpu.memory_space<hbm>>) target(%dma_start3A_19 : memref<128x128xf32, #tpu.memory_space<vmem>>) offsets(%dma_start3A_21 : memref<128xi32, #tpu.memory_space<vmem>>) semaphore(%arg7 : memref<!tpu.dma_semaphore, #tpu.memory_space<semaphore_mem>>)
    %dma_start3A_25 = arith.constant 256 : i32
    %dma_start3A_26 = arith.constant 0 : i32
    %dma_start3A_27 = tpu.memref_slice %arg6[%dma_start3A_25, %dma_start3A_26] : memref<768x128xf32, #tpu.memory_space<vmem>> -> memref<128x128xf32, #tpu.memory_space<vmem>>
    %dma_start3A_28 = arith.constant 256 : i32
    %dma_start3A_29 = tpu.memref_slice %arg5[%dma_start3A_28] : memref<768xi32, #tpu.memory_space<vmem>> -> memref<128xi32, #tpu.memory_space<vmem>>
    %dma_start3A_30 = arith.constant 0 : i32
    %dma_start3A_31 = arith.constant 0 : i32
    %dma_start3A_32 = tpu.memref_slice %arg2[%dma_start3A_30, %dma_start3A_31] : memref<10000x128xf32, #tpu.memory_space<hbm>> -> memref<10000x128xf32, #tpu.memory_space<hbm>>
    tpu.enqueue_indirect_dma source(%dma_start3A_32 : memref<10000x128xf32, #tpu.memory_space<hbm>>) target(%dma_start3A_27 : memref<128x128xf32, #tpu.memory_space<vmem>>) offsets(%dma_start3A_29 : memref<128xi32, #tpu.memory_space<vmem>>) semaphore(%arg7 : memref<!tpu.dma_semaphore, #tpu.memory_space<semaphore_mem>>)
    %dma_start3A_33 = arith.constant 384 : i32
    %dma_start3A_34 = arith.constant 0 : i32
    %dma_start3A_35 = tpu.memref_slice %arg6[%dma_start3A_33, %dma_start3A_34] : memref<768x128xf32, #tpu.memory_space<vmem>> -> memref<8x128xf32, #tpu.memory_space<vmem>>
    %dma_start3A_36 = arith.constant 384 : i32
    %dma_start3A_37 = tpu.memref_slice %arg5[%dma_start3A_36] : memref<768xi32, #tpu.memory_space<vmem>> -> memref<8xi32, #tpu.memory_space<vmem>>
    %dma_start3A_38 = arith.constant 0 : i32
    %dma_start3A_39 = arith.constant 0 : i32
    %dma_start3A_40 = tpu.memref_slice %arg2[%dma_start3A_38, %dma_start3A_39] : memref<10000x128xf32, #tpu.memory_space<hbm>> -> memref<10000x128xf32, #tpu.memory_space<hbm>>
    tpu.enqueue_indirect_dma source(%dma_start3A_40 : memref<10000x128xf32, #tpu.memory_space<hbm>>) target(%dma_start3A_35 : memref<8x128xf32, #tpu.memory_space<vmem>>) offsets(%dma_start3A_37 : memref<8xi32, #tpu.memory_space<vmem>>) semaphore(%arg7 : memref<!tpu.dma_semaphore, #tpu.memory_space<semaphore_mem>>)
    %dma_wait3A = arith.constant 0 : i32
    %dma_wait3A_41 = arith.constant 0 : i32
    %dma_wait3A_42 = tpu.memref_slice %arg6[%dma_wait3A, %dma_wait3A_41] : memref<768x128xf32, #tpu.memory_space<vmem>> -> memref<128x128xf32, #tpu.memory_space<vmem>>
    %dma_wait3A_43 = arith.constant 0 : i32
    %dma_wait3A_44 = tpu.memref_slice %arg5[%dma_wait3A_43] : memref<768xi32, #tpu.memory_space<vmem>> -> memref<128xi32, #tpu.memory_space<vmem>>
    %dma_wait3A_45 = arith.constant 0 : i32
    %dma_wait3A_46 = arith.constant 0 : i32
    %dma_wait3A_47 = tpu.memref_slice %arg2[%dma_wait3A_45, %dma_wait3A_46] : memref<10000x128xf32, #tpu.memory_space<hbm>> -> memref<10000x128xf32, #tpu.memory_space<hbm>>
    tpu.wait_indirect_dma semaphore(%arg7 : memref<!tpu.dma_semaphore, #tpu.memory_space<semaphore_mem>>) src(%dma_wait3A_47 : memref<10000x128xf32, #tpu.memory_space<hbm>>) dst(%dma_wait3A_42 : memref<128x128xf32, #tpu.memory_space<vmem>>)
    %dma_wait3A_48 = arith.constant 128 : i32
    %dma_wait3A_49 = arith.constant 0 : i32
    %dma_wait3A_50 = tpu.memref_slice %arg6[%dma_wait3A_48, %dma_wait3A_49] : memref<768x128xf32, #tpu.memory_space<vmem>> -> memref<128x128xf32, #tpu.memory_space<vmem>>
    %dma_wait3A_51 = arith.constant 128 : i32
    %dma_wait3A_52 = tpu.memref_slice %arg5[%dma_wait3A_51] : memref<768xi32, #tpu.memory_space<vmem>> -> memref<128xi32, #tpu.memory_space<vmem>>
    %dma_wait3A_53 = arith.constant 0 : i32
    %dma_wait3A_54 = arith.constant 0 : i32
    %dma_wait3A_55 = tpu.memref_slice %arg2[%dma_wait3A_53, %dma_wait3A_54] : memref<10000x128xf32, #tpu.memory_space<hbm>> -> memref<10000x128xf32, #tpu.memory_space<hbm>>
    tpu.wait_indirect_dma semaphore(%arg7 : memref<!tpu.dma_semaphore, #tpu.memory_space<semaphore_mem>>) src(%dma_wait3A_55 : memref<10000x128xf32, #tpu.memory_space<hbm>>) dst(%dma_wait3A_50 : memref<128x128xf32, #tpu.memory_space<vmem>>)
    %dma_wait3A_56 = arith.constant 256 : i32
    %dma_wait3A_57 = arith.constant 0 : i32
    %dma_wait3A_58 = tpu.memref_slice %arg6[%dma_wait3A_56, %dma_wait3A_57] : memref<768x128xf32, #tpu.memory_space<vmem>> -> memref<128x128xf32, #tpu.memory_space<vmem>>
    %dma_wait3A_59 = arith.constant 256 : i32
    %dma_wait3A_60 = tpu.memref_slice %arg5[%dma_wait3A_59] : memref<768xi32, #tpu.memory_space<vmem>> -> memref<128xi32, #tpu.memory_space<vmem>>
    %dma_wait3A_61 = arith.constant 0 : i32
    %dma_wait3A_62 = arith.constant 0 : i32
    %dma_wait3A_63 = tpu.memref_slice %arg2[%dma_wait3A_61, %dma_wait3A_62] : memref<10000x128xf32, #tpu.memory_space<hbm>> -> memref<10000x128xf32, #tpu.memory_space<hbm>>
    tpu.wait_indirect_dma semaphore(%arg7 : memref<!tpu.dma_semaphore, #tpu.memory_space<semaphore_mem>>) src(%dma_wait3A_63 : memref<10000x128xf32, #tpu.memory_space<hbm>>) dst(%dma_wait3A_58 : memref<128x128xf32, #tpu.memory_space<vmem>>)
    %dma_wait3A_64 = arith.constant 384 : i32
    %dma_wait3A_65 = arith.constant 0 : i32
    %dma_wait3A_66 = tpu.memref_slice %arg6[%dma_wait3A_64, %dma_wait3A_65] : memref<768x128xf32, #tpu.memory_space<vmem>> -> memref<8x128xf32, #tpu.memory_space<vmem>>
    %dma_wait3A_67 = arith.constant 384 : i32
    %dma_wait3A_68 = tpu.memref_slice %arg5[%dma_wait3A_67] : memref<768xi32, #tpu.memory_space<vmem>> -> memref<8xi32, #tpu.memory_space<vmem>>
    %dma_wait3A_69 = arith.constant 0 : i32
    %dma_wait3A_70 = arith.constant 0 : i32
    %dma_wait3A_71 = tpu.memref_slice %arg2[%dma_wait3A_69, %dma_wait3A_70] : memref<10000x128xf32, #tpu.memory_space<hbm>> -> memref<10000x128xf32, #tpu.memory_space<hbm>>
    tpu.wait_indirect_dma semaphore(%arg7 : memref<!tpu.dma_semaphore, #tpu.memory_space<semaphore_mem>>) src(%dma_wait3A_71 : memref<10000x128xf32, #tpu.memory_space<hbm>>) dst(%dma_wait3A_66 : memref<8x128xf32, #tpu.memory_space<vmem>>)
    "tpu.region"() ({
      %run_scoped3A = tpu.sem_alloc : memref<!tpu.dma_semaphore, #tpu.memory_space<semaphore_mem>>
      %dma_start3A_72 = arith.constant 0 : i32
      %dma_start3A_73 = arith.constant 0 : i32
      %dma_start3A_74 = tpu.memref_slice %arg6[%dma_start3A_72, %dma_start3A_73] : memref<768x128xf32, #tpu.memory_space<vmem>> -> memref<392x128xf32, #tpu.memory_space<vmem>>
      %dma_start3A_75 = arith.constant 0 : i32
      %dma_start3A_76 = tpu.memref_slice %arg4[%add3A_9, %dma_start3A_75] : memref<160000x128xf32, #tpu.memory_space<hbm>> -> memref<392x128xf32, #tpu.memory_space<hbm>>
      %dma_start3A_77 = arith.constant 0 : i32
      %dma_start3A_78 = tpu.memref_slice %arg4[%add3A_9, %dma_start3A_77] : memref<160000x128xf32, #tpu.memory_space<hbm>> -> memref<392x128xf32, #tpu.memory_space<hbm>>
      %dma_start3A_79 = arith.constant 0 : i32
      %dma_start3A_80 = arith.constant 0 : i32
      %dma_start3A_81 = tpu.memref_slice %arg6[%dma_start3A_79, %dma_start3A_80] : memref<768x128xf32, #tpu.memory_space<vmem>> -> memref<392x128xf32, #tpu.memory_space<vmem>>
      tpu.enqueue_dma source(%dma_start3A_81 : memref<392x128xf32, #tpu.memory_space<vmem>>) target(%dma_start3A_78 : memref<392x128xf32, #tpu.memory_space<hbm>>) target_semaphore(%run_scoped3A : memref<!tpu.dma_semaphore, #tpu.memory_space<semaphore_mem>>)
      %dma_wait3A_82 = arith.constant 0 : i32
      %dma_wait3A_83 = arith.constant 0 : i32
      %dma_wait3A_84 = tpu.memref_slice %arg6[%dma_wait3A_82, %dma_wait3A_83] : memref<768x128xf32, #tpu.memory_space<vmem>> -> memref<392x128xf32, #tpu.memory_space<vmem>>
      %dma_wait3A_85 = arith.constant 0 : i32
      %dma_wait3A_86 = tpu.memref_slice %arg4[%add3A_9, %dma_wait3A_85] : memref<160000x128xf32, #tpu.memory_space<hbm>> -> memref<392x128xf32, #tpu.memory_space<hbm>>
      %dma_wait3A_87 = arith.constant 0 : i32
      %dma_wait3A_88 = tpu.memref_slice %arg4[%add3A_9, %dma_wait3A_87] : memref<160000x128xf32, #tpu.memory_space<hbm>> -> memref<392x128xf32, #tpu.memory_space<hbm>>
      %dma_wait3A_89 = arith.constant 0 : i32
      %dma_wait3A_90 = arith.constant 0 : i32
      %dma_wait3A_91 = tpu.memref_slice %arg6[%dma_wait3A_89, %dma_wait3A_90] : memref<768x128xf32, #tpu.memory_space<vmem>> -> memref<392x128xf32, #tpu.memory_space<vmem>>
      tpu.wait_dma2 semaphore(%run_scoped3A : memref<!tpu.dma_semaphore, #tpu.memory_space<semaphore_mem>>) src(%dma_wait3A_91 : memref<392x128xf32, #tpu.memory_space<vmem>>) dst(%dma_wait3A_88 : memref<392x128xf32, #tpu.memory_space<hbm>>)
      tpu.yield
    }) : () -> ()
    return
  }
}

#map = affine_map<(d0, d1) -> (0, 0)>
#map1 = affine_map<(d0, d1) -> (0)>
module attributes {stable_mosaic.version = 14 : i64} {
  func.func @body_fn(%arg0: i32, %arg1: i32, %arg2: memref<160000x128xf32, #tpu.memory_space<hbm>>, %arg3: memref<160000xi32, #tpu.memory_space<hbm>>, %arg4: memref<10000x128xf32, #tpu.memory_space<hbm>>, %arg5: memref<20000x128xf32, #tpu.memory_space<hbm>>, %arg6: memref<128xi32, #tpu.memory_space<vmem>>, %arg7: memref<128xi32, #tpu.memory_space<vmem>>, %arg8: memref<128xi32, #tpu.memory_space<vmem>>, %arg9: memref<8xi32, #tpu.memory_space<vmem>>, %arg10: memref<384x128xf32, #tpu.memory_space<vmem>>, %arg11: memref<10000x128xf32, #tpu.memory_space<vmem_shared>>, %arg12: memref<!tpu.dma_semaphore, #tpu.memory_space<semaphore_mem>>) attributes {dimension_semantics = [#tpu.dimension_semantics<core_parallel>, #tpu.dimension_semantics<subcore_parallel>], iteration_bounds = array<i64: 2, 16>, scalar_prefetch = 0 : i64, scratch_operands = 7 : i64, tpu.core_type = #tpu.core_type<sc_vector_subcore>, window_params = [{transform_indices = #map}, {transform_indices = #map1}, {transform_indices = #map}, {transform_indices = #map}]} {
    %mul3A = arith.constant 2 : i32
    %mul3A_0 = arith.muli %arg1, %mul3A : i32
    %add3A = arith.addi %mul3A_0, %arg0 : i32
    %lt3A = arith.constant 10 : i32
    %lt3A_1 = arith.cmpi slt, %arg1, %lt3A : i32
    %convert_element_type3A = arith.extui %lt3A_1 : i1 to i32
    %cond3A = arith.constant 0 : i32
    %cond3A_2 = arith.cmpi ne, %convert_element_type3A, %cond3A : i32
    scf.if %cond3A_2 {
      %mul3A_22 = arith.constant 1000 : i32
      %mul3A_23 = arith.muli %arg1, %mul3A_22 : i32
      %mul3A_24 = arith.constant 1000 : i32
      %mul3A_25 = arith.muli %arg1, %mul3A_24 : i32
      "tpu.region"() ({
        %run_scoped3A = tpu.sem_alloc : memref<!tpu.dma_semaphore, #tpu.memory_space<semaphore_mem>>
        %dma_start3A_26 = arith.constant 0 : i32
        %dma_start3A_27 = tpu.memref_slice %arg11[%mul3A_25, %dma_start3A_26] : memref<10000x128xf32, #tpu.memory_space<vmem_shared>> -> memref<1000x128xf32, #tpu.memory_space<vmem_shared>>
        %dma_start3A_28 = arith.constant 0 : i32
        %dma_start3A_29 = tpu.memref_slice %arg4[%mul3A_23, %dma_start3A_28] : memref<10000x128xf32, #tpu.memory_space<hbm>> -> memref<1000x128xf32, #tpu.memory_space<hbm>>
        tpu.enqueue_dma source(%dma_start3A_29 : memref<1000x128xf32, #tpu.memory_space<hbm>>) target(%dma_start3A_27 : memref<1000x128xf32, #tpu.memory_space<vmem_shared>>) target_semaphore(%run_scoped3A : memref<!tpu.dma_semaphore, #tpu.memory_space<semaphore_mem>>)
        %dma_wait3A_30 = arith.constant 0 : i32
        %dma_wait3A_31 = tpu.memref_slice %arg11[%mul3A_25, %dma_wait3A_30] : memref<10000x128xf32, #tpu.memory_space<vmem_shared>> -> memref<1000x128xf32, #tpu.memory_space<vmem_shared>>
        %dma_wait3A_32 = arith.constant 0 : i32
        %dma_wait3A_33 = tpu.memref_slice %arg4[%mul3A_23, %dma_wait3A_32] : memref<10000x128xf32, #tpu.memory_space<hbm>> -> memref<1000x128xf32, #tpu.memory_space<hbm>>
        tpu.wait_dma2 semaphore(%run_scoped3A : memref<!tpu.dma_semaphore, #tpu.memory_space<semaphore_mem>>) src(%dma_wait3A_33 : memref<1000x128xf32, #tpu.memory_space<hbm>>) dst(%dma_wait3A_31 : memref<1000x128xf32, #tpu.memory_space<vmem_shared>>)
        tpu.yield
      }) : () -> ()
    } else {
    }
    %barrier3A = arith.constant 0 : index
    tpu.barrier barrier_id(%barrier3A)
    %scan3A = arith.constant 0 : i32
    %scan3A_3 = arith.constant 0 : i32
    %scan3A_4 = arith.constant 13 : i32
    %scan3A_5 = arith.addi %scan3A_3, %scan3A_4 : i32
    %scan3A_6 = arith.constant 1 : i32
    scf.for %scan3A_22 = %scan3A_3 to %scan3A_5 step %scan3A_6  : i32 {
      %mul3A_23 = arith.constant 5000 : i32
      %mul3A_24 = arith.muli %add3A, %mul3A_23 : i32
      %mul3A_25 = arith.constant 384 : i32
      %mul3A_26 = arith.muli %scan3A_22, %mul3A_25 : i32
      %add3A_27 = arith.addi %mul3A_24, %mul3A_26 : i32
      %add3A_28 = arith.constant 0 : i32
      %add3A_29 = arith.addi %add3A_27, %add3A_28 : i32
      %dma_start3A_30 = tpu.memref_slice %arg3[%add3A_29] : memref<160000xi32, #tpu.memory_space<hbm>> -> memref<128xi32, #tpu.memory_space<hbm>>
      %dma_start3A_31 = tpu.memref_slice %arg3[%add3A_29] : memref<160000xi32, #tpu.memory_space<hbm>> -> memref<128xi32, #tpu.memory_space<hbm>>
      tpu.enqueue_dma source(%dma_start3A_31 : memref<128xi32, #tpu.memory_space<hbm>>) target(%arg6 : memref<128xi32, #tpu.memory_space<vmem>>) target_semaphore(%arg12 : memref<!tpu.dma_semaphore, #tpu.memory_space<semaphore_mem>>)
      %add3A_32 = arith.constant 128 : i32
      %add3A_33 = arith.addi %add3A_27, %add3A_32 : i32
      %dma_start3A_34 = tpu.memref_slice %arg3[%add3A_33] : memref<160000xi32, #tpu.memory_space<hbm>> -> memref<128xi32, #tpu.memory_space<hbm>>
      %dma_start3A_35 = tpu.memref_slice %arg3[%add3A_33] : memref<160000xi32, #tpu.memory_space<hbm>> -> memref<128xi32, #tpu.memory_space<hbm>>
      tpu.enqueue_dma source(%dma_start3A_35 : memref<128xi32, #tpu.memory_space<hbm>>) target(%arg7 : memref<128xi32, #tpu.memory_space<vmem>>) target_semaphore(%arg12 : memref<!tpu.dma_semaphore, #tpu.memory_space<semaphore_mem>>)
      %add3A_36 = arith.constant 256 : i32
      %add3A_37 = arith.addi %add3A_27, %add3A_36 : i32
      %dma_start3A_38 = tpu.memref_slice %arg3[%add3A_37] : memref<160000xi32, #tpu.memory_space<hbm>> -> memref<128xi32, #tpu.memory_space<hbm>>
      %dma_start3A_39 = tpu.memref_slice %arg3[%add3A_37] : memref<160000xi32, #tpu.memory_space<hbm>> -> memref<128xi32, #tpu.memory_space<hbm>>
      tpu.enqueue_dma source(%dma_start3A_39 : memref<128xi32, #tpu.memory_space<hbm>>) target(%arg8 : memref<128xi32, #tpu.memory_space<vmem>>) target_semaphore(%arg12 : memref<!tpu.dma_semaphore, #tpu.memory_space<semaphore_mem>>)
      "tpu.region"() ({
        %run_scoped3A = tpu.sem_alloc : memref<!tpu.dma_semaphore, #tpu.memory_space<semaphore_mem>>
        %dma_start3A_46 = arith.constant 0 : i32
        %dma_start3A_47 = arith.constant 0 : i32
        %dma_start3A_48 = tpu.memref_slice %arg10[%dma_start3A_46, %dma_start3A_47] : memref<384x128xf32, #tpu.memory_space<vmem>> -> memref<384x128xf32, #tpu.memory_space<vmem>>
        %dma_start3A_49 = arith.constant 0 : i32
        %dma_start3A_50 = tpu.memref_slice %arg2[%add3A_27, %dma_start3A_49] : memref<160000x128xf32, #tpu.memory_space<hbm>> -> memref<384x128xf32, #tpu.memory_space<hbm>>
        %dma_start3A_51 = arith.constant 0 : i32
        %dma_start3A_52 = arith.constant 0 : i32
        %dma_start3A_53 = tpu.memref_slice %arg10[%dma_start3A_51, %dma_start3A_52] : memref<384x128xf32, #tpu.memory_space<vmem>> -> memref<384x128xf32, #tpu.memory_space<vmem>>
        %dma_start3A_54 = arith.constant 0 : i32
        %dma_start3A_55 = tpu.memref_slice %arg2[%add3A_27, %dma_start3A_54] : memref<160000x128xf32, #tpu.memory_space<hbm>> -> memref<384x128xf32, #tpu.memory_space<hbm>>
        tpu.enqueue_dma source(%dma_start3A_55 : memref<384x128xf32, #tpu.memory_space<hbm>>) target(%dma_start3A_53 : memref<384x128xf32, #tpu.memory_space<vmem>>) target_semaphore(%run_scoped3A : memref<!tpu.dma_semaphore, #tpu.memory_space<semaphore_mem>>)
        %dma_wait3A_56 = arith.constant 0 : i32
        %dma_wait3A_57 = arith.constant 0 : i32
        %dma_wait3A_58 = tpu.memref_slice %arg10[%dma_wait3A_56, %dma_wait3A_57] : memref<384x128xf32, #tpu.memory_space<vmem>> -> memref<384x128xf32, #tpu.memory_space<vmem>>
        %dma_wait3A_59 = arith.constant 0 : i32
        %dma_wait3A_60 = tpu.memref_slice %arg2[%add3A_27, %dma_wait3A_59] : memref<160000x128xf32, #tpu.memory_space<hbm>> -> memref<384x128xf32, #tpu.memory_space<hbm>>
        %dma_wait3A_61 = arith.constant 0 : i32
        %dma_wait3A_62 = arith.constant 0 : i32
        %dma_wait3A_63 = tpu.memref_slice %arg10[%dma_wait3A_61, %dma_wait3A_62] : memref<384x128xf32, #tpu.memory_space<vmem>> -> memref<384x128xf32, #tpu.memory_space<vmem>>
        %dma_wait3A_64 = arith.constant 0 : i32
        %dma_wait3A_65 = tpu.memref_slice %arg2[%add3A_27, %dma_wait3A_64] : memref<160000x128xf32, #tpu.memory_space<hbm>> -> memref<384x128xf32, #tpu.memory_space<hbm>>
        tpu.wait_dma2 semaphore(%run_scoped3A : memref<!tpu.dma_semaphore, #tpu.memory_space<semaphore_mem>>) src(%dma_wait3A_65 : memref<384x128xf32, #tpu.memory_space<hbm>>) dst(%dma_wait3A_63 : memref<384x128xf32, #tpu.memory_space<vmem>>)
        tpu.yield
      }) : () -> ()
      %dma_wait3A_40 = tpu.memref_slice %arg3[%add3A_29] : memref<160000xi32, #tpu.memory_space<hbm>> -> memref<128xi32, #tpu.memory_space<hbm>>
      %dma_wait3A_41 = tpu.memref_slice %arg3[%add3A_29] : memref<160000xi32, #tpu.memory_space<hbm>> -> memref<128xi32, #tpu.memory_space<hbm>>
      tpu.wait_dma2 semaphore(%arg12 : memref<!tpu.dma_semaphore, #tpu.memory_space<semaphore_mem>>) src(%dma_wait3A_41 : memref<128xi32, #tpu.memory_space<hbm>>) dst(%arg6 : memref<128xi32, #tpu.memory_space<vmem>>)
      %dma_wait3A_42 = tpu.memref_slice %arg3[%add3A_33] : memref<160000xi32, #tpu.memory_space<hbm>> -> memref<128xi32, #tpu.memory_space<hbm>>
      %dma_wait3A_43 = tpu.memref_slice %arg3[%add3A_33] : memref<160000xi32, #tpu.memory_space<hbm>> -> memref<128xi32, #tpu.memory_space<hbm>>
      tpu.wait_dma2 semaphore(%arg12 : memref<!tpu.dma_semaphore, #tpu.memory_space<semaphore_mem>>) src(%dma_wait3A_43 : memref<128xi32, #tpu.memory_space<hbm>>) dst(%arg7 : memref<128xi32, #tpu.memory_space<vmem>>)
      %dma_wait3A_44 = tpu.memref_slice %arg3[%add3A_37] : memref<160000xi32, #tpu.memory_space<hbm>> -> memref<128xi32, #tpu.memory_space<hbm>>
      %dma_wait3A_45 = tpu.memref_slice %arg3[%add3A_37] : memref<160000xi32, #tpu.memory_space<hbm>> -> memref<128xi32, #tpu.memory_space<hbm>>
      tpu.wait_dma2 semaphore(%arg12 : memref<!tpu.dma_semaphore, #tpu.memory_space<semaphore_mem>>) src(%dma_wait3A_45 : memref<128xi32, #tpu.memory_space<hbm>>) dst(%arg8 : memref<128xi32, #tpu.memory_space<vmem>>)
      "tpu.region"() ({
        %run_scoped3A = tpu.sem_alloc : memref<!tpu.dma_semaphore, #tpu.memory_space<semaphore_mem>>
        %dma_start3A_46 = arith.constant 0 : i32
        %dma_start3A_47 = arith.constant 0 : i32
        %dma_start3A_48 = tpu.memref_slice %arg10[%dma_start3A_46, %dma_start3A_47] : memref<384x128xf32, #tpu.memory_space<vmem>> -> memref<128x128xf32, #tpu.memory_space<vmem>>
        %dma_start3A_49 = arith.constant 0 : i32
        %dma_start3A_50 = arith.constant 0 : i32
        %dma_start3A_51 = tpu.memref_slice %arg11[%dma_start3A_49, %dma_start3A_50] : memref<10000x128xf32, #tpu.memory_space<vmem_shared>> -> memref<10000x128xf32, #tpu.memory_space<vmem_shared>>
        tpu.enqueue_indirect_dma source(%dma_start3A_48 : memref<128x128xf32, #tpu.memory_space<vmem>>) target(%dma_start3A_51 : memref<10000x128xf32, #tpu.memory_space<vmem_shared>>) offsets(%arg6 : memref<128xi32, #tpu.memory_space<vmem>>) semaphore(%run_scoped3A : memref<!tpu.dma_semaphore, #tpu.memory_space<semaphore_mem>>) {add = true}
        %dma_wait3A_52 = arith.constant 0 : i32
        %dma_wait3A_53 = arith.constant 0 : i32
        %dma_wait3A_54 = tpu.memref_slice %arg10[%dma_wait3A_52, %dma_wait3A_53] : memref<384x128xf32, #tpu.memory_space<vmem>> -> memref<128x128xf32, #tpu.memory_space<vmem>>
        %dma_wait3A_55 = arith.constant 0 : i32
        %dma_wait3A_56 = arith.constant 0 : i32
        %dma_wait3A_57 = tpu.memref_slice %arg11[%dma_wait3A_55, %dma_wait3A_56] : memref<10000x128xf32, #tpu.memory_space<vmem_shared>> -> memref<10000x128xf32, #tpu.memory_space<vmem_shared>>
        tpu.wait_indirect_dma semaphore(%run_scoped3A : memref<!tpu.dma_semaphore, #tpu.memory_space<semaphore_mem>>) src(%dma_wait3A_54 : memref<128x128xf32, #tpu.memory_space<vmem>>) dst(%dma_wait3A_57 : memref<10000x128xf32, #tpu.memory_space<vmem_shared>>)
        tpu.yield
      }) : () -> ()
      "tpu.region"() ({
        %run_scoped3A = tpu.sem_alloc : memref<!tpu.dma_semaphore, #tpu.memory_space<semaphore_mem>>
        %dma_start3A_46 = arith.constant 128 : i32
        %dma_start3A_47 = arith.constant 0 : i32
        %dma_start3A_48 = tpu.memref_slice %arg10[%dma_start3A_46, %dma_start3A_47] : memref<384x128xf32, #tpu.memory_space<vmem>> -> memref<128x128xf32, #tpu.memory_space<vmem>>
        %dma_start3A_49 = arith.constant 0 : i32
        %dma_start3A_50 = arith.constant 0 : i32
        %dma_start3A_51 = tpu.memref_slice %arg11[%dma_start3A_49, %dma_start3A_50] : memref<10000x128xf32, #tpu.memory_space<vmem_shared>> -> memref<10000x128xf32, #tpu.memory_space<vmem_shared>>
        tpu.enqueue_indirect_dma source(%dma_start3A_48 : memref<128x128xf32, #tpu.memory_space<vmem>>) target(%dma_start3A_51 : memref<10000x128xf32, #tpu.memory_space<vmem_shared>>) offsets(%arg7 : memref<128xi32, #tpu.memory_space<vmem>>) semaphore(%run_scoped3A : memref<!tpu.dma_semaphore, #tpu.memory_space<semaphore_mem>>) {add = true}
        %dma_wait3A_52 = arith.constant 128 : i32
        %dma_wait3A_53 = arith.constant 0 : i32
        %dma_wait3A_54 = tpu.memref_slice %arg10[%dma_wait3A_52, %dma_wait3A_53] : memref<384x128xf32, #tpu.memory_space<vmem>> -> memref<128x128xf32, #tpu.memory_space<vmem>>
        %dma_wait3A_55 = arith.constant 0 : i32
        %dma_wait3A_56 = arith.constant 0 : i32
        %dma_wait3A_57 = tpu.memref_slice %arg11[%dma_wait3A_55, %dma_wait3A_56] : memref<10000x128xf32, #tpu.memory_space<vmem_shared>> -> memref<10000x128xf32, #tpu.memory_space<vmem_shared>>
        tpu.wait_indirect_dma semaphore(%run_scoped3A : memref<!tpu.dma_semaphore, #tpu.memory_space<semaphore_mem>>) src(%dma_wait3A_54 : memref<128x128xf32, #tpu.memory_space<vmem>>) dst(%dma_wait3A_57 : memref<10000x128xf32, #tpu.memory_space<vmem_shared>>)
        tpu.yield
      }) : () -> ()
      "tpu.region"() ({
        %run_scoped3A = tpu.sem_alloc : memref<!tpu.dma_semaphore, #tpu.memory_space<semaphore_mem>>
        %dma_start3A_46 = arith.constant 256 : i32
        %dma_start3A_47 = arith.constant 0 : i32
        %dma_start3A_48 = tpu.memref_slice %arg10[%dma_start3A_46, %dma_start3A_47] : memref<384x128xf32, #tpu.memory_space<vmem>> -> memref<128x128xf32, #tpu.memory_space<vmem>>
        %dma_start3A_49 = arith.constant 0 : i32
        %dma_start3A_50 = arith.constant 0 : i32
        %dma_start3A_51 = tpu.memref_slice %arg11[%dma_start3A_49, %dma_start3A_50] : memref<10000x128xf32, #tpu.memory_space<vmem_shared>> -> memref<10000x128xf32, #tpu.memory_space<vmem_shared>>
        tpu.enqueue_indirect_dma source(%dma_start3A_48 : memref<128x128xf32, #tpu.memory_space<vmem>>) target(%dma_start3A_51 : memref<10000x128xf32, #tpu.memory_space<vmem_shared>>) offsets(%arg8 : memref<128xi32, #tpu.memory_space<vmem>>) semaphore(%run_scoped3A : memref<!tpu.dma_semaphore, #tpu.memory_space<semaphore_mem>>) {add = true}
        %dma_wait3A_52 = arith.constant 256 : i32
        %dma_wait3A_53 = arith.constant 0 : i32
        %dma_wait3A_54 = tpu.memref_slice %arg10[%dma_wait3A_52, %dma_wait3A_53] : memref<384x128xf32, #tpu.memory_space<vmem>> -> memref<128x128xf32, #tpu.memory_space<vmem>>
        %dma_wait3A_55 = arith.constant 0 : i32
        %dma_wait3A_56 = arith.constant 0 : i32
        %dma_wait3A_57 = tpu.memref_slice %arg11[%dma_wait3A_55, %dma_wait3A_56] : memref<10000x128xf32, #tpu.memory_space<vmem_shared>> -> memref<10000x128xf32, #tpu.memory_space<vmem_shared>>
        tpu.wait_indirect_dma semaphore(%run_scoped3A : memref<!tpu.dma_semaphore, #tpu.memory_space<semaphore_mem>>) src(%dma_wait3A_54 : memref<128x128xf32, #tpu.memory_space<vmem>>) dst(%dma_wait3A_57 : memref<10000x128xf32, #tpu.memory_space<vmem_shared>>)
        tpu.yield
      }) : () -> ()
    }
    %scan3A_7 = arith.constant 13 : i32
    %mul3A_8 = arith.constant 5000 : i32
    %mul3A_9 = arith.muli %add3A, %mul3A_8 : i32
    %add3A_10 = arith.constant 4992 : i32
    %add3A_11 = arith.addi %mul3A_9, %add3A_10 : i32
    %add3A_12 = arith.constant 0 : i32
    %add3A_13 = arith.addi %add3A_11, %add3A_12 : i32
    %dma_start3A = tpu.memref_slice %arg3[%add3A_13] : memref<160000xi32, #tpu.memory_space<hbm>> -> memref<8xi32, #tpu.memory_space<hbm>>
    %dma_start3A_14 = tpu.memref_slice %arg3[%add3A_13] : memref<160000xi32, #tpu.memory_space<hbm>> -> memref<8xi32, #tpu.memory_space<hbm>>
    tpu.enqueue_dma source(%dma_start3A_14 : memref<8xi32, #tpu.memory_space<hbm>>) target(%arg9 : memref<8xi32, #tpu.memory_space<vmem>>) target_semaphore(%arg12 : memref<!tpu.dma_semaphore, #tpu.memory_space<semaphore_mem>>)
    "tpu.region"() ({
      %run_scoped3A = tpu.sem_alloc : memref<!tpu.dma_semaphore, #tpu.memory_space<semaphore_mem>>
      %dma_start3A_22 = arith.constant 0 : i32
      %dma_start3A_23 = arith.constant 0 : i32
      %dma_start3A_24 = tpu.memref_slice %arg10[%dma_start3A_22, %dma_start3A_23] : memref<384x128xf32, #tpu.memory_space<vmem>> -> memref<8x128xf32, #tpu.memory_space<vmem>>
      %dma_start3A_25 = arith.constant 0 : i32
      %dma_start3A_26 = tpu.memref_slice %arg2[%add3A_11, %dma_start3A_25] : memref<160000x128xf32, #tpu.memory_space<hbm>> -> memref<8x128xf32, #tpu.memory_space<hbm>>
      %dma_start3A_27 = arith.constant 0 : i32
      %dma_start3A_28 = arith.constant 0 : i32
      %dma_start3A_29 = tpu.memref_slice %arg10[%dma_start3A_27, %dma_start3A_28] : memref<384x128xf32, #tpu.memory_space<vmem>> -> memref<8x128xf32, #tpu.memory_space<vmem>>
      %dma_start3A_30 = arith.constant 0 : i32
      %dma_start3A_31 = tpu.memref_slice %arg2[%add3A_11, %dma_start3A_30] : memref<160000x128xf32, #tpu.memory_space<hbm>> -> memref<8x128xf32, #tpu.memory_space<hbm>>
      tpu.enqueue_dma source(%dma_start3A_31 : memref<8x128xf32, #tpu.memory_space<hbm>>) target(%dma_start3A_29 : memref<8x128xf32, #tpu.memory_space<vmem>>) target_semaphore(%run_scoped3A : memref<!tpu.dma_semaphore, #tpu.memory_space<semaphore_mem>>)
      %dma_wait3A_32 = arith.constant 0 : i32
      %dma_wait3A_33 = arith.constant 0 : i32
      %dma_wait3A_34 = tpu.memref_slice %arg10[%dma_wait3A_32, %dma_wait3A_33] : memref<384x128xf32, #tpu.memory_space<vmem>> -> memref<8x128xf32, #tpu.memory_space<vmem>>
      %dma_wait3A_35 = arith.constant 0 : i32
      %dma_wait3A_36 = tpu.memref_slice %arg2[%add3A_11, %dma_wait3A_35] : memref<160000x128xf32, #tpu.memory_space<hbm>> -> memref<8x128xf32, #tpu.memory_space<hbm>>
      %dma_wait3A_37 = arith.constant 0 : i32
      %dma_wait3A_38 = arith.constant 0 : i32
      %dma_wait3A_39 = tpu.memref_slice %arg10[%dma_wait3A_37, %dma_wait3A_38] : memref<384x128xf32, #tpu.memory_space<vmem>> -> memref<8x128xf32, #tpu.memory_space<vmem>>
      %dma_wait3A_40 = arith.constant 0 : i32
      %dma_wait3A_41 = tpu.memref_slice %arg2[%add3A_11, %dma_wait3A_40] : memref<160000x128xf32, #tpu.memory_space<hbm>> -> memref<8x128xf32, #tpu.memory_space<hbm>>
      tpu.wait_dma2 semaphore(%run_scoped3A : memref<!tpu.dma_semaphore, #tpu.memory_space<semaphore_mem>>) src(%dma_wait3A_41 : memref<8x128xf32, #tpu.memory_space<hbm>>) dst(%dma_wait3A_39 : memref<8x128xf32, #tpu.memory_space<vmem>>)
      tpu.yield
    }) : () -> ()
    %dma_wait3A = tpu.memref_slice %arg3[%add3A_13] : memref<160000xi32, #tpu.memory_space<hbm>> -> memref<8xi32, #tpu.memory_space<hbm>>
    %dma_wait3A_15 = tpu.memref_slice %arg3[%add3A_13] : memref<160000xi32, #tpu.memory_space<hbm>> -> memref<8xi32, #tpu.memory_space<hbm>>
    tpu.wait_dma2 semaphore(%arg12 : memref<!tpu.dma_semaphore, #tpu.memory_space<semaphore_mem>>) src(%dma_wait3A_15 : memref<8xi32, #tpu.memory_space<hbm>>) dst(%arg9 : memref<8xi32, #tpu.memory_space<vmem>>)
    "tpu.region"() ({
      %run_scoped3A = tpu.sem_alloc : memref<!tpu.dma_semaphore, #tpu.memory_space<semaphore_mem>>
      %dma_start3A_22 = arith.constant 0 : i32
      %dma_start3A_23 = arith.constant 0 : i32
      %dma_start3A_24 = tpu.memref_slice %arg10[%dma_start3A_22, %dma_start3A_23] : memref<384x128xf32, #tpu.memory_space<vmem>> -> memref<8x128xf32, #tpu.memory_space<vmem>>
      %dma_start3A_25 = arith.constant 0 : i32
      %dma_start3A_26 = arith.constant 0 : i32
      %dma_start3A_27 = tpu.memref_slice %arg11[%dma_start3A_25, %dma_start3A_26] : memref<10000x128xf32, #tpu.memory_space<vmem_shared>> -> memref<10000x128xf32, #tpu.memory_space<vmem_shared>>
      tpu.enqueue_indirect_dma source(%dma_start3A_24 : memref<8x128xf32, #tpu.memory_space<vmem>>) target(%dma_start3A_27 : memref<10000x128xf32, #tpu.memory_space<vmem_shared>>) offsets(%arg9 : memref<8xi32, #tpu.memory_space<vmem>>) semaphore(%run_scoped3A : memref<!tpu.dma_semaphore, #tpu.memory_space<semaphore_mem>>) {add = true}
      %dma_wait3A_28 = arith.constant 0 : i32
      %dma_wait3A_29 = arith.constant 0 : i32
      %dma_wait3A_30 = tpu.memref_slice %arg10[%dma_wait3A_28, %dma_wait3A_29] : memref<384x128xf32, #tpu.memory_space<vmem>> -> memref<8x128xf32, #tpu.memory_space<vmem>>
      %dma_wait3A_31 = arith.constant 0 : i32
      %dma_wait3A_32 = arith.constant 0 : i32
      %dma_wait3A_33 = tpu.memref_slice %arg11[%dma_wait3A_31, %dma_wait3A_32] : memref<10000x128xf32, #tpu.memory_space<vmem_shared>> -> memref<10000x128xf32, #tpu.memory_space<vmem_shared>>
      tpu.wait_indirect_dma semaphore(%run_scoped3A : memref<!tpu.dma_semaphore, #tpu.memory_space<semaphore_mem>>) src(%dma_wait3A_30 : memref<8x128xf32, #tpu.memory_space<vmem>>) dst(%dma_wait3A_33 : memref<10000x128xf32, #tpu.memory_space<vmem_shared>>)
      tpu.yield
    }) : () -> ()
    %barrier3A_16 = arith.constant 0 : index
    tpu.barrier barrier_id(%barrier3A_16)
    %lt3A_17 = arith.constant 10 : i32
    %lt3A_18 = arith.cmpi slt, %arg1, %lt3A_17 : i32
    %convert_element_type3A_19 = arith.extui %lt3A_18 : i1 to i32
    %cond3A_20 = arith.constant 0 : i32
    %cond3A_21 = arith.cmpi ne, %convert_element_type3A_19, %cond3A_20 : i32
    scf.if %cond3A_21 {
      %mul3A_22 = arith.constant 1000 : i32
      %mul3A_23 = arith.muli %arg1, %mul3A_22 : i32
      %mul3A_24 = arith.constant 10000 : i32
      %mul3A_25 = arith.muli %arg0, %mul3A_24 : i32
      %mul3A_26 = arith.constant 1000 : i32
      %mul3A_27 = arith.muli %arg1, %mul3A_26 : i32
      %add3A_28 = arith.addi %mul3A_25, %mul3A_27 : i32
      "tpu.region"() ({
        %run_scoped3A = tpu.sem_alloc : memref<!tpu.dma_semaphore, #tpu.memory_space<semaphore_mem>>
        %dma_start3A_29 = arith.constant 0 : i32
        %dma_start3A_30 = tpu.memref_slice %arg5[%add3A_28, %dma_start3A_29] : memref<20000x128xf32, #tpu.memory_space<hbm>> -> memref<1000x128xf32, #tpu.memory_space<hbm>>
        %dma_start3A_31 = arith.constant 0 : i32
        %dma_start3A_32 = tpu.memref_slice %arg11[%mul3A_23, %dma_start3A_31] : memref<10000x128xf32, #tpu.memory_space<vmem_shared>> -> memref<1000x128xf32, #tpu.memory_space<vmem_shared>>
        tpu.enqueue_dma source(%dma_start3A_32 : memref<1000x128xf32, #tpu.memory_space<vmem_shared>>) target(%dma_start3A_30 : memref<1000x128xf32, #tpu.memory_space<hbm>>) target_semaphore(%run_scoped3A : memref<!tpu.dma_semaphore, #tpu.memory_space<semaphore_mem>>)
        %dma_wait3A_33 = arith.constant 0 : i32
        %dma_wait3A_34 = tpu.memref_slice %arg5[%add3A_28, %dma_wait3A_33] : memref<20000x128xf32, #tpu.memory_space<hbm>> -> memref<1000x128xf32, #tpu.memory_space<hbm>>
        %dma_wait3A_35 = arith.constant 0 : i32
        %dma_wait3A_36 = tpu.memref_slice %arg11[%mul3A_23, %dma_wait3A_35] : memref<10000x128xf32, #tpu.memory_space<vmem_shared>> -> memref<1000x128xf32, #tpu.memory_space<vmem_shared>>
        tpu.wait_dma2 semaphore(%run_scoped3A : memref<!tpu.dma_semaphore, #tpu.memory_space<semaphore_mem>>) src(%dma_wait3A_36 : memref<1000x128xf32, #tpu.memory_space<vmem_shared>>) dst(%dma_wait3A_34 : memref<1000x128xf32, #tpu.memory_space<hbm>>)
        tpu.yield
      }) : () -> ()
    } else {
    }
    return
  }
}

#map = affine_map<(d0, d1) -> (0, 0)>
#map1 = affine_map<(d0, d1) -> (0)>
module attributes {stable_mosaic.version = 14 : i64} {
  func.func @body_fn(%arg0: i32, %arg1: i32, %arg2: memref<160000x128xf32, #tpu.memory_space<hbm>>, %arg3: memref<160000xi32, #tpu.memory_space<hbm>>, %arg4: memref<10000x128xf32, #tpu.memory_space<hbm>>, %arg5: memref<20000x128xf32, #tpu.memory_space<hbm>>, %arg6: memref<128xi32, #tpu.memory_space<vmem>>, %arg7: memref<128xi32, #tpu.memory_space<vmem>>, %arg8: memref<128xi32, #tpu.memory_space<vmem>>, %arg9: memref<8xi32, #tpu.memory_space<vmem>>, %arg10: memref<384x128xf32, #tpu.memory_space<vmem>>, %arg11: memref<10000x128xf32, #tpu.memory_space<vmem_shared>>, %arg12: memref<!tpu.dma_semaphore, #tpu.memory_space<semaphore_mem>>) attributes {dimension_semantics = [#tpu.dimension_semantics<core_parallel>, #tpu.dimension_semantics<subcore_parallel>], iteration_bounds = array<i64: 2, 16>, scalar_prefetch = 0 : i64, scratch_operands = 7 : i64, tpu.core_type = #tpu.core_type<sc_vector_subcore>, window_params = [{transform_indices = #map}, {transform_indices = #map1}, {transform_indices = #map}, {transform_indices = #map}]} {
    %mul3A = arith.constant 2 : i32
    %mul3A_0 = arith.muli %arg1, %mul3A : i32
    %add3A = arith.addi %mul3A_0, %arg0 : i32
    %lt3A = arith.constant 10 : i32
    %lt3A_1 = arith.cmpi slt, %arg1, %lt3A : i32
    %convert_element_type3A = arith.extui %lt3A_1 : i1 to i32
    %cond3A = arith.constant 0 : i32
    %cond3A_2 = arith.cmpi ne, %convert_element_type3A, %cond3A : i32
    scf.if %cond3A_2 {
      %mul3A_22 = arith.constant 1000 : i32
      %mul3A_23 = arith.muli %arg1, %mul3A_22 : i32
      %mul3A_24 = arith.constant 1000 : i32
      %mul3A_25 = arith.muli %arg1, %mul3A_24 : i32
      "tpu.region"() ({
        %run_scoped3A = tpu.sem_alloc : memref<!tpu.dma_semaphore, #tpu.memory_space<semaphore_mem>>
        %dma_start3A_26 = arith.constant 0 : i32
        %dma_start3A_27 = tpu.memref_slice %arg11[%mul3A_25, %dma_start3A_26] : memref<10000x128xf32, #tpu.memory_space<vmem_shared>> -> memref<1000x128xf32, #tpu.memory_space<vmem_shared>>
        %dma_start3A_28 = arith.constant 0 : i32
        %dma_start3A_29 = tpu.memref_slice %arg4[%mul3A_23, %dma_start3A_28] : memref<10000x128xf32, #tpu.memory_space<hbm>> -> memref<1000x128xf32, #tpu.memory_space<hbm>>
        tpu.enqueue_dma source(%dma_start3A_29 : memref<1000x128xf32, #tpu.memory_space<hbm>>) target(%dma_start3A_27 : memref<1000x128xf32, #tpu.memory_space<vmem_shared>>) target_semaphore(%run_scoped3A : memref<!tpu.dma_semaphore, #tpu.memory_space<semaphore_mem>>)
        %dma_wait3A_30 = arith.constant 0 : i32
        %dma_wait3A_31 = tpu.memref_slice %arg11[%mul3A_25, %dma_wait3A_30] : memref<10000x128xf32, #tpu.memory_space<vmem_shared>> -> memref<1000x128xf32, #tpu.memory_space<vmem_shared>>
        %dma_wait3A_32 = arith.constant 0 : i32
        %dma_wait3A_33 = tpu.memref_slice %arg4[%mul3A_23, %dma_wait3A_32] : memref<10000x128xf32, #tpu.memory_space<hbm>> -> memref<1000x128xf32, #tpu.memory_space<hbm>>
        tpu.wait_dma2 semaphore(%run_scoped3A : memref<!tpu.dma_semaphore, #tpu.memory_space<semaphore_mem>>) src(%dma_wait3A_33 : memref<1000x128xf32, #tpu.memory_space<hbm>>) dst(%dma_wait3A_31 : memref<1000x128xf32, #tpu.memory_space<vmem_shared>>)
        tpu.yield
      }) : () -> ()
    } else {
    }
    %barrier3A = arith.constant 0 : index
    tpu.barrier barrier_id(%barrier3A)
    %scan3A = arith.constant 0 : i32
    %scan3A_3 = arith.constant 0 : i32
    %scan3A_4 = arith.constant 13 : i32
    %scan3A_5 = arith.addi %scan3A_3, %scan3A_4 : i32
    %scan3A_6 = arith.constant 1 : i32
    scf.for %scan3A_22 = %scan3A_3 to %scan3A_5 step %scan3A_6  : i32 {
      %mul3A_23 = arith.constant 5000 : i32
      %mul3A_24 = arith.muli %add3A, %mul3A_23 : i32
      %mul3A_25 = arith.constant 384 : i32
      %mul3A_26 = arith.muli %scan3A_22, %mul3A_25 : i32
      %add3A_27 = arith.addi %mul3A_24, %mul3A_26 : i32
      %add3A_28 = arith.constant 0 : i32
      %add3A_29 = arith.addi %add3A_27, %add3A_28 : i32
      %dma_start3A_30 = tpu.memref_slice %arg3[%add3A_29] : memref<160000xi32, #tpu.memory_space<hbm>> -> memref<128xi32, #tpu.memory_space<hbm>>
      %dma_start3A_31 = tpu.memref_slice %arg3[%add3A_29] : memref<160000xi32, #tpu.memory_space<hbm>> -> memref<128xi32, #tpu.memory_space<hbm>>
      tpu.enqueue_dma source(%dma_start3A_31 : memref<128xi32, #tpu.memory_space<hbm>>) target(%arg6 : memref<128xi32, #tpu.memory_space<vmem>>) target_semaphore(%arg12 : memref<!tpu.dma_semaphore, #tpu.memory_space<semaphore_mem>>)
      %add3A_32 = arith.constant 128 : i32
      %add3A_33 = arith.addi %add3A_27, %add3A_32 : i32
      %dma_start3A_34 = tpu.memref_slice %arg3[%add3A_33] : memref<160000xi32, #tpu.memory_space<hbm>> -> memref<128xi32, #tpu.memory_space<hbm>>
      %dma_start3A_35 = tpu.memref_slice %arg3[%add3A_33] : memref<160000xi32, #tpu.memory_space<hbm>> -> memref<128xi32, #tpu.memory_space<hbm>>
      tpu.enqueue_dma source(%dma_start3A_35 : memref<128xi32, #tpu.memory_space<hbm>>) target(%arg7 : memref<128xi32, #tpu.memory_space<vmem>>) target_semaphore(%arg12 : memref<!tpu.dma_semaphore, #tpu.memory_space<semaphore_mem>>)
      %add3A_36 = arith.constant 256 : i32
      %add3A_37 = arith.addi %add3A_27, %add3A_36 : i32
      %dma_start3A_38 = tpu.memref_slice %arg3[%add3A_37] : memref<160000xi32, #tpu.memory_space<hbm>> -> memref<128xi32, #tpu.memory_space<hbm>>
      %dma_start3A_39 = tpu.memref_slice %arg3[%add3A_37] : memref<160000xi32, #tpu.memory_space<hbm>> -> memref<128xi32, #tpu.memory_space<hbm>>
      tpu.enqueue_dma source(%dma_start3A_39 : memref<128xi32, #tpu.memory_space<hbm>>) target(%arg8 : memref<128xi32, #tpu.memory_space<vmem>>) target_semaphore(%arg12 : memref<!tpu.dma_semaphore, #tpu.memory_space<semaphore_mem>>)
      "tpu.region"() ({
        %run_scoped3A = tpu.sem_alloc : memref<!tpu.dma_semaphore, #tpu.memory_space<semaphore_mem>>
        %dma_start3A_46 = arith.constant 0 : i32
        %dma_start3A_47 = arith.constant 0 : i32
        %dma_start3A_48 = tpu.memref_slice %arg10[%dma_start3A_46, %dma_start3A_47] : memref<384x128xf32, #tpu.memory_space<vmem>> -> memref<384x128xf32, #tpu.memory_space<vmem>>
        %dma_start3A_49 = arith.constant 0 : i32
        %dma_start3A_50 = tpu.memref_slice %arg2[%add3A_27, %dma_start3A_49] : memref<160000x128xf32, #tpu.memory_space<hbm>> -> memref<384x128xf32, #tpu.memory_space<hbm>>
        %dma_start3A_51 = arith.constant 0 : i32
        %dma_start3A_52 = arith.constant 0 : i32
        %dma_start3A_53 = tpu.memref_slice %arg10[%dma_start3A_51, %dma_start3A_52] : memref<384x128xf32, #tpu.memory_space<vmem>> -> memref<384x128xf32, #tpu.memory_space<vmem>>
        %dma_start3A_54 = arith.constant 0 : i32
        %dma_start3A_55 = tpu.memref_slice %arg2[%add3A_27, %dma_start3A_54] : memref<160000x128xf32, #tpu.memory_space<hbm>> -> memref<384x128xf32, #tpu.memory_space<hbm>>
        tpu.enqueue_dma source(%dma_start3A_55 : memref<384x128xf32, #tpu.memory_space<hbm>>) target(%dma_start3A_53 : memref<384x128xf32, #tpu.memory_space<vmem>>) target_semaphore(%run_scoped3A : memref<!tpu.dma_semaphore, #tpu.memory_space<semaphore_mem>>)
        %dma_wait3A_56 = arith.constant 0 : i32
        %dma_wait3A_57 = arith.constant 0 : i32
        %dma_wait3A_58 = tpu.memref_slice %arg10[%dma_wait3A_56, %dma_wait3A_57] : memref<384x128xf32, #tpu.memory_space<vmem>> -> memref<384x128xf32, #tpu.memory_space<vmem>>
        %dma_wait3A_59 = arith.constant 0 : i32
        %dma_wait3A_60 = tpu.memref_slice %arg2[%add3A_27, %dma_wait3A_59] : memref<160000x128xf32, #tpu.memory_space<hbm>> -> memref<384x128xf32, #tpu.memory_space<hbm>>
        %dma_wait3A_61 = arith.constant 0 : i32
        %dma_wait3A_62 = arith.constant 0 : i32
        %dma_wait3A_63 = tpu.memref_slice %arg10[%dma_wait3A_61, %dma_wait3A_62] : memref<384x128xf32, #tpu.memory_space<vmem>> -> memref<384x128xf32, #tpu.memory_space<vmem>>
        %dma_wait3A_64 = arith.constant 0 : i32
        %dma_wait3A_65 = tpu.memref_slice %arg2[%add3A_27, %dma_wait3A_64] : memref<160000x128xf32, #tpu.memory_space<hbm>> -> memref<384x128xf32, #tpu.memory_space<hbm>>
        tpu.wait_dma2 semaphore(%run_scoped3A : memref<!tpu.dma_semaphore, #tpu.memory_space<semaphore_mem>>) src(%dma_wait3A_65 : memref<384x128xf32, #tpu.memory_space<hbm>>) dst(%dma_wait3A_63 : memref<384x128xf32, #tpu.memory_space<vmem>>)
        tpu.yield
      }) : () -> ()
      %dma_wait3A_40 = tpu.memref_slice %arg3[%add3A_29] : memref<160000xi32, #tpu.memory_space<hbm>> -> memref<128xi32, #tpu.memory_space<hbm>>
      %dma_wait3A_41 = tpu.memref_slice %arg3[%add3A_29] : memref<160000xi32, #tpu.memory_space<hbm>> -> memref<128xi32, #tpu.memory_space<hbm>>
      tpu.wait_dma2 semaphore(%arg12 : memref<!tpu.dma_semaphore, #tpu.memory_space<semaphore_mem>>) src(%dma_wait3A_41 : memref<128xi32, #tpu.memory_space<hbm>>) dst(%arg6 : memref<128xi32, #tpu.memory_space<vmem>>)
      %dma_wait3A_42 = tpu.memref_slice %arg3[%add3A_33] : memref<160000xi32, #tpu.memory_space<hbm>> -> memref<128xi32, #tpu.memory_space<hbm>>
      %dma_wait3A_43 = tpu.memref_slice %arg3[%add3A_33] : memref<160000xi32, #tpu.memory_space<hbm>> -> memref<128xi32, #tpu.memory_space<hbm>>
      tpu.wait_dma2 semaphore(%arg12 : memref<!tpu.dma_semaphore, #tpu.memory_space<semaphore_mem>>) src(%dma_wait3A_43 : memref<128xi32, #tpu.memory_space<hbm>>) dst(%arg7 : memref<128xi32, #tpu.memory_space<vmem>>)
      %dma_wait3A_44 = tpu.memref_slice %arg3[%add3A_37] : memref<160000xi32, #tpu.memory_space<hbm>> -> memref<128xi32, #tpu.memory_space<hbm>>
      %dma_wait3A_45 = tpu.memref_slice %arg3[%add3A_37] : memref<160000xi32, #tpu.memory_space<hbm>> -> memref<128xi32, #tpu.memory_space<hbm>>
      tpu.wait_dma2 semaphore(%arg12 : memref<!tpu.dma_semaphore, #tpu.memory_space<semaphore_mem>>) src(%dma_wait3A_45 : memref<128xi32, #tpu.memory_space<hbm>>) dst(%arg8 : memref<128xi32, #tpu.memory_space<vmem>>)
      "tpu.region"() ({
        %run_scoped3A = tpu.sem_alloc : memref<!tpu.dma_semaphore, #tpu.memory_space<semaphore_mem>>
        %dma_start3A_46 = arith.constant 0 : i32
        %dma_start3A_47 = arith.constant 0 : i32
        %dma_start3A_48 = tpu.memref_slice %arg10[%dma_start3A_46, %dma_start3A_47] : memref<384x128xf32, #tpu.memory_space<vmem>> -> memref<128x128xf32, #tpu.memory_space<vmem>>
        %dma_start3A_49 = arith.constant 0 : i32
        %dma_start3A_50 = arith.constant 0 : i32
        %dma_start3A_51 = tpu.memref_slice %arg11[%dma_start3A_49, %dma_start3A_50] : memref<10000x128xf32, #tpu.memory_space<vmem_shared>> -> memref<10000x128xf32, #tpu.memory_space<vmem_shared>>
        tpu.enqueue_indirect_dma source(%dma_start3A_48 : memref<128x128xf32, #tpu.memory_space<vmem>>) target(%dma_start3A_51 : memref<10000x128xf32, #tpu.memory_space<vmem_shared>>) offsets(%arg6 : memref<128xi32, #tpu.memory_space<vmem>>) semaphore(%run_scoped3A : memref<!tpu.dma_semaphore, #tpu.memory_space<semaphore_mem>>) {add = true}
        %dma_wait3A_52 = arith.constant 0 : i32
        %dma_wait3A_53 = arith.constant 0 : i32
        %dma_wait3A_54 = tpu.memref_slice %arg10[%dma_wait3A_52, %dma_wait3A_53] : memref<384x128xf32, #tpu.memory_space<vmem>> -> memref<128x128xf32, #tpu.memory_space<vmem>>
        %dma_wait3A_55 = arith.constant 0 : i32
        %dma_wait3A_56 = arith.constant 0 : i32
        %dma_wait3A_57 = tpu.memref_slice %arg11[%dma_wait3A_55, %dma_wait3A_56] : memref<10000x128xf32, #tpu.memory_space<vmem_shared>> -> memref<10000x128xf32, #tpu.memory_space<vmem_shared>>
        tpu.wait_indirect_dma semaphore(%run_scoped3A : memref<!tpu.dma_semaphore, #tpu.memory_space<semaphore_mem>>) src(%dma_wait3A_54 : memref<128x128xf32, #tpu.memory_space<vmem>>) dst(%dma_wait3A_57 : memref<10000x128xf32, #tpu.memory_space<vmem_shared>>)
        tpu.yield
      }) : () -> ()
      "tpu.region"() ({
        %run_scoped3A = tpu.sem_alloc : memref<!tpu.dma_semaphore, #tpu.memory_space<semaphore_mem>>
        %dma_start3A_46 = arith.constant 128 : i32
        %dma_start3A_47 = arith.constant 0 : i32
        %dma_start3A_48 = tpu.memref_slice %arg10[%dma_start3A_46, %dma_start3A_47] : memref<384x128xf32, #tpu.memory_space<vmem>> -> memref<128x128xf32, #tpu.memory_space<vmem>>
        %dma_start3A_49 = arith.constant 0 : i32
        %dma_start3A_50 = arith.constant 0 : i32
        %dma_start3A_51 = tpu.memref_slice %arg11[%dma_start3A_49, %dma_start3A_50] : memref<10000x128xf32, #tpu.memory_space<vmem_shared>> -> memref<10000x128xf32, #tpu.memory_space<vmem_shared>>
        tpu.enqueue_indirect_dma source(%dma_start3A_48 : memref<128x128xf32, #tpu.memory_space<vmem>>) target(%dma_start3A_51 : memref<10000x128xf32, #tpu.memory_space<vmem_shared>>) offsets(%arg7 : memref<128xi32, #tpu.memory_space<vmem>>) semaphore(%run_scoped3A : memref<!tpu.dma_semaphore, #tpu.memory_space<semaphore_mem>>) {add = true}
        %dma_wait3A_52 = arith.constant 128 : i32
        %dma_wait3A_53 = arith.constant 0 : i32
        %dma_wait3A_54 = tpu.memref_slice %arg10[%dma_wait3A_52, %dma_wait3A_53] : memref<384x128xf32, #tpu.memory_space<vmem>> -> memref<128x128xf32, #tpu.memory_space<vmem>>
        %dma_wait3A_55 = arith.constant 0 : i32
        %dma_wait3A_56 = arith.constant 0 : i32
        %dma_wait3A_57 = tpu.memref_slice %arg11[%dma_wait3A_55, %dma_wait3A_56] : memref<10000x128xf32, #tpu.memory_space<vmem_shared>> -> memref<10000x128xf32, #tpu.memory_space<vmem_shared>>
        tpu.wait_indirect_dma semaphore(%run_scoped3A : memref<!tpu.dma_semaphore, #tpu.memory_space<semaphore_mem>>) src(%dma_wait3A_54 : memref<128x128xf32, #tpu.memory_space<vmem>>) dst(%dma_wait3A_57 : memref<10000x128xf32, #tpu.memory_space<vmem_shared>>)
        tpu.yield
      }) : () -> ()
      "tpu.region"() ({
        %run_scoped3A = tpu.sem_alloc : memref<!tpu.dma_semaphore, #tpu.memory_space<semaphore_mem>>
        %dma_start3A_46 = arith.constant 256 : i32
        %dma_start3A_47 = arith.constant 0 : i32
        %dma_start3A_48 = tpu.memref_slice %arg10[%dma_start3A_46, %dma_start3A_47] : memref<384x128xf32, #tpu.memory_space<vmem>> -> memref<128x128xf32, #tpu.memory_space<vmem>>
        %dma_start3A_49 = arith.constant 0 : i32
        %dma_start3A_50 = arith.constant 0 : i32
        %dma_start3A_51 = tpu.memref_slice %arg11[%dma_start3A_49, %dma_start3A_50] : memref<10000x128xf32, #tpu.memory_space<vmem_shared>> -> memref<10000x128xf32, #tpu.memory_space<vmem_shared>>
        tpu.enqueue_indirect_dma source(%dma_start3A_48 : memref<128x128xf32, #tpu.memory_space<vmem>>) target(%dma_start3A_51 : memref<10000x128xf32, #tpu.memory_space<vmem_shared>>) offsets(%arg8 : memref<128xi32, #tpu.memory_space<vmem>>) semaphore(%run_scoped3A : memref<!tpu.dma_semaphore, #tpu.memory_space<semaphore_mem>>) {add = true}
        %dma_wait3A_52 = arith.constant 256 : i32
        %dma_wait3A_53 = arith.constant 0 : i32
        %dma_wait3A_54 = tpu.memref_slice %arg10[%dma_wait3A_52, %dma_wait3A_53] : memref<384x128xf32, #tpu.memory_space<vmem>> -> memref<128x128xf32, #tpu.memory_space<vmem>>
        %dma_wait3A_55 = arith.constant 0 : i32
        %dma_wait3A_56 = arith.constant 0 : i32
        %dma_wait3A_57 = tpu.memref_slice %arg11[%dma_wait3A_55, %dma_wait3A_56] : memref<10000x128xf32, #tpu.memory_space<vmem_shared>> -> memref<10000x128xf32, #tpu.memory_space<vmem_shared>>
        tpu.wait_indirect_dma semaphore(%run_scoped3A : memref<!tpu.dma_semaphore, #tpu.memory_space<semaphore_mem>>) src(%dma_wait3A_54 : memref<128x128xf32, #tpu.memory_space<vmem>>) dst(%dma_wait3A_57 : memref<10000x128xf32, #tpu.memory_space<vmem_shared>>)
        tpu.yield
      }) : () -> ()
    }
    %scan3A_7 = arith.constant 13 : i32
    %mul3A_8 = arith.constant 5000 : i32
    %mul3A_9 = arith.muli %add3A, %mul3A_8 : i32
    %add3A_10 = arith.constant 4992 : i32
    %add3A_11 = arith.addi %mul3A_9, %add3A_10 : i32
    %add3A_12 = arith.constant 0 : i32
    %add3A_13 = arith.addi %add3A_11, %add3A_12 : i32
    %dma_start3A = tpu.memref_slice %arg3[%add3A_13] : memref<160000xi32, #tpu.memory_space<hbm>> -> memref<8xi32, #tpu.memory_space<hbm>>
    %dma_start3A_14 = tpu.memref_slice %arg3[%add3A_13] : memref<160000xi32, #tpu.memory_space<hbm>> -> memref<8xi32, #tpu.memory_space<hbm>>
    tpu.enqueue_dma source(%dma_start3A_14 : memref<8xi32, #tpu.memory_space<hbm>>) target(%arg9 : memref<8xi32, #tpu.memory_space<vmem>>) target_semaphore(%arg12 : memref<!tpu.dma_semaphore, #tpu.memory_space<semaphore_mem>>)
    "tpu.region"() ({
      %run_scoped3A = tpu.sem_alloc : memref<!tpu.dma_semaphore, #tpu.memory_space<semaphore_mem>>
      %dma_start3A_22 = arith.constant 0 : i32
      %dma_start3A_23 = arith.constant 0 : i32
      %dma_start3A_24 = tpu.memref_slice %arg10[%dma_start3A_22, %dma_start3A_23] : memref<384x128xf32, #tpu.memory_space<vmem>> -> memref<8x128xf32, #tpu.memory_space<vmem>>
      %dma_start3A_25 = arith.constant 0 : i32
      %dma_start3A_26 = tpu.memref_slice %arg2[%add3A_11, %dma_start3A_25] : memref<160000x128xf32, #tpu.memory_space<hbm>> -> memref<8x128xf32, #tpu.memory_space<hbm>>
      %dma_start3A_27 = arith.constant 0 : i32
      %dma_start3A_28 = arith.constant 0 : i32
      %dma_start3A_29 = tpu.memref_slice %arg10[%dma_start3A_27, %dma_start3A_28] : memref<384x128xf32, #tpu.memory_space<vmem>> -> memref<8x128xf32, #tpu.memory_space<vmem>>
      %dma_start3A_30 = arith.constant 0 : i32
      %dma_start3A_31 = tpu.memref_slice %arg2[%add3A_11, %dma_start3A_30] : memref<160000x128xf32, #tpu.memory_space<hbm>> -> memref<8x128xf32, #tpu.memory_space<hbm>>
      tpu.enqueue_dma source(%dma_start3A_31 : memref<8x128xf32, #tpu.memory_space<hbm>>) target(%dma_start3A_29 : memref<8x128xf32, #tpu.memory_space<vmem>>) target_semaphore(%run_scoped3A : memref<!tpu.dma_semaphore, #tpu.memory_space<semaphore_mem>>)
      %dma_wait3A_32 = arith.constant 0 : i32
      %dma_wait3A_33 = arith.constant 0 : i32
      %dma_wait3A_34 = tpu.memref_slice %arg10[%dma_wait3A_32, %dma_wait3A_33] : memref<384x128xf32, #tpu.memory_space<vmem>> -> memref<8x128xf32, #tpu.memory_space<vmem>>
      %dma_wait3A_35 = arith.constant 0 : i32
      %dma_wait3A_36 = tpu.memref_slice %arg2[%add3A_11, %dma_wait3A_35] : memref<160000x128xf32, #tpu.memory_space<hbm>> -> memref<8x128xf32, #tpu.memory_space<hbm>>
      %dma_wait3A_37 = arith.constant 0 : i32
      %dma_wait3A_38 = arith.constant 0 : i32
      %dma_wait3A_39 = tpu.memref_slice %arg10[%dma_wait3A_37, %dma_wait3A_38] : memref<384x128xf32, #tpu.memory_space<vmem>> -> memref<8x128xf32, #tpu.memory_space<vmem>>
      %dma_wait3A_40 = arith.constant 0 : i32
      %dma_wait3A_41 = tpu.memref_slice %arg2[%add3A_11, %dma_wait3A_40] : memref<160000x128xf32, #tpu.memory_space<hbm>> -> memref<8x128xf32, #tpu.memory_space<hbm>>
      tpu.wait_dma2 semaphore(%run_scoped3A : memref<!tpu.dma_semaphore, #tpu.memory_space<semaphore_mem>>) src(%dma_wait3A_41 : memref<8x128xf32, #tpu.memory_space<hbm>>) dst(%dma_wait3A_39 : memref<8x128xf32, #tpu.memory_space<vmem>>)
      tpu.yield
    }) : () -> ()
    %dma_wait3A = tpu.memref_slice %arg3[%add3A_13] : memref<160000xi32, #tpu.memory_space<hbm>> -> memref<8xi32, #tpu.memory_space<hbm>>
    %dma_wait3A_15 = tpu.memref_slice %arg3[%add3A_13] : memref<160000xi32, #tpu.memory_space<hbm>> -> memref<8xi32, #tpu.memory_space<hbm>>
    tpu.wait_dma2 semaphore(%arg12 : memref<!tpu.dma_semaphore, #tpu.memory_space<semaphore_mem>>) src(%dma_wait3A_15 : memref<8xi32, #tpu.memory_space<hbm>>) dst(%arg9 : memref<8xi32, #tpu.memory_space<vmem>>)
    "tpu.region"() ({
      %run_scoped3A = tpu.sem_alloc : memref<!tpu.dma_semaphore, #tpu.memory_space<semaphore_mem>>
      %dma_start3A_22 = arith.constant 0 : i32
      %dma_start3A_23 = arith.constant 0 : i32
      %dma_start3A_24 = tpu.memref_slice %arg10[%dma_start3A_22, %dma_start3A_23] : memref<384x128xf32, #tpu.memory_space<vmem>> -> memref<8x128xf32, #tpu.memory_space<vmem>>
      %dma_start3A_25 = arith.constant 0 : i32
      %dma_start3A_26 = arith.constant 0 : i32
      %dma_start3A_27 = tpu.memref_slice %arg11[%dma_start3A_25, %dma_start3A_26] : memref<10000x128xf32, #tpu.memory_space<vmem_shared>> -> memref<10000x128xf32, #tpu.memory_space<vmem_shared>>
      tpu.enqueue_indirect_dma source(%dma_start3A_24 : memref<8x128xf32, #tpu.memory_space<vmem>>) target(%dma_start3A_27 : memref<10000x128xf32, #tpu.memory_space<vmem_shared>>) offsets(%arg9 : memref<8xi32, #tpu.memory_space<vmem>>) semaphore(%run_scoped3A : memref<!tpu.dma_semaphore, #tpu.memory_space<semaphore_mem>>) {add = true}
      %dma_wait3A_28 = arith.constant 0 : i32
      %dma_wait3A_29 = arith.constant 0 : i32
      %dma_wait3A_30 = tpu.memref_slice %arg10[%dma_wait3A_28, %dma_wait3A_29] : memref<384x128xf32, #tpu.memory_space<vmem>> -> memref<8x128xf32, #tpu.memory_space<vmem>>
      %dma_wait3A_31 = arith.constant 0 : i32
      %dma_wait3A_32 = arith.constant 0 : i32
      %dma_wait3A_33 = tpu.memref_slice %arg11[%dma_wait3A_31, %dma_wait3A_32] : memref<10000x128xf32, #tpu.memory_space<vmem_shared>> -> memref<10000x128xf32, #tpu.memory_space<vmem_shared>>
      tpu.wait_indirect_dma semaphore(%run_scoped3A : memref<!tpu.dma_semaphore, #tpu.memory_space<semaphore_mem>>) src(%dma_wait3A_30 : memref<8x128xf32, #tpu.memory_space<vmem>>) dst(%dma_wait3A_33 : memref<10000x128xf32, #tpu.memory_space<vmem_shared>>)
      tpu.yield
    }) : () -> ()
    %barrier3A_16 = arith.constant 0 : index
    tpu.barrier barrier_id(%barrier3A_16)
    %lt3A_17 = arith.constant 10 : i32
    %lt3A_18 = arith.cmpi slt, %arg1, %lt3A_17 : i32
    %convert_element_type3A_19 = arith.extui %lt3A_18 : i1 to i32
    %cond3A_20 = arith.constant 0 : i32
    %cond3A_21 = arith.cmpi ne, %convert_element_type3A_19, %cond3A_20 : i32
    scf.if %cond3A_21 {
      %mul3A_22 = arith.constant 1000 : i32
      %mul3A_23 = arith.muli %arg1, %mul3A_22 : i32
      %mul3A_24 = arith.constant 10000 : i32
      %mul3A_25 = arith.muli %arg0, %mul3A_24 : i32
      %mul3A_26 = arith.constant 1000 : i32
      %mul3A_27 = arith.muli %arg1, %mul3A_26 : i32
      %add3A_28 = arith.addi %mul3A_25, %mul3A_27 : i32
      "tpu.region"() ({
        %run_scoped3A = tpu.sem_alloc : memref<!tpu.dma_semaphore, #tpu.memory_space<semaphore_mem>>
        %dma_start3A_29 = arith.constant 0 : i32
        %dma_start3A_30 = tpu.memref_slice %arg5[%add3A_28, %dma_start3A_29] : memref<20000x128xf32, #tpu.memory_space<hbm>> -> memref<1000x128xf32, #tpu.memory_space<hbm>>
        %dma_start3A_31 = arith.constant 0 : i32
        %dma_start3A_32 = tpu.memref_slice %arg11[%mul3A_23, %dma_start3A_31] : memref<10000x128xf32, #tpu.memory_space<vmem_shared>> -> memref<1000x128xf32, #tpu.memory_space<vmem_shared>>
        tpu.enqueue_dma source(%dma_start3A_32 : memref<1000x128xf32, #tpu.memory_space<vmem_shared>>) target(%dma_start3A_30 : memref<1000x128xf32, #tpu.memory_space<hbm>>) target_semaphore(%run_scoped3A : memref<!tpu.dma_semaphore, #tpu.memory_space<semaphore_mem>>)
        %dma_wait3A_33 = arith.constant 0 : i32
        %dma_wait3A_34 = tpu.memref_slice %arg5[%add3A_28, %dma_wait3A_33] : memref<20000x128xf32, #tpu.memory_space<hbm>> -> memref<1000x128xf32, #tpu.memory_space<hbm>>
        %dma_wait3A_35 = arith.constant 0 : i32
        %dma_wait3A_36 = tpu.memref_slice %arg11[%mul3A_23, %dma_wait3A_35] : memref<10000x128xf32, #tpu.memory_space<vmem_shared>> -> memref<1000x128xf32, #tpu.memory_space<vmem_shared>>
        tpu.wait_dma2 semaphore(%run_scoped3A : memref<!tpu.dma_semaphore, #tpu.memory_space<semaphore_mem>>) src(%dma_wait3A_36 : memref<1000x128xf32, #tpu.memory_space<vmem_shared>>) dst(%dma_wait3A_34 : memref<1000x128xf32, #tpu.memory_space<hbm>>)
        tpu.yield
      }) : () -> ()
    } else {
    }
    return
  }
}

module attributes {stable_mosaic.version = 14 : i64} {
  func.func @_mlp_body(%arg0: i32, %arg1: memref<6400x128xf32, #tpu.memory_space<vmem>>, %arg2: memref<16x6400xf32, #tpu.memory_space<vmem>>, %arg3: memref<128x128xbf16, #tpu.memory_space<vmem>>, %arg4: memref<16x128xbf16, #tpu.memory_space<vmem>>, %arg5: memref<1x128xf32, #tpu.memory_space<vmem>>, %arg6: memref<128x128xbf16, #tpu.memory_space<vmem>>, %arg7: memref<1x128xf32, #tpu.memory_space<vmem>>, %arg8: memref<6400x128xf32, #tpu.memory_space<vmem>>) attributes {dimension_semantics = [#tpu.dimension_semantics<arbitrary>], iteration_bounds = array<i64: 25>, scalar_prefetch = 0 : i64, scratch_operands = 0 : i64, tpu.core_type = #tpu.core_type<tc>, window_params = [{transform_indices = @transform_0, window_bounds = array<i64: 6400, 128>}, {transform_indices = @transform_1, window_bounds = array<i64: 16, 6400>}, {pipeline_mode = #tpu.pipeline_mode<synchronous>, transform_indices = @transform_2, window_bounds = array<i64: 128, 128>}, {pipeline_mode = #tpu.pipeline_mode<synchronous>, transform_indices = @transform_3, window_bounds = array<i64: 16, 128>}, {pipeline_mode = #tpu.pipeline_mode<synchronous>, transform_indices = @transform_4, window_bounds = array<i64: 1, 128>}, {pipeline_mode = #tpu.pipeline_mode<synchronous>, transform_indices = @transform_5, window_bounds = array<i64: 128, 128>}, {pipeline_mode = #tpu.pipeline_mode<synchronous>, transform_indices = @transform_6, window_bounds = array<i64: 1, 128>}, {transform_indices = @transform_7, window_bounds = array<i64: 6400, 128>}]} {
    %get3A = arith.constant 0 : index
    %get3A_0 = arith.constant 0 : index
    %get3A_1 = vector.load %arg1[%get3A, %get3A_0] : memref<6400x128xf32, #tpu.memory_space<vmem>>, vector<6400x128xf32>
    %convert_element_type3A = arith.truncf %get3A_1 : vector<6400x128xf32> to vector<6400x128xbf16>
    %get3A_2 = arith.constant 0 : index
    %get3A_3 = arith.constant 0 : index
    %get3A_4 = vector.load %arg2[%get3A_2, %get3A_3] : memref<16x6400xf32, #tpu.memory_space<vmem>>, vector<16x6400xf32>
    %convert_element_type3A_5 = arith.truncf %get3A_4 : vector<16x6400xf32> to vector<16x6400xbf16>
    %get3A_6 = arith.constant 0 : index
    %get3A_7 = arith.constant 0 : index
    %get3A_8 = vector.load %arg3[%get3A_6, %get3A_7] : memref<128x128xbf16, #tpu.memory_space<vmem>>, vector<128x128xbf16>
    %dot_general3A = arith.constant dense<0.000000e+00> : vector<6400x128xf32>
    %dot_general3A_9 = tpu.matmul %convert_element_type3A, %get3A_8, %dot_general3A {dimension_numbers = #tpu.dot_dimension_numbers<[1], [0], [0], [1], [0, 0, 1, 1], [], []>, transpose_lhs_hint = false} : vector<6400x128xbf16>, vector<128x128xbf16>, vector<6400x128xf32> -> vector<6400x128xf32>
    %get3A_10 = arith.constant 0 : index
    %get3A_11 = arith.constant 0 : index
    %get3A_12 = vector.load %arg4[%get3A_10, %get3A_11] : memref<16x128xbf16, #tpu.memory_space<vmem>>, vector<16x128xbf16>
    %dot_general3A_13 = arith.constant dense<0.000000e+00> : vector<6400x128xf32>
    %dot_general3A_14 = tpu.matmul %convert_element_type3A_5, %get3A_12, %dot_general3A_13 {dimension_numbers = #tpu.dot_dimension_numbers<[0], [0], [1], [1], [0, 1, 1, 1], [], []>, transpose_lhs_hint = false} : vector<16x6400xbf16>, vector<16x128xbf16>, vector<6400x128xf32> -> vector<6400x128xf32>
    %add3A = arith.addf %dot_general3A_9, %dot_general3A_14 : vector<6400x128xf32>
    %get3A_15 = arith.constant 0 : index
    %get3A_16 = arith.constant 0 : index
    %get3A_17 = vector.load %arg5[%get3A_15, %get3A_16] : memref<1x128xf32, #tpu.memory_space<vmem>>, vector<1x128xf32>
    %add3A_18 = vector.broadcast %get3A_17 : vector<1x128xf32> to vector<6400x128xf32>
    %add3A_19 = arith.addf %add3A, %add3A_18 : vector<6400x128xf32>
    %max3A = arith.constant 0.000000e+00 : f32
    %max3A_20 = vector.broadcast %max3A : f32 to vector<6400x128xf32>
    %max3A_21 = arith.maximumf %add3A_19, %max3A_20 : vector<6400x128xf32>
    %convert_element_type3A_22 = arith.truncf %max3A_21 : vector<6400x128xf32> to vector<6400x128xbf16>
    %get3A_23 = arith.constant 0 : index
    %get3A_24 = arith.constant 0 : index
    %get3A_25 = vector.load %arg6[%get3A_23, %get3A_24] : memref<128x128xbf16, #tpu.memory_space<vmem>>, vector<128x128xbf16>
    %dot_general3A_26 = arith.constant dense<0.000000e+00> : vector<6400x128xf32>
    %dot_general3A_27 = tpu.matmul %convert_element_type3A_22, %get3A_25, %dot_general3A_26 {dimension_numbers = #tpu.dot_dimension_numbers<[1], [0], [0], [1], [0, 0, 1, 1], [], []>, transpose_lhs_hint = false} : vector<6400x128xbf16>, vector<128x128xbf16>, vector<6400x128xf32> -> vector<6400x128xf32>
    %get3A_28 = arith.constant 0 : index
    %get3A_29 = arith.constant 0 : index
    %get3A_30 = vector.load %arg7[%get3A_28, %get3A_29] : memref<1x128xf32, #tpu.memory_space<vmem>>, vector<1x128xf32>
    %add3A_31 = vector.broadcast %get3A_30 : vector<1x128xf32> to vector<6400x128xf32>
    %add3A_32 = arith.addf %dot_general3A_27, %add3A_31 : vector<6400x128xf32>
    %swap3A = arith.constant 0 : index
    %swap3A_33 = arith.constant 0 : index
    %swap3A_34 = vector.load %arg8[%swap3A, %swap3A_33] : memref<6400x128xf32, #tpu.memory_space<vmem>>, vector<6400x128xf32>
    tpu.vector_store %arg8[%swap3A, %swap3A_33], %add3A_32 {strides = array<i32>} : memref<6400x128xf32, #tpu.memory_space<vmem>>, vector<6400x128xf32>,
    return
  }
  func.func @transform_0(%arg0: i32) -> (i32, i32) {
    %c0_i32 = arith.constant 0 : i32
    %c0_i32_0 = arith.constant 0 : i32
    return %arg0, %c0_i32 : i32, i32
  }
  func.func @transform_1(%arg0: i32) -> (i32, i32) {
    %add3A = arith.constant 25 : i32
    %add3A_0 = arith.addi %add3A, %arg0 : i32
    %c0_i32 = arith.constant 0 : i32
    %c0_i32_1 = arith.constant 0 : i32
    return %c0_i32, %add3A_0 : i32, i32
  }
  func.func @transform_2(%arg0: i32) -> (i32, i32) {
    %c0_i32 = arith.constant 0 : i32
    %c0_i32_0 = arith.constant 0 : i32
    %c0_i32_1 = arith.constant 0 : i32
    return %c0_i32, %c0_i32_0 : i32, i32
  }
  func.func @transform_3(%arg0: i32) -> (i32, i32) {
    %c0_i32 = arith.constant 0 : i32
    %c0_i32_0 = arith.constant 0 : i32
    %c0_i32_1 = arith.constant 0 : i32
    return %c0_i32, %c0_i32_0 : i32, i32
  }
  func.func @transform_4(%arg0: i32) -> (i32, i32) {
    %c0_i32 = arith.constant 0 : i32
    %c0_i32_0 = arith.constant 0 : i32
    %c0_i32_1 = arith.constant 0 : i32
    return %c0_i32, %c0_i32_0 : i32, i32
  }
  func.func @transform_5(%arg0: i32) -> (i32, i32) {
    %c0_i32 = arith.constant 0 : i32
    %c0_i32_0 = arith.constant 0 : i32
    %c0_i32_1 = arith.constant 0 : i32
    return %c0_i32, %c0_i32_0 : i32, i32
  }
  func.func @transform_6(%arg0: i32) -> (i32, i32) {
    %c0_i32 = arith.constant 0 : i32
    %c0_i32_0 = arith.constant 0 : i32
    %c0_i32_1 = arith.constant 0 : i32
    return %c0_i32, %c0_i32_0 : i32, i32
  }
  func.func @transform_7(%arg0: i32) -> (i32, i32) {
    %c0_i32 = arith.constant 0 : i32
    %c0_i32_0 = arith.constant 0 : i32
    return %arg0, %c0_i32 : i32, i32
  }
}

module attributes {stable_mosaic.version = 14 : i64} {
  func.func @_mlp_body(%arg0: i32, %arg1: memref<6400x128xf32, #tpu.memory_space<vmem>>, %arg2: memref<16x6400xf32, #tpu.memory_space<vmem>>, %arg3: memref<128x128xbf16, #tpu.memory_space<vmem>>, %arg4: memref<16x128xbf16, #tpu.memory_space<vmem>>, %arg5: memref<1x128xf32, #tpu.memory_space<vmem>>, %arg6: memref<128x128xbf16, #tpu.memory_space<vmem>>, %arg7: memref<1x128xf32, #tpu.memory_space<vmem>>, %arg8: memref<6400x128xf32, #tpu.memory_space<vmem>>) attributes {dimension_semantics = [#tpu.dimension_semantics<arbitrary>], iteration_bounds = array<i64: 25>, scalar_prefetch = 0 : i64, scratch_operands = 0 : i64, tpu.core_type = #tpu.core_type<tc>, window_params = [{transform_indices = @transform_0, window_bounds = array<i64: 6400, 128>}, {transform_indices = @transform_1, window_bounds = array<i64: 16, 6400>}, {pipeline_mode = #tpu.pipeline_mode<synchronous>, transform_indices = @transform_2, window_bounds = array<i64: 128, 128>}, {pipeline_mode = #tpu.pipeline_mode<synchronous>, transform_indices = @transform_3, window_bounds = array<i64: 16, 128>}, {pipeline_mode = #tpu.pipeline_mode<synchronous>, transform_indices = @transform_4, window_bounds = array<i64: 1, 128>}, {pipeline_mode = #tpu.pipeline_mode<synchronous>, transform_indices = @transform_5, window_bounds = array<i64: 128, 128>}, {pipeline_mode = #tpu.pipeline_mode<synchronous>, transform_indices = @transform_6, window_bounds = array<i64: 1, 128>}, {transform_indices = @transform_7, window_bounds = array<i64: 6400, 128>}]} {
    %get3A = arith.constant 0 : index
    %get3A_0 = arith.constant 0 : index
    %get3A_1 = vector.load %arg1[%get3A, %get3A_0] : memref<6400x128xf32, #tpu.memory_space<vmem>>, vector<6400x128xf32>
    %convert_element_type3A = arith.truncf %get3A_1 : vector<6400x128xf32> to vector<6400x128xbf16>
    %get3A_2 = arith.constant 0 : index
    %get3A_3 = arith.constant 0 : index
    %get3A_4 = vector.load %arg2[%get3A_2, %get3A_3] : memref<16x6400xf32, #tpu.memory_space<vmem>>, vector<16x6400xf32>
    %convert_element_type3A_5 = arith.truncf %get3A_4 : vector<16x6400xf32> to vector<16x6400xbf16>
    %get3A_6 = arith.constant 0 : index
    %get3A_7 = arith.constant 0 : index
    %get3A_8 = vector.load %arg3[%get3A_6, %get3A_7] : memref<128x128xbf16, #tpu.memory_space<vmem>>, vector<128x128xbf16>
    %dot_general3A = arith.constant dense<0.000000e+00> : vector<6400x128xf32>
    %dot_general3A_9 = tpu.matmul %convert_element_type3A, %get3A_8, %dot_general3A {dimension_numbers = #tpu.dot_dimension_numbers<[1], [0], [0], [1], [0, 0, 1, 1], [], []>, transpose_lhs_hint = false} : vector<6400x128xbf16>, vector<128x128xbf16>, vector<6400x128xf32> -> vector<6400x128xf32>
    %get3A_10 = arith.constant 0 : index
    %get3A_11 = arith.constant 0 : index
    %get3A_12 = vector.load %arg4[%get3A_10, %get3A_11] : memref<16x128xbf16, #tpu.memory_space<vmem>>, vector<16x128xbf16>
    %dot_general3A_13 = arith.constant dense<0.000000e+00> : vector<6400x128xf32>
    %dot_general3A_14 = tpu.matmul %convert_element_type3A_5, %get3A_12, %dot_general3A_13 {dimension_numbers = #tpu.dot_dimension_numbers<[0], [0], [1], [1], [0, 1, 1, 1], [], []>, transpose_lhs_hint = false} : vector<16x6400xbf16>, vector<16x128xbf16>, vector<6400x128xf32> -> vector<6400x128xf32>
    %add3A = arith.addf %dot_general3A_9, %dot_general3A_14 : vector<6400x128xf32>
    %get3A_15 = arith.constant 0 : index
    %get3A_16 = arith.constant 0 : index
    %get3A_17 = vector.load %arg5[%get3A_15, %get3A_16] : memref<1x128xf32, #tpu.memory_space<vmem>>, vector<1x128xf32>
    %add3A_18 = vector.broadcast %get3A_17 : vector<1x128xf32> to vector<6400x128xf32>
    %add3A_19 = arith.addf %add3A, %add3A_18 : vector<6400x128xf32>
    %max3A = arith.constant 0.000000e+00 : f32
    %max3A_20 = vector.broadcast %max3A : f32 to vector<6400x128xf32>
    %max3A_21 = arith.maximumf %add3A_19, %max3A_20 : vector<6400x128xf32>
    %convert_element_type3A_22 = arith.truncf %max3A_21 : vector<6400x128xf32> to vector<6400x128xbf16>
    %get3A_23 = arith.constant 0 : index
    %get3A_24 = arith.constant 0 : index
    %get3A_25 = vector.load %arg6[%get3A_23, %get3A_24] : memref<128x128xbf16, #tpu.memory_space<vmem>>, vector<128x128xbf16>
    %dot_general3A_26 = arith.constant dense<0.000000e+00> : vector<6400x128xf32>
    %dot_general3A_27 = tpu.matmul %convert_element_type3A_22, %get3A_25, %dot_general3A_26 {dimension_numbers = #tpu.dot_dimension_numbers<[1], [0], [0], [1], [0, 0, 1, 1], [], []>, transpose_lhs_hint = false} : vector<6400x128xbf16>, vector<128x128xbf16>, vector<6400x128xf32> -> vector<6400x128xf32>
    %get3A_28 = arith.constant 0 : index
    %get3A_29 = arith.constant 0 : index
    %get3A_30 = vector.load %arg7[%get3A_28, %get3A_29] : memref<1x128xf32, #tpu.memory_space<vmem>>, vector<1x128xf32>
    %add3A_31 = vector.broadcast %get3A_30 : vector<1x128xf32> to vector<6400x128xf32>
    %add3A_32 = arith.addf %dot_general3A_27, %add3A_31 : vector<6400x128xf32>
    %swap3A = arith.constant 0 : index
    %swap3A_33 = arith.constant 0 : index
    %swap3A_34 = vector.load %arg8[%swap3A, %swap3A_33] : memref<6400x128xf32, #tpu.memory_space<vmem>>, vector<6400x128xf32>
    tpu.vector_store %arg8[%swap3A, %swap3A_33], %add3A_32 {strides = array<i32>} : memref<6400x128xf32, #tpu.memory_space<vmem>>, vector<6400x128xf32>,
    return
  }
  func.func @transform_0(%arg0: i32) -> (i32, i32) {
    %c0_i32 = arith.constant 0 : i32
    %c0_i32_0 = arith.constant 0 : i32
    return %arg0, %c0_i32 : i32, i32
  }
  func.func @transform_1(%arg0: i32) -> (i32, i32) {
    %add3A = arith.constant 0 : i32
    %add3A_0 = arith.addi %add3A, %arg0 : i32
    %c0_i32 = arith.constant 0 : i32
    %c0_i32_1 = arith.constant 0 : i32
    return %c0_i32, %add3A_0 : i32, i32
  }
  func.func @transform_2(%arg0: i32) -> (i32, i32) {
    %c0_i32 = arith.constant 0 : i32
    %c0_i32_0 = arith.constant 0 : i32
    %c0_i32_1 = arith.constant 0 : i32
    return %c0_i32, %c0_i32_0 : i32, i32
  }
  func.func @transform_3(%arg0: i32) -> (i32, i32) {
    %c0_i32 = arith.constant 0 : i32
    %c0_i32_0 = arith.constant 0 : i32
    %c0_i32_1 = arith.constant 0 : i32
    return %c0_i32, %c0_i32_0 : i32, i32
  }
  func.func @transform_4(%arg0: i32) -> (i32, i32) {
    %c0_i32 = arith.constant 0 : i32
    %c0_i32_0 = arith.constant 0 : i32
    %c0_i32_1 = arith.constant 0 : i32
    return %c0_i32, %c0_i32_0 : i32, i32
  }
  func.func @transform_5(%arg0: i32) -> (i32, i32) {
    %c0_i32 = arith.constant 0 : i32
    %c0_i32_0 = arith.constant 0 : i32
    %c0_i32_1 = arith.constant 0 : i32
    return %c0_i32, %c0_i32_0 : i32, i32
  }
  func.func @transform_6(%arg0: i32) -> (i32, i32) {
    %c0_i32 = arith.constant 0 : i32
    %c0_i32_0 = arith.constant 0 : i32
    %c0_i32_1 = arith.constant 0 : i32
    return %c0_i32, %c0_i32_0 : i32, i32
  }
  func.func @transform_7(%arg0: i32) -> (i32, i32) {
    %c0_i32 = arith.constant 0 : i32
    %c0_i32_0 = arith.constant 0 : i32
    return %arg0, %c0_i32 : i32, i32
  }
}

module attributes {stable_mosaic.version = 14 : i64} {
  func.func @_gru_body(%arg0: i32, %arg1: memref<2000x128xf32, #tpu.memory_space<vmem>>, %arg2: memref<2000x128xf32, #tpu.memory_space<vmem>>, %arg3: memref<2000x128xf32, #tpu.memory_space<vmem>>, %arg4: memref<2000x128xf32, #tpu.memory_space<vmem>>, %arg5: memref<2000x128xf32, #tpu.memory_space<vmem>>, %arg6: memref<128x384xf32, #tpu.memory_space<vmem>>, %arg7: memref<128x384xf32, #tpu.memory_space<vmem>>, %arg8: memref<1x384xf32, #tpu.memory_space<vmem>>, %arg9: memref<1x384xf32, #tpu.memory_space<vmem>>, %arg10: memref<2000x128xf32, #tpu.memory_space<vmem>>) attributes {dimension_semantics = [#tpu.dimension_semantics<arbitrary>], iteration_bounds = array<i64: 5>, scalar_prefetch = 0 : i64, scratch_operands = 0 : i64, tpu.core_type = #tpu.core_type<tc>, window_params = [{transform_indices = @transform_0, window_bounds = array<i64: 2000, 128>}, {transform_indices = @transform_1, window_bounds = array<i64: 2000, 128>}, {transform_indices = @transform_2, window_bounds = array<i64: 2000, 128>}, {transform_indices = @transform_3, window_bounds = array<i64: 2000, 128>}, {transform_indices = @transform_4, window_bounds = array<i64: 2000, 128>}, {pipeline_mode = #tpu.pipeline_mode<synchronous>, transform_indices = @transform_5, window_bounds = array<i64: 128, 384>}, {pipeline_mode = #tpu.pipeline_mode<synchronous>, transform_indices = @transform_6, window_bounds = array<i64: 128, 384>}, {pipeline_mode = #tpu.pipeline_mode<synchronous>, transform_indices = @transform_7, window_bounds = array<i64: 1, 384>}, {pipeline_mode = #tpu.pipeline_mode<synchronous>, transform_indices = @transform_8, window_bounds = array<i64: 1, 384>}, {transform_indices = @transform_9, window_bounds = array<i64: 2000, 128>}]} {
    %get3A = arith.constant 0 : index
    %get3A_0 = arith.constant 0 : index
    %get3A_1 = vector.load %arg1[%get3A, %get3A_0] : memref<2000x128xf32, #tpu.memory_space<vmem>>, vector<2000x128xf32>
    %get3A_2 = arith.constant 0 : index
    %get3A_3 = arith.constant 0 : index
    %get3A_4 = vector.load %arg2[%get3A_2, %get3A_3] : memref<2000x128xf32, #tpu.memory_space<vmem>>, vector<2000x128xf32>
    %add3A = arith.addf %get3A_1, %get3A_4 : vector<2000x128xf32>
    %get3A_5 = arith.constant 0 : index
    %get3A_6 = arith.constant 0 : index
    %get3A_7 = vector.load %arg3[%get3A_5, %get3A_6] : memref<2000x128xf32, #tpu.memory_space<vmem>>, vector<2000x128xf32>
    %add3A_8 = arith.addf %add3A, %get3A_7 : vector<2000x128xf32>
    %get3A_9 = arith.constant 0 : index
    %get3A_10 = arith.constant 0 : index
    %get3A_11 = vector.load %arg4[%get3A_9, %get3A_10] : memref<2000x128xf32, #tpu.memory_space<vmem>>, vector<2000x128xf32>
    %add3A_12 = arith.addf %add3A_8, %get3A_11 : vector<2000x128xf32>
    %get3A_13 = arith.constant 0 : index
    %get3A_14 = arith.constant 0 : index
    %get3A_15 = vector.load %arg5[%get3A_13, %get3A_14] : memref<2000x128xf32, #tpu.memory_space<vmem>>, vector<2000x128xf32>
    %get3A_16 = arith.constant 0 : index
    %get3A_17 = arith.constant 0 : index
    %get3A_18 = vector.load %arg6[%get3A_16, %get3A_17] : memref<128x384xf32, #tpu.memory_space<vmem>>, vector<128x384xf32>
    %dot_general3A = arith.constant dense<0.000000e+00> : vector<2000x384xf32>
    %dot_general3A_19 = tpu.matmul %add3A_12, %get3A_18, %dot_general3A {dimension_numbers = #tpu.dot_dimension_numbers<[1], [0], [0], [1], [0, 0, 1, 1], [], []>, transpose_lhs_hint = false} : vector<2000x128xf32>, vector<128x384xf32>, vector<2000x384xf32> -> vector<2000x384xf32>
    %get3A_20 = arith.constant 0 : index
    %get3A_21 = arith.constant 0 : index
    %get3A_22 = vector.load %arg8[%get3A_20, %get3A_21] : memref<1x384xf32, #tpu.memory_space<vmem>>, vector<1x384xf32>
    %add3A_23 = vector.broadcast %get3A_22 : vector<1x384xf32> to vector<2000x384xf32>
    %add3A_24 = arith.addf %dot_general3A_19, %add3A_23 : vector<2000x384xf32>
    %get3A_25 = arith.constant 0 : index
    %get3A_26 = arith.constant 0 : index
    %get3A_27 = vector.load %arg7[%get3A_25, %get3A_26] : memref<128x384xf32, #tpu.memory_space<vmem>>, vector<128x384xf32>
    %dot_general3A_28 = arith.constant dense<0.000000e+00> : vector<2000x384xf32>
    %dot_general3A_29 = tpu.matmul %get3A_15, %get3A_27, %dot_general3A_28 {dimension_numbers = #tpu.dot_dimension_numbers<[1], [0], [0], [1], [0, 0, 1, 1], [], []>, transpose_lhs_hint = false} : vector<2000x128xf32>, vector<128x384xf32>, vector<2000x384xf32> -> vector<2000x384xf32>
    %get3A_30 = arith.constant 0 : index
    %get3A_31 = arith.constant 0 : index
    %get3A_32 = vector.load %arg9[%get3A_30, %get3A_31] : memref<1x384xf32, #tpu.memory_space<vmem>>, vector<1x384xf32>
    %add3A_33 = vector.broadcast %get3A_32 : vector<1x384xf32> to vector<2000x384xf32>
    %add3A_34 = arith.addf %dot_general3A_29, %add3A_33 : vector<2000x384xf32>
    %slice3A = vector.extract_strided_slice %add3A_24 {offsets = [0, 0], sizes = [2000, 128], strides = [1, 1]} : vector<2000x384xf32> to vector<2000x128xf32>
    %slice3A_35 = vector.extract_strided_slice %add3A_24 {offsets = [0, 128], sizes = [2000, 128], strides = [1, 1]} : vector<2000x384xf32> to vector<2000x128xf32>
    %slice3A_36 = vector.extract_strided_slice %add3A_24 {offsets = [0, 256], sizes = [2000, 128], strides = [1, 1]} : vector<2000x384xf32> to vector<2000x128xf32>
    %slice3A_37 = vector.extract_strided_slice %add3A_34 {offsets = [0, 0], sizes = [2000, 128], strides = [1, 1]} : vector<2000x384xf32> to vector<2000x128xf32>
    %slice3A_38 = vector.extract_strided_slice %add3A_34 {offsets = [0, 128], sizes = [2000, 128], strides = [1, 1]} : vector<2000x384xf32> to vector<2000x128xf32>
    %slice3A_39 = vector.extract_strided_slice %add3A_34 {offsets = [0, 256], sizes = [2000, 128], strides = [1, 1]} : vector<2000x384xf32> to vector<2000x128xf32>
    %add3A_40 = arith.addf %slice3A, %slice3A_37 : vector<2000x128xf32>
    %logistic3A = arith.negf %add3A_40 : vector<2000x128xf32>
    %logistic3A_41 = math.exp %logistic3A : vector<2000x128xf32>
    %logistic3A_42 = arith.constant 1.000000e+00 : f32
    %logistic3A_43 = vector.broadcast %logistic3A_42 : f32 to vector<2000x128xf32>
    %logistic3A_44 = arith.addf %logistic3A_43, %logistic3A_41 : vector<2000x128xf32>
    %logistic3A_45 = arith.divf %logistic3A_43, %logistic3A_44 : vector<2000x128xf32>
    %add3A_46 = arith.addf %slice3A_35, %slice3A_38 : vector<2000x128xf32>
    %logistic3A_47 = arith.negf %add3A_46 : vector<2000x128xf32>
    %logistic3A_48 = math.exp %logistic3A_47 : vector<2000x128xf32>
    %logistic3A_49 = arith.constant 1.000000e+00 : f32
    %logistic3A_50 = vector.broadcast %logistic3A_49 : f32 to vector<2000x128xf32>
    %logistic3A_51 = arith.addf %logistic3A_50, %logistic3A_48 : vector<2000x128xf32>
    %logistic3A_52 = arith.divf %logistic3A_50, %logistic3A_51 : vector<2000x128xf32>
    %mul3A = arith.mulf %logistic3A_45, %slice3A_39 : vector<2000x128xf32>
    %add3A_53 = arith.addf %slice3A_36, %mul3A : vector<2000x128xf32>
    %tanh3A = math.tanh %add3A_53 : vector<2000x128xf32>
    %sub3A = arith.constant 1.000000e+00 : f32
    %sub3A_54 = vector.broadcast %sub3A : f32 to vector<2000x128xf32>
    %sub3A_55 = arith.subf %sub3A_54, %logistic3A_52 : vector<2000x128xf32>
    %mul3A_56 = arith.mulf %sub3A_55, %tanh3A : vector<2000x128xf32>
    %mul3A_57 = arith.mulf %logistic3A_52, %get3A_15 : vector<2000x128xf32>
    %add3A_58 = arith.addf %mul3A_56, %mul3A_57 : vector<2000x128xf32>
    %swap3A = arith.constant 0 : index
    %swap3A_59 = arith.constant 0 : index
    %swap3A_60 = vector.load %arg10[%swap3A, %swap3A_59] : memref<2000x128xf32, #tpu.memory_space<vmem>>, vector<2000x128xf32>
    tpu.vector_store %arg10[%swap3A, %swap3A_59], %add3A_58 {strides = array<i32>} : memref<2000x128xf32, #tpu.memory_space<vmem>>, vector<2000x128xf32>,
    return
  }
  func.func @transform_0(%arg0: i32) -> (i32, i32) {
    %add3A = arith.constant 0 : i32
    %add3A_0 = arith.addi %add3A, %arg0 : i32
    %c0_i32 = arith.constant 0 : i32
    %c0_i32_1 = arith.constant 0 : i32
    return %add3A_0, %c0_i32 : i32, i32
  }
  func.func @transform_1(%arg0: i32) -> (i32, i32) {
    %add3A = arith.constant 5 : i32
    %add3A_0 = arith.addi %add3A, %arg0 : i32
    %c0_i32 = arith.constant 0 : i32
    %c0_i32_1 = arith.constant 0 : i32
    return %add3A_0, %c0_i32 : i32, i32
  }
  func.func @transform_2(%arg0: i32) -> (i32, i32) {
    %add3A = arith.constant 0 : i32
    %add3A_0 = arith.addi %add3A, %arg0 : i32
    %c0_i32 = arith.constant 0 : i32
    %c0_i32_1 = arith.constant 0 : i32
    return %add3A_0, %c0_i32 : i32, i32
  }
  func.func @transform_3(%arg0: i32) -> (i32, i32) {
    %add3A = arith.constant 5 : i32
    %add3A_0 = arith.addi %add3A, %arg0 : i32
    %c0_i32 = arith.constant 0 : i32
    %c0_i32_1 = arith.constant 0 : i32
    return %add3A_0, %c0_i32 : i32, i32
  }
  func.func @transform_4(%arg0: i32) -> (i32, i32) {
    %c0_i32 = arith.constant 0 : i32
    %c0_i32_0 = arith.constant 0 : i32
    return %arg0, %c0_i32 : i32, i32
  }
  func.func @transform_5(%arg0: i32) -> (i32, i32) {
    %c0_i32 = arith.constant 0 : i32
    %c0_i32_0 = arith.constant 0 : i32
    %c0_i32_1 = arith.constant 0 : i32
    return %c0_i32, %c0_i32_0 : i32, i32
  }
  func.func @transform_6(%arg0: i32) -> (i32, i32) {
    %c0_i32 = arith.constant 0 : i32
    %c0_i32_0 = arith.constant 0 : i32
    %c0_i32_1 = arith.constant 0 : i32
    return %c0_i32, %c0_i32_0 : i32, i32
  }
  func.func @transform_7(%arg0: i32) -> (i32, i32) {
    %c0_i32 = arith.constant 0 : i32
    %c0_i32_0 = arith.constant 0 : i32
    %c0_i32_1 = arith.constant 0 : i32
    return %c0_i32, %c0_i32_0 : i32, i32
  }
  func.func @transform_8(%arg0: i32) -> (i32, i32) {
    %c0_i32 = arith.constant 0 : i32
    %c0_i32_0 = arith.constant 0 : i32
    %c0_i32_1 = arith.constant 0 : i32
    return %c0_i32, %c0_i32_0 : i32, i32
  }
  func.func @transform_9(%arg0: i32) -> (i32, i32) {
    %c0_i32 = arith.constant 0 : i32
    %c0_i32_0 = arith.constant 0 : i32
    return %arg0, %c0_i32 : i32, i32
  }
}

</mosaic_0001>

<sc_bundles>
// kernel: kernel.12.cloned.1.call-start
scs
__scs_entry_jumppad:
0x0: {  	(pc) =	sbr.rel $0x88, $3  }
0x1: {  	(tag) =	ssettag $0x0;
	lr =	simm.s32 $0x1  }
0x2: {  	[smem:$0x3F96] =	sst lr;
	_ =	strace $0xD0000000  }
0x3: {  	_ = 	snop  }
0x4: {  	_ = 	snop  }
0x5: {  	_ = 	snop  }
0x6: {  	_ = 	snop  }
0x7: {  	_ = 	snop  }
__scs_overlays_trampoline_lowered:
0x8: {  	[smem:$0x3FA5] =	sst s0  }
0x9: {  	[smem:$0x3FA6] =	sst s1  }
0xa: {  	[smem:$0x3FA7] =	sst s2  }
0xb: {  	[smem:$0x3FA8] =	sst s3  }
0xc: {  	[smem:$0x3FA9] =	sst s4  }
0xd: {  	[smem:$0x3FAA] =	sst s5  }
0xe: {  	[smem:$0x3FAB] =	sst s6  }
0xf: {  	[smem:$0x3FAC] =	sst s7  }
0x10: {  	[smem:$0x3FAD] =	sst s8  }
0x11: {  	[smem:$0x3FAE] =	sst s9;
	s0 =	simm.s32 @!p0 $0x0  }
0x12: {  	s1 =	sld [smem:$0x3F94];
	s0 =	simm.s32 @p0 $0x1  }
0x13: {  	[smem:$0x3FAF] =	sst s0;
	s0 =	simm.s32 @!p1 $0x0  }
0x14: {  	s2 =	sld [smem:$0x3F93];
	s0 =	simm.s32 @p1 $0x1  }
0x15: {  	[smem:$0x3FB0] =	sst s0;
	s0 =	simm.s32 @!p2 $0x0  }
0x16: {  	s3 =	sld [smem:$0x3FDB];
	s0 =	simm.s32 @p2 $0x1  }
0x17: {  	s4 =	simm.s32 $0x1BF5;
	[smem:$0x3FB2] =	sst s0  }
0x18: {  	s0 =	sld [smem:$0x3F95];
	_ =	swait.ge [sflag:s4], $0x0  }
0x19: {  	s7 =	sld [smem:$0x3F96]  }
0x1a: {  	s8 =	sadd.s32 $0xFFFFE003, lr  }
0x1b: {  	s9 =	sadd.s32 $0xFFFFFEF7, lr;
	s5 =	simm.s32 $0xFFFFFFFF;
	p2 =	slt.u32 s8, $0xFFFFF086  }
0x1c: {  	p1 =	slt.u32 s9, $0xF7A;
	s5 =	simm.s32 @!p2 $0x0  }
0x1d: {  	s5 =	simm.s32 @p1 $0x1;
	p0 =	seq.s32 s7, s2  }
0x1e: {  	s7 =	smul.u32 @!p0 $0xF7A, s2;
	p2 =	seq.s32 @!p0 s5, $0x0  }
0x1f: {  	s9 =	smul.u32 $0xF7A, s1;
	s8 =	simm.s32 @!p0 $0x1BF5;
	p2 =	por !p2, p0  }
0x20: {  	[sflag:s8] =	ssyncset.s32 @!p0 $0xFFFFF086;
	s6 =	sadd.s32 @!p0 s3, s7;
	s7 =	simm.s32 @!p0 $0x108  }
0x21: {  	s3 =	sadd.s32 s3, s9;
	s6 =	sadd.s32 @!p0 $0x88, s6;
	s7 =	simm.s32 @p2 $0x1082  }
0x22: {  	[simem:s7], [sflag:s8] =	dma.local @!p0 [hbm:s6], $0xF7A  }
0x23: {  	s9 =	sor.u32 $0xD0000000, s2;
	s6 =	simm.s32 $0x108;
	_ =	swait.ge @!p0 [sflag:s8], $0x0  }
0x24: {  	s3 =	sadd.s32 $0x88, s3;
	s6 =	simm.s32 @!p1 $0x1082;
	[sflag:s4] =	ssyncset.s32 $0xFFFFF086  }
0x25: {  	[simem:s6], [sflag:s4] =	dma.local [hbm:s3], $0xF7A  }
0x26: {  	[smem:$0x3F96] =	sst s1;
	(tag) =	ssettag s2;
	_ =	strace s9  }
0x27: {  	s1 =	sld [smem:$0x3FA6]  }
0x28: {  	s2 =	sld [smem:$0x3FA7]  }
0x29: {  	s4 =	sld [smem:$0x3FA9]  }
0x2a: {  	p0 =	seq.s32 s5, $0x0;
	s5 =	sld [smem:$0x3FAA]  }
0x2b: {  	s6 =	sld [smem:$0x3FAB]  }
0x2c: {  	s7 =	sld [smem:$0x3FAC]  }
0x2d: {  	s3 =	simm.s32 $0x108;
	s8 =	sld [smem:$0x3FAD]  }
0x2e: {  	s3 =	simm.s32 @!p0 $0x1082;
	s9 =	sld [smem:$0x3FAE]  }
0x2f: {  	lr =	sadd.s32 s0, s3;
	s0 =	sld [smem:$0x3FA5]  }
0x30: {  	s3 =	sld [smem:$0x3FA8]  }
0x31: {  	[smem:$0x3FB1] =	sst s10  }
0x32: {  	s10 =	sld [smem:$0x3FAF];
	_ =	sdelay $0x3  }
0x33: {  	p0 =	seq.s32 s10, $0x1;
	s10 =	sld [smem:$0x3FB1];
	_ =	sdelay $0x3  }
0x34: {  	[smem:$0x3FB1] =	sst s10  }
0x35: {  	s10 =	sld [smem:$0x3FB0];
	_ =	sdelay $0x3  }
0x36: {  	p1 =	seq.s32 s10, $0x1;
	s10 =	sld [smem:$0x3FB1];
	_ =	sdelay $0x3  }
0x37: {  	[smem:$0x3FB1] =	sst s10  }
0x38: {  	s10 =	sld [smem:$0x3FB2]  }
0x39: {  	_ = 	snop;
	(pc) =	sbr.ind lr, $3  }
0x3a: {  	_ = 	snop  }
0x3b: {  	_ = 	snop  }
0x3c: {  	p2 =	seq.s32 s10, $0x1;
	s10 =	sld [smem:$0x3FB1]  }
0x3d: {  	_ =	shalt  }
0x3e: {  	_ =	shalt  }
0x3f: {  	_ =	shalt  }
0x40: {  	_ =	shalt  }
0x41: {  	_ =	shalt  }
0x42: {  	_ =	shalt  }
0x43: {  	_ =	shalt  }
0x44: {  	_ =	shalt  }
0x45: {  	_ =	shalt  }
0x46: {  	_ =	shalt  }
0x47: {  	_ =	shalt  }
0x48: {  	_ =	shalt  }
0x49: {  	_ =	shalt  }
0x4a: {  	_ =	shalt  }
0x4b: {  	_ =	shalt  }
0x4c: {  	_ =	shalt  }
0x4d: {  	_ =	shalt  }
0x4e: {  	_ =	shalt  }
0x4f: {  	_ =	shalt  }
0x50: {  	_ =	shalt  }
0x51: {  	_ =	shalt  }
0x52: {  	_ =	shalt  }
0x53: {  	_ =	shalt  }
0x54: {  	_ =	shalt  }
0x55: {  	_ =	shalt  }
0x56: {  	_ =	shalt  }
0x57: {  	_ =	shalt  }
0x58: {  	_ =	shalt  }
0x59: {  	_ =	shalt  }
0x5a: {  	_ =	shalt  }
0x5b: {  	_ =	shalt  }
0x5c: {  	_ =	shalt  }
0x5d: {  	_ =	shalt  }
0x5e: {  	_ =	shalt  }
0x5f: {  	_ =	shalt  }
0x60: {  	_ =	shalt  }
0x61: {  	_ =	shalt  }
0x62: {  	_ =	shalt  }
0x63: {  	_ =	shalt  }
0x64: {  	_ =	shalt  }
0x65: {  	_ =	shalt  }
0x66: {  	_ =	shalt  }
0x67: {  	_ =	shalt  }
0x68: {  	_ =	shalt  }
0x69: {  	_ =	shalt  }
0x6a: {  	_ =	shalt  }
0x6b: {  	_ =	shalt  }
0x6c: {  	_ =	shalt  }
0x6d: {  	_ =	shalt  }
0x6e: {  	_ =	shalt  }
0x6f: {  	_ =	shalt  }
0x70: {  	_ =	shalt  }
0x71: {  	_ =	shalt  }
0x72: {  	_ =	shalt  }
0x73: {  	_ =	shalt  }
0x74: {  	_ =	shalt  }
0x75: {  	_ =	shalt  }
0x76: {  	_ =	shalt  }
0x77: {  	_ =	shalt  }
0x78: {  	_ =	shalt  }
0x79: {  	_ =	shalt  }
0x7a: {  	_ =	shalt  }
0x7b: {  	_ =	shalt  }
0x7c: {  	_ =	shalt  }
0x7d: {  	_ =	shalt  }
0x7e: {  	_ =	shalt  }
0x7f: {  	_ =	shalt  }
0x80: {  	_ =	shalt  }
0x81: {  	_ =	shalt  }
0x82: {  	_ =	shalt  }
0x83: {  	_ =	shalt  }
0x84: {  	_ =	shalt  }
0x85: {  	_ =	shalt  }
0x86: {  	_ =	shalt  }
0x87: {  	_ =	shalt  }
.Lfunc_end0:
.L_simem_size_0:
called_computation.1_lowered:
.L_overlay_start_0:
0x88: {  	s2 =	sld [smem:$0x3FD9]  }
0x89: {  	s3 =	sld [smem:$0x3FFE];
	_ =	sdelay $0x1  }
0x8a: {  	s1 =	srdreg.scid  }
0x8b: {  	s0 =	sand.u32 $0x1, s1  }
0x8c: {  	s17 =	sshll.u32 s0, $0xA;
	s2 =	sadd.s32 s3, s2  }
0x8d: {  	s2 =	sadd.s32 s2, s17  }
0x8e: {  	[smem:$0x3FBD] =	sst s2  }
0x8f: {  	_ = 	snop  }
0x90: {  	s18 =	sld [smem:$0x3FD0];
	(tm) =	ssettm $0x1  }
0x91: {  	s19 =	sld [smem:$0x3FFB];
	_ =	sdelay $0x3  }
0x92: {  	_ =	strace s19  }
0x93: {  	s2 =	sld [smem:$0x3FFC];
	_ =	sdelay $0x3  }
0x94: {  	_ =	strace s2  }
0x95: {  	s2 =	sld [smem:$0x3FFD];
	_ =	sdelay $0x3  }
0x96: {  	_ =	strace s2  }
0x97: {  	_ =	strace $0x8FFFFFFF  }
0x98: {  	s20 =	sld [smem:$0x3FDB];
	_ =	sdelay $0x1  }
0x99: {  	s4 =	simm.s32 $_scs_section_size  }
0x9a: {  	s5 =	simm.s32 $_size__tile_overlayer_lowered;
	s6 =	simm.s32 $_tile_overlayer_lowered  }
0x9b: {  	s7 =	simm.s32 $0x1BFF;
	s21 =	sshll.u32 s6, $0x1;
	s4 =	sadd.s32 s4, s20  }
0x9c: {  	s22 =	simm.s32 $0x0;
	s5 =	sshll.u32 s5, $0x1;
	s6 =	sadd.s32 s21, s4  }
0x9d: {  	[timem:s22], [sflag:s7] =	dma.local [hbm:s6], s5  }
0x9e: {  	_ =	swait.ge [sflag:s7], s5  }
0x9f: {  	s5 =	ssub.s32 $0x0, s5;
	[sflag:s7] =	ssyncset.done $0x0  }
0xa0: {  	[sflag:s7] =	ssyncadd.s32 s5;
	_ =	sdelay $0x1  }
0xa1: {  	s23 =	simm.s32 $0x1B8B  }
0xa2: {  	_ =	swait.ge [sflag:s23], $0x1  }
0xa3: {  	[sflag:s23] =	ssyncset.done $0x0  }
0xa4: {  	[sflag:s23] =	ssyncadd.s32 $0xFFFFFFFF  }
0xa5: {  	s5 =	sld [smem:$0x0]  }
0xa6: {  	s6 =	sand.u32 $0xFFFFFFFE, s1  }
0xa7: {  	p0 =	sne.s32 s1, s6  }
0xa8: {  	s6 =	sshll.u32 @p0 s6, $0xE  }
0xa9: {  	s6 =	sadd.s32 @p0 $0x11B8D, s6;
	s7 =	sshll.u32 @p0 s5, $0x11  }
0xaa: {  	s6 =	sor.u32 @p0 s7, s6  }
0xab: {  	[sflag:s6] =	ssyncadd.remote.s32 @p0 $0x1;
	_ =	sdelay $0x1  }
0xac: {  	s6 =	simm.s32 @p0 $0x1B8D  }
0xad: {  	_ =	swait.eq @p0 [sflag:s6], $0x1  }
0xae: {  	[sflag:s6] =	ssyncadd.s32 @p0 $0xFFFFFFFF  }
0xaf: {  	s7 =	sshll.u32 @!p0 s1, $0xE  }
0xb0: {  	s7 =	sor.u32 @!p0 $0x4000, s7;
	s6 =	simm.s32 @!p0 $0x1B8D  }
0xb1: {  	s5 =	sshll.u32 @!p0 s5, $0x11;
	s7 =	sadd.s32 @!p0 $0x11B8D, s7;
	_ =	swait.eq @!p0 [sflag:s6], $0x1  }
0xb2: {  	s5 =	sor.u32 @!p0 s5, s7;
	[sflag:s6] =	ssyncadd.s32 @!p0 $0xFFFFFFFF  }
0xb3: {  	s25 =	simm.s32 $0x1B8E;
	s24 =	sld [smem:$0x3FFE];
	[sflag:s5] =	ssyncadd.remote.s32 @!p0 $0x1  }
0xb4: {  	s26 =	simm.s32 $execute0_lowered;
	[smem:$0x3FD2] =	sst s25  }
0xb5: {  	s6 =	sshll.u32 s26, $0x1;
	_ =	strace $0x8000004F;
	[dreg:$0x1] =	wrdreg $0xFFFFFFFF  }
0xb6: {  	s28 =	simm.s32 $_size_execute0_lowered;
	s4 =	sadd.s32 s4, s6;
	[dreg:$0x0] =	wrdreg $0x0  }
0xb7: {  	s6 =	sshll.u32 s28, $0x1;
	[dreg:$0x2] =	wrdreg s4  }
0xb8: {  	[dreg:$0x3] =	wrdreg s6  }
0xb9: {  	[dreg:$0x4] =	wrdreg $0xC0  }
0xba: {  	_ =	task [dreg:s22], $0x5FFFF  }
0xbb: {  	[dreg:$0x1] =	wrdreg $0xFFFFFFFF  }
0xbc: {  	[dreg:$0x0] =	wrdreg $0x60  }
0xbd: {  	[dreg:$0x2] =	wrdreg s24  }
0xbe: {  	[dreg:$0x3] =	wrdreg s18  }
0xbf: {  	[dreg:$0x4] =	wrdreg $0xC2000  }
0xc0: {  	[dreg:$0x5] =	wrdreg $0x9  }
0xc1: {  	_ =	task.clear_ibuf [dreg:s22], $0x6FFFF;
	_ =	strace $0x9000004F  }
0xc2: {  	s29 =	simm.s32 $0x9;
	_ =	strace $0x80000051  }
0xc3: {  	_ =	swait.ge [sflag:s29], $0x1  }
0xc4: {  	[sflag:s29] =	ssyncadd.s32 $0xFFFFFFFF  }
0xc5: {  	_ =	strace $0x90000051  }
0xc6: {  	_ =	sfence  }
0xc7: {  	s30 =	sld [smem:$0x0];
	_ =	sdelay $0x2  }
0xc8: {  	s31 =	sshll.u32 s1, $0xD;
	s1 =	sshrl.u32 s1, $0x2  }
0xc9: {  	s4 =	sand.u32 $0x4000, s31;
	s1 =	sadd.s32 s1, s30  }
0xca: {  	s0 =	sor.u32 s4, s0;
	s1 =	sshll.u32 s1, $0x11  }
0xcb: {  	s0 =	sor.u32 s1, s0  }
0xcc: {  	s0 =	sadd.s32 $0x8F2B, s0  }
0xcd: {  	[sflag:s0] =	ssyncadd.remote.s32 $0x1  }
0xce: {  	_ =	sfence.sel $0xFFFF  }
0xcf: {  	[dreg:$0x0] =	wrdreg $0xFFFFFFFF;
	(pc) =	sbr.abs _section_cstart, $3  }
0xd0: {  	[dreg:$0x1] =	wrdreg $0xFFFFFFFF  }
0xd1: {  	_ =	task.clear_ibuf [dreg:s22], $0x2FFFF;
	_ =	strace $0x9FFFFFFF  }
0xd2: {  	(tm) =	ssettm $0x7FFFFFFF  }
0xd3: {  	_ =	shalt  }
tec
execute0_lowered:
.L_overlay_start_1:
0x0: {  	(tag) =	ssettag $0x1  }
0x1: {  	s4 =	rddreg [dreg:$0x0]  }
0x2: {  	s5 =	rddreg [dreg:$0x1]  }
0x3: {  	s2 =	rddreg [dreg:$0x2]  }
0x4: {  	s0 =	rddreg [dreg:$0x3];
	s6 =	srdreg.scid  }
0x5: {  	s1 =	stileid.u32;
	s3 =	simm.s32 $0x0;
	s17 =	simm.s32 $0x200  }
0x6: {  	s18 =	simm.s32 $0x2;
	s19 =	simm.s32 $0x1;
	s21 =	smul.u32 $0x3E80, s1  }
0x7: {  	s20 =	simm.s32 $0x4200;
	s7 =	sand.u32 $0x1, s6;
	s11 =	smul.u32 $0x7D000, s1  }
0x8: {  	[smem:$0x7FF] =	sst s3;
	s9 =	sadd.s32 $0x76A000, s4;
	s23 =	smul.u32 $0x27100, s1  }
0x9: {  	s12 =	sadd.s32 $0x27E000, s4;
	s10 =	sshll.u32 s1, $0x1;
	s25 =	smul.u32 $0x2710, s1  }
0xa: {  	p0 =	sgt.u32 s1, $0x9;
	s8 =	smul.u32 $0x27100, s7;
	_ =	strace $0x80000050  }
0xb: {  	s22 =	ssub.s32 $0x2, s7;
	s10 =	sor.u32 s7, s10;
	s16 =	smul.u32 $0x1388, s7  }
0xc: {  	s28 =	smul.u32 $0x13880, s7;
	s13 =	sshrl.u32 s22, $0x1;
	s11 =	sshrl.u32 s11, $0x2  }
0xd: {  	s10 =	smul.u32 $0x1388, s10;
	s8 =	sadd.s32 s21, s8;
	s13 =	ssub.s32 s22, s13  }
0xe: {  	s14 =	sadd.s32 s11, s2;
	s29 =	sadd.s32 s16, s25;
	s16 =	simm.s32 $0x100  }
0xf: {  	s22 =	simm.s32 $0x180;
	s8 =	sadd.s32 s8, s4;
	s4 =	sadd.s32 s5, s21  }
0x10: {  	s24 =	sadd.s32 $0x1380, s10;
	s10 =	sshrl.u32 s29, $0x3;
	s30 =	sadd.s32 $0x100, s29  }
0x11: {  	s11 =	sadd.s32 $0x80, s29;
	s14 =	sshrl.u32 @!p0 s14, $0x3;
	s21 =	simm.s32 $0x8200  }
0x12: {  	s26 =	sshrl.u32 s24, $0x3;
	s15 =	sshll.u32 s24, $0x4;
	s7 =	sadd.s32 $0x51200, s8  }
0x13: {  	s8 =	smax.u32 s13, $0x1;
	s10 =	sadd.s32 s10, s12;
	s13 =	sshrl.u32 s30, $0x3  }
0x14: {  	s31 =	sshrl.u32 s11, $0x3;
	s24 =	simm.s32 $0x0;
	s5 =	sadd.s32 s12, s26  }
0x15: {  	s6 =	sadd.s32 s9, s15;
	s9 =	sadd.s32 s23, s9;
	s11 =	sadd.s32 s13, s12  }
0x16: {  	s12 =	sadd.s32 s31, s12;
	s13 =	sshll.u32 @!p0 s1, $0x6;
	s15 =	simm.s32 $0x80  }
0x17: {  	s23 =	simm.s32 $0x8;
	s9 =	sadd.s32 s28, s9;
	s13 =	sor.u32 @!p0 $0x1C02, s13  }
.LBB2_1:
0x18: {  	[spmem:s14], [sflag:s13] =	dma.local @!p0 [hbm:s4], $0x3E80  }
0x19: {  	s25 =	simm.s32 @!p0 $0x2  }
0x1a: {  	_ =	swait.ge @!p0 [sflag:s25], $0x3E80  }
0x1b: {  	[sflag:s25] =	ssyncset.done @!p0 $0x0  }
0x1c: {  	[sflag:s25] =	ssyncadd.s32 @!p0 $0xFFFFC180  }
0x1d: {  	s28 =	sadd.s32 $0x0, s10;
	[bflag:$0x0] =	sbarrier.arrive $0xFFFF  }
0x1e: {  	[tilespmem:s3], [sflag:$0x1] =	stream.linear.gather [hbm4b:s28+s3], $0x80, $0x38;
	[tilespmem:$0x1FA80] =	vst v63  }
0x1f: {  	s30 =	sadd.s32 $0x0, s12  }
0x20: {  	[tilespmem:s15], [sflag:$0x1] =	stream.linear.gather [hbm4b:s30+s3], $0x80, $0x38;
	[tilespmem:$0x1FA80] =	vst v63  }
0x21: {  	s31 =	sadd.s32 $0x0, s11  }
0x22: {  	[tilespmem:s16], [sflag:$0x1] =	stream.linear.gather [hbm4b:s31+s3], $0x80, $0x38;
	[tilespmem:$0x1FA80] =	vst v63  }
0x23: {  	_ = 	snop  }
0x24: {  	[tilespmem:s17], [sflag:$0x2] =	stream.linear.gather [hbm4b:s9+s3], $0xC000, $0x38;
	[tilespmem:$0x1FA80] =	vst v63  }
0x25: {  	_ =	swait.ge [sflag:s18], $0xC000  }
0x26: {  	[sflag:s18] =	ssyncset.done $0x0  }
0x27: {  	[sflag:s18] =	ssyncadd.s32 $0xFFFF4000  }
0x28: {  	_ =	swait.ge [sflag:s19], $0x80  }
0x29: {  	[sflag:s19] =	ssyncset.done $0x0  }
0x2a: {  	[sflag:s19] =	ssyncadd.s32 $0xFFFFFF80  }
0x2b: {  	_ =	swait.ge [sflag:s19], $0x80  }
0x2c: {  	[sflag:s19] =	ssyncset.done $0x0  }
0x2d: {  	[sflag:s19] =	ssyncadd.s32 $0xFFFFFF80  }
0x2e: {  	_ =	swait.ge [sflag:s19], $0x80  }
0x2f: {  	[sflag:s19] =	ssyncset.done $0x0  }
0x30: {  	[sflag:s19] =	ssyncadd.s32 $0xFFFFFF80  }
0x31: {  	[spmem:s2] =	stream.indirect.scatter.add.f32 [tilespmem:s17], [sflag:$0x2], $0x80, s3, s15, $0xb8;
	[tilespmem:$0x1FA80] =	vst v63  }
0x32: {  	_ =	swait.ge [sflag:s18], $0x4000  }
0x33: {  	[sflag:s18] =	ssyncset.done $0x0  }
0x34: {  	[sflag:s18] =	ssyncadd.s32 $0xFFFFC000  }
0x35: {  	[spmem:s2] =	stream.indirect.scatter.add.f32 [tilespmem:s20], [sflag:$0x2], $0x80, s15, s15, $0xb8;
	[tilespmem:$0x1FA80] =	vst v63  }
0x36: {  	_ =	swait.ge [sflag:s18], $0x4000  }
0x37: {  	[sflag:s18] =	ssyncset.done $0x0  }
0x38: {  	[sflag:s18] =	ssyncadd.s32 $0xFFFFC000  }
0x39: {  	[spmem:s2] =	stream.indirect.scatter.add.f32 [tilespmem:s21], [sflag:$0x2], $0x80, s16, s15, $0xb8;
	[tilespmem:$0x1FA80] =	vst v63  }
0x3a: {  	s29 =	simm.s32 $0x60;
	_ =	swait.ge [sflag:s18], $0x4000  }
0x3b: {  	s26 =	sadd.s32 $0x1800, s9;
	s25 =	simm.s32 $0x30;
	[sflag:s18] =	ssyncset.done $0x0  }
.LBB2_2:
0x3c: {  	s30 =	sadd.s32 s25, s10  }
0x3d: {  	[sflag:s18] =	ssyncadd.s32 $0xFFFFC000;
	s31 =	smov.u32 s29;
	s28 =	sadd.s32 $0x30, s29  }
0x3e: {  	[tilespmem:s3], [sflag:$0x1] =	stream.linear.gather [hbm4b:s30+s3], $0x80, $0x38;
	[tilespmem:$0x1FA80] =	vst v63  }
0x3f: {  	p1 =	sne.s32 s29, $0x240;
	s29 =	sadd.s32 s25, s12  }
0x40: {  	[tilespmem:s15], [sflag:$0x1] =	stream.linear.gather [hbm4b:s29+s3], $0x80, $0x38;
	[tilespmem:$0x1FA80] =	vst v63  }
0x41: {  	s29 =	sadd.s32 s25, s11;
	s25 =	smov.u32 s31  }
0x42: {  	[tilespmem:s16], [sflag:$0x1] =	stream.linear.gather [hbm4b:s29+s3], $0x80, $0x38;
	[tilespmem:$0x1FA80] =	vst v63  }
0x43: {  	_ = 	snop  }
0x44: {  	[tilespmem:s17], [sflag:$0x2] =	stream.linear.gather [hbm4b:s26+s3], $0xC000, $0x38;
	[tilespmem:$0x1FA80] =	vst v63  }
0x45: {  	_ =	swait.ge [sflag:s18], $0xC000  }
0x46: {  	[sflag:s18] =	ssyncset.done $0x0  }
0x47: {  	[sflag:s18] =	ssyncadd.s32 $0xFFFF4000  }
0x48: {  	_ =	swait.ge [sflag:s19], $0x80  }
0x49: {  	[sflag:s19] =	ssyncset.done $0x0  }
0x4a: {  	[sflag:s19] =	ssyncadd.s32 $0xFFFFFF80  }
0x4b: {  	_ =	swait.ge [sflag:s19], $0x80  }
0x4c: {  	[sflag:s19] =	ssyncset.done $0x0  }
0x4d: {  	[sflag:s19] =	ssyncadd.s32 $0xFFFFFF80  }
0x4e: {  	_ =	swait.ge [sflag:s19], $0x80  }
0x4f: {  	[sflag:s19] =	ssyncset.done $0x0  }
0x50: {  	[sflag:s19] =	ssyncadd.s32 $0xFFFFFF80  }
0x51: {  	[spmem:s2] =	stream.indirect.scatter.add.f32 [tilespmem:s17], [sflag:$0x2], $0x80, s3, s15, $0xb8;
	[tilespmem:$0x1FA80] =	vst v63  }
0x52: {  	_ =	swait.ge [sflag:s18], $0x4000  }
0x53: {  	[sflag:s18] =	ssyncset.done $0x0  }
0x54: {  	[sflag:s18] =	ssyncadd.s32 $0xFFFFC000  }
0x55: {  	[spmem:s2] =	stream.indirect.scatter.add.f32 [tilespmem:s20], [sflag:$0x2], $0x80, s15, s15, $0xb8;
	[tilespmem:$0x1FA80] =	vst v63  }
0x56: {  	_ =	swait.ge [sflag:s18], $0x4000  }
.Ltmp0:
0x57: {  	[sflag:s18] =	ssyncset.done $0x0;
	(pc) =	sbr.rel @p1 .LBB2_2-.Ltmp0, $4  }
0x58: {  	[sflag:s18] =	ssyncadd.s32 $0xFFFFC000  }
0x59: {  	[spmem:s2] =	stream.indirect.scatter.add.f32 [tilespmem:s21], [sflag:$0x2], $0x80, s16, s15, $0xb8;
	[tilespmem:$0x1FA80] =	vst v63  }
0x5a: {  	_ =	swait.ge [sflag:s18], $0x4000  }
0x5b: {  	s29 =	smov.u32 s28;
	s26 =	sadd.s32 $0x1800, s26;
	[sflag:s18] =	ssyncset.done $0x0  }
0x5c: {  	s28 =	sadd.s32 s25, s10;
	[sflag:s18] =	ssyncadd.s32 $0xFFFFC000  }
0x5d: {  	[tilespmem:s3], [sflag:$0x1] =	stream.linear.gather [hbm4b:s28+s3], $0x80, $0x38;
	[tilespmem:$0x1FA80] =	vst v63  }
0x5e: {  	s30 =	sadd.s32 s25, s12  }
0x5f: {  	[tilespmem:s15], [sflag:$0x1] =	stream.linear.gather [hbm4b:s30+s3], $0x80, $0x38;
	[tilespmem:$0x1FA80] =	vst v63  }
0x60: {  	s31 =	sadd.s32 s25, s11  }
0x61: {  	[tilespmem:s16], [sflag:$0x1] =	stream.linear.gather [hbm4b:s31+s3], $0x80, $0x38;
	[tilespmem:$0x1FA80] =	vst v63  }
0x62: {  	_ = 	snop  }
0x63: {  	[tilespmem:s17], [sflag:$0x2] =	stream.linear.gather [hbm4b:s26+s3], $0xC000, $0x38;
	[tilespmem:$0x1FA80] =	vst v63  }
0x64: {  	_ =	swait.ge [sflag:s18], $0xC000  }
0x65: {  	[sflag:s18] =	ssyncset.done $0x0  }
0x66: {  	[sflag:s18] =	ssyncadd.s32 $0xFFFF4000  }
0x67: {  	_ =	swait.ge [sflag:s19], $0x80  }
0x68: {  	[sflag:s19] =	ssyncset.done $0x0  }
0x69: {  	[sflag:s19] =	ssyncadd.s32 $0xFFFFFF80  }
0x6a: {  	_ =	swait.ge [sflag:s19], $0x80  }
0x6b: {  	[sflag:s19] =	ssyncset.done $0x0  }
0x6c: {  	[sflag:s19] =	ssyncadd.s32 $0xFFFFFF80  }
0x6d: {  	_ =	swait.ge [sflag:s19], $0x80  }
0x6e: {  	[sflag:s19] =	ssyncset.done $0x0  }
0x6f: {  	[sflag:s19] =	ssyncadd.s32 $0xFFFFFF80  }
0x70: {  	[spmem:s2] =	stream.indirect.scatter.add.f32 [tilespmem:s17], [sflag:$0x2], $0x80, s3, s15, $0xb8;
	[tilespmem:$0x1FA80] =	vst v63  }
0x71: {  	_ =	swait.ge [sflag:s18], $0x4000  }
0x72: {  	[sflag:s18] =	ssyncset.done $0x0  }
0x73: {  	[sflag:s18] =	ssyncadd.s32 $0xFFFFC000  }
0x74: {  	[spmem:s2] =	stream.indirect.scatter.add.f32 [tilespmem:s20], [sflag:$0x2], $0x80, s15, s15, $0xb8;
	[tilespmem:$0x1FA80] =	vst v63  }
0x75: {  	_ =	swait.ge [sflag:s18], $0x4000  }
0x76: {  	[sflag:s18] =	ssyncset.done $0x0  }
0x77: {  	[sflag:s18] =	ssyncadd.s32 $0xFFFFC000  }
0x78: {  	[spmem:s2] =	stream.indirect.scatter.add.f32 [tilespmem:s21], [sflag:$0x2], $0x80, s16, s15, $0xb8;
	[tilespmem:$0x1FA80] =	vst v63  }
0x79: {  	_ =	swait.ge [sflag:s18], $0x4000  }
0x7a: {  	[sflag:s18] =	ssyncset.done $0x0  }
0x7b: {  	[sflag:s18] =	ssyncadd.s32 $0xFFFFC000  }
0x7c: {  	[tilespmem:s22], [sflag:$0x1] =	stream.linear.gather [hbm4b:s5+s3], $0x8, $0x38;
	[tilespmem:$0x1FA80] =	vst v63  }
0x7d: {  	_ = 	snop  }
0x7e: {  	[tilespmem:s17], [sflag:$0x2] =	stream.linear.gather [hbm4b:s6+s3], $0x400, $0x38;
	[tilespmem:$0x1FA80] =	vst v63  }
0x7f: {  	_ =	swait.ge [sflag:s18], $0x400  }
0x80: {  	[sflag:s18] =	ssyncset.done $0x0  }
0x81: {  	[sflag:s18] =	ssyncadd.s32 $0xFFFFFC00  }
0x82: {  	_ =	swait.ge [sflag:s19], $0x8  }
0x83: {  	[sflag:s19] =	ssyncset.done $0x0  }
0x84: {  	[sflag:s19] =	ssyncadd.s32 $0xFFFFFFF8  }
0x85: {  	[spmem:s2] =	stream.indirect.scatter.add.f32 [tilespmem:s17], [sflag:$0x2], $0x80, s22, s23, $0xb8;
	[tilespmem:$0x1FA80] =	vst v63  }
0x86: {  	_ =	swait.ge [sflag:s18], $0x400  }
0x87: {  	s24 =	sadd.s32 $0x1, s24;
	[sflag:s18] =	ssyncset.done $0x0  }
0x88: {  	p1 =	sne.s32 s24, s8;
	[sflag:s18] =	ssyncadd.s32 $0xFFFFFC00  }
.Ltmp1:
0x89: {  	s25 =	simm.s32 @!p0 $0x2;
	[bflag:$0x0] =	sbarrier.arrive $0xFFFF;
	(pc) =	sbr.rel @p1 .LBB2_1-.Ltmp1, $4  }
0x8a: {  	[hbm:s7], [sflag:s13] =	dma.local @!p0 [spmem:s14], $0x3E80  }
0x8b: {  	_ =	swait.ge @!p0 [sflag:s25], $0x3E80  }
0x8c: {  	[sflag:s25] =	ssyncset.done @!p0 $0x0  }
0x8d: {  	[sflag:s25] =	ssyncadd.s32 @!p0 $0xFFFFC180  }
0x8e: {  	_ =	sfence.sel $0x180000  }
0x8f: {  	[bflag:$0x0] =	sbarrier.arrive $0xFFFF  }
0x90: {  	p0 =	sne.s32 s1, $0x0;
	_ =	strace $0x90000050  }
0x91: {  	s0 =	sadd.s32 @!p0 $0x100000, s0;
	[bflag:$0x2] =	sbarrier.arrive $0xFFFF  }
0x92: {  	[sflag:s0] =	ssyncadd.tile.s32 @!p0 $0x1;
	_ =	shalt  }
.Lfunc_end2:
_tile_overlayer_lowered:
.L_overlay_start_2:
0x93: {  	(tag) =	ssettag $0x2  }
0x94: {  	s0 =	rddreg [dreg:$0x0];
	s2 =	stileid.u32  }
0x95: {  	s1 =	rddreg [dreg:$0x1];
	p0 =	sne.s32 s2, $0x0  }
0x96: {  	s3 =	rddreg [dreg:$0x2];
	[bflag:$0x3] =	sbarrier.arrive $0xFFFF;
	s2 =	simm.s32 @!p0 $0x1C02  }
0x97: {  	[timem:s3], [sflag:s2] =	dma.local @!p0 [hbm:s0], s1  }
0x98: {  	s0 =	simm.s32 @!p0 $0x2  }
0x99: {  	_ =	swait.ge @!p0 [sflag:s0], s1  }
0x9a: {  	s1 =	ssub.s32 @!p0 $0x0, s1;
	[sflag:s0] =	ssyncset.done @!p0 $0x0  }
0x9b: {  	[sflag:s0] =	ssyncadd.s32 @!p0 s1  }
0x9c: {  	[bflag:$0x3] =	sbarrier.arrive $0xFFFF  }
0x9d: {  	_ =	shalt  }

// kernel: kernel.15.cloned.1.call-start
scs
__scs_entry_jumppad:
0x0: {  	(pc) =	sbr.rel $0x88, $3  }
0x1: {  	(tag) =	ssettag $0x0;
	lr =	simm.s32 $0x1  }
0x2: {  	[smem:$0x3F96] =	sst lr;
	_ =	strace $0xD0000000  }
0x3: {  	_ = 	snop  }
0x4: {  	_ = 	snop  }
0x5: {  	_ = 	snop  }
0x6: {  	_ = 	snop  }
0x7: {  	_ = 	snop  }
__scs_overlays_trampoline_lowered:
0x8: {  	[smem:$0x3FA5] =	sst s0  }
0x9: {  	[smem:$0x3FA6] =	sst s1  }
0xa: {  	[smem:$0x3FA7] =	sst s2  }
0xb: {  	[smem:$0x3FA8] =	sst s3  }
0xc: {  	[smem:$0x3FA9] =	sst s4  }
0xd: {  	[smem:$0x3FAA] =	sst s5  }
0xe: {  	[smem:$0x3FAB] =	sst s6  }
0xf: {  	[smem:$0x3FAC] =	sst s7  }
0x10: {  	[smem:$0x3FAD] =	sst s8  }
0x11: {  	[smem:$0x3FAE] =	sst s9;
	s0 =	simm.s32 @!p0 $0x0  }
0x12: {  	s1 =	sld [smem:$0x3F94];
	s0 =	simm.s32 @p0 $0x1  }
0x13: {  	[smem:$0x3FAF] =	sst s0;
	s0 =	simm.s32 @!p1 $0x0  }
0x14: {  	s2 =	sld [smem:$0x3F93];
	s0 =	simm.s32 @p1 $0x1  }
0x15: {  	[smem:$0x3FB0] =	sst s0;
	s0 =	simm.s32 @!p2 $0x0  }
0x16: {  	s3 =	sld [smem:$0x3FDB];
	s0 =	simm.s32 @p2 $0x1  }
0x17: {  	s4 =	simm.s32 $0x1BF5;
	[smem:$0x3FB2] =	sst s0  }
0x18: {  	s0 =	sld [smem:$0x3F95];
	_ =	swait.ge [sflag:s4], $0x0  }
0x19: {  	s7 =	sld [smem:$0x3F96]  }
0x1a: {  	s8 =	sadd.s32 $0xFFFFE003, lr  }
0x1b: {  	s9 =	sadd.s32 $0xFFFFFEF7, lr;
	s5 =	simm.s32 $0xFFFFFFFF;
	p2 =	slt.u32 s8, $0xFFFFF086  }
0x1c: {  	p1 =	slt.u32 s9, $0xF7A;
	s5 =	simm.s32 @!p2 $0x0  }
0x1d: {  	s5 =	simm.s32 @p1 $0x1;
	p0 =	seq.s32 s7, s2  }
0x1e: {  	s7 =	smul.u32 @!p0 $0xF7A, s2;
	p2 =	seq.s32 @!p0 s5, $0x0  }
0x1f: {  	s9 =	smul.u32 $0xF7A, s1;
	s8 =	simm.s32 @!p0 $0x1BF5;
	p2 =	por !p2, p0  }
0x20: {  	[sflag:s8] =	ssyncset.s32 @!p0 $0xFFFFF086;
	s6 =	sadd.s32 @!p0 s3, s7;
	s7 =	simm.s32 @!p0 $0x108  }
0x21: {  	s3 =	sadd.s32 s3, s9;
	s6 =	sadd.s32 @!p0 $0x88, s6;
	s7 =	simm.s32 @p2 $0x1082  }
0x22: {  	[simem:s7], [sflag:s8] =	dma.local @!p0 [hbm:s6], $0xF7A  }
0x23: {  	s9 =	sor.u32 $0xD0000000, s2;
	s6 =	simm.s32 $0x108;
	_ =	swait.ge @!p0 [sflag:s8], $0x0  }
0x24: {  	s3 =	sadd.s32 $0x88, s3;
	s6 =	simm.s32 @!p1 $0x1082;
	[sflag:s4] =	ssyncset.s32 $0xFFFFF086  }
0x25: {  	[simem:s6], [sflag:s4] =	dma.local [hbm:s3], $0xF7A  }
0x26: {  	[smem:$0x3F96] =	sst s1;
	(tag) =	ssettag s2;
	_ =	strace s9  }
0x27: {  	s1 =	sld [smem:$0x3FA6]  }
0x28: {  	s2 =	sld [smem:$0x3FA7]  }
0x29: {  	s4 =	sld [smem:$0x3FA9]  }
0x2a: {  	p0 =	seq.s32 s5, $0x0;
	s5 =	sld [smem:$0x3FAA]  }
0x2b: {  	s6 =	sld [smem:$0x3FAB]  }
0x2c: {  	s7 =	sld [smem:$0x3FAC]  }
0x2d: {  	s3 =	simm.s32 $0x108;
	s8 =	sld [smem:$0x3FAD]  }
0x2e: {  	s3 =	simm.s32 @!p0 $0x1082;
	s9 =	sld [smem:$0x3FAE]  }
0x2f: {  	lr =	sadd.s32 s0, s3;
	s0 =	sld [smem:$0x3FA5]  }
0x30: {  	s3 =	sld [smem:$0x3FA8]  }
0x31: {  	[smem:$0x3FB1] =	sst s10  }
0x32: {  	s10 =	sld [smem:$0x3FAF];
	_ =	sdelay $0x3  }
0x33: {  	p0 =	seq.s32 s10, $0x1;
	s10 =	sld [smem:$0x3FB1];
	_ =	sdelay $0x3  }
0x34: {  	[smem:$0x3FB1] =	sst s10  }
0x35: {  	s10 =	sld [smem:$0x3FB0];
	_ =	sdelay $0x3  }
0x36: {  	p1 =	seq.s32 s10, $0x1;
	s10 =	sld [smem:$0x3FB1];
	_ =	sdelay $0x3  }
0x37: {  	[smem:$0x3FB1] =	sst s10  }
0x38: {  	s10 =	sld [smem:$0x3FB2]  }
0x39: {  	_ = 	snop;
	(pc) =	sbr.ind lr, $3  }
0x3a: {  	_ = 	snop  }
0x3b: {  	_ = 	snop  }
0x3c: {  	p2 =	seq.s32 s10, $0x1;
	s10 =	sld [smem:$0x3FB1]  }
0x3d: {  	_ =	shalt  }
0x3e: {  	_ =	shalt  }
0x3f: {  	_ =	shalt  }
0x40: {  	_ =	shalt  }
0x41: {  	_ =	shalt  }
0x42: {  	_ =	shalt  }
0x43: {  	_ =	shalt  }
0x44: {  	_ =	shalt  }
0x45: {  	_ =	shalt  }
0x46: {  	_ =	shalt  }
0x47: {  	_ =	shalt  }
0x48: {  	_ =	shalt  }
0x49: {  	_ =	shalt  }
0x4a: {  	_ =	shalt  }
0x4b: {  	_ =	shalt  }
0x4c: {  	_ =	shalt  }
0x4d: {  	_ =	shalt  }
0x4e: {  	_ =	shalt  }
0x4f: {  	_ =	shalt  }
0x50: {  	_ =	shalt  }
0x51: {  	_ =	shalt  }
0x52: {  	_ =	shalt  }
0x53: {  	_ =	shalt  }
0x54: {  	_ =	shalt  }
0x55: {  	_ =	shalt  }
0x56: {  	_ =	shalt  }
0x57: {  	_ =	shalt  }
0x58: {  	_ =	shalt  }
0x59: {  	_ =	shalt  }
0x5a: {  	_ =	shalt  }
0x5b: {  	_ =	shalt  }
0x5c: {  	_ =	shalt  }
0x5d: {  	_ =	shalt  }
0x5e: {  	_ =	shalt  }
0x5f: {  	_ =	shalt  }
0x60: {  	_ =	shalt  }
0x61: {  	_ =	shalt  }
0x62: {  	_ =	shalt  }
0x63: {  	_ =	shalt  }
0x64: {  	_ =	shalt  }
0x65: {  	_ =	shalt  }
0x66: {  	_ =	shalt  }
0x67: {  	_ =	shalt  }
0x68: {  	_ =	shalt  }
0x69: {  	_ =	shalt  }
0x6a: {  	_ =	shalt  }
0x6b: {  	_ =	shalt  }
0x6c: {  	_ =	shalt  }
0x6d: {  	_ =	shalt  }
0x6e: {  	_ =	shalt  }
0x6f: {  	_ =	shalt  }
0x70: {  	_ =	shalt  }
0x71: {  	_ =	shalt  }
0x72: {  	_ =	shalt  }
0x73: {  	_ =	shalt  }
0x74: {  	_ =	shalt  }
0x75: {  	_ =	shalt  }
0x76: {  	_ =	shalt  }
0x77: {  	_ =	shalt  }
0x78: {  	_ =	shalt  }
0x79: {  	_ =	shalt  }
0x7a: {  	_ =	shalt  }
0x7b: {  	_ =	shalt  }
0x7c: {  	_ =	shalt  }
0x7d: {  	_ =	shalt  }
0x7e: {  	_ =	shalt  }
0x7f: {  	_ =	shalt  }
0x80: {  	_ =	shalt  }
0x81: {  	_ =	shalt  }
0x82: {  	_ =	shalt  }
0x83: {  	_ =	shalt  }
0x84: {  	_ =	shalt  }
0x85: {  	_ =	shalt  }
0x86: {  	_ =	shalt  }
0x87: {  	_ =	shalt  }
.Lfunc_end0:
.L_simem_size_0:
called_computation.2_lowered:
.L_overlay_start_0:
0x88: {  	s2 =	sld [smem:$0x3FD9]  }
0x89: {  	s3 =	sld [smem:$0x3FFE];
	_ =	sdelay $0x1  }
0x8a: {  	s1 =	srdreg.scid  }
0x8b: {  	s0 =	sand.u32 $0x1, s1  }
0x8c: {  	s17 =	sshll.u32 s0, $0xA;
	s2 =	sadd.s32 s3, s2  }
0x8d: {  	s2 =	sadd.s32 s2, s17  }
0x8e: {  	[smem:$0x3FBD] =	sst s2  }
0x8f: {  	_ = 	snop  }
0x90: {  	s2 =	sld [smem:$0x3FC9];
	(tm) =	ssettm $0x1  }
0x91: {  	s18 =	sld [smem:$0x3FFB];
	_ =	sdelay $0x3  }
0x92: {  	_ =	strace s18  }
0x93: {  	s3 =	sld [smem:$0x3FFC];
	_ =	sdelay $0x3  }
0x94: {  	_ =	strace s3  }
0x95: {  	s3 =	sld [smem:$0x3FFD];
	_ =	sdelay $0x3  }
0x96: {  	_ =	strace s3  }
0x97: {  	_ =	strace $0x8FFFFFFF  }
0x98: {  	s19 =	sld [smem:$0x3FDB];
	_ =	sdelay $0x1  }
0x99: {  	s4 =	simm.s32 $_scs_section_size  }
0x9a: {  	s5 =	simm.s32 $_size__tile_overlayer_lowered;
	s6 =	simm.s32 $_tile_overlayer_lowered  }
0x9b: {  	s22 =	simm.s32 $0x1BFF;
	s21 =	sshll.u32 s6, $0x1;
	s3 =	sadd.s32 s4, s19  }
0x9c: {  	s7 =	simm.s32 $0x0;
	s20 =	sshll.u32 s5, $0x1;
	s5 =	sadd.s32 s21, s3  }
0x9d: {  	[timem:s7], [sflag:s22] =	dma.local [hbm:s5], s20  }
0x9e: {  	_ =	swait.ge [sflag:s22], s20  }
0x9f: {  	s4 =	ssub.s32 $0x0, s20;
	[sflag:s22] =	ssyncset.done $0x0  }
0xa0: {  	[sflag:s22] =	ssyncadd.s32 s4;
	_ =	sdelay $0x1  }
0xa1: {  	s23 =	simm.s32 $0x1B8B  }
0xa2: {  	_ =	swait.ge [sflag:s23], $0x1  }
0xa3: {  	[sflag:s23] =	ssyncset.done $0x0  }
0xa4: {  	s25 =	simm.s32 $0x1B8E;
	s24 =	sld [smem:$0x3FFE];
	[sflag:s23] =	ssyncadd.s32 $0xFFFFFFFF  }
0xa5: {  	s26 =	simm.s32 $execute0_lowered;
	[smem:$0x3FD2] =	sst s25  }
0xa6: {  	s5 =	sshll.u32 s26, $0x1;
	_ =	strace $0x80000046;
	[dreg:$0x1] =	wrdreg $0xFFFFFFFF  }
0xa7: {  	s28 =	simm.s32 $_size_execute0_lowered;
	s3 =	sadd.s32 s3, s5;
	[dreg:$0x0] =	wrdreg $0x0  }
0xa8: {  	s5 =	sshll.u32 s28, $0x1;
	[dreg:$0x2] =	wrdreg s3  }
0xa9: {  	[dreg:$0x3] =	wrdreg s5  }
0xaa: {  	[dreg:$0x4] =	wrdreg $0xC0  }
0xab: {  	_ =	task [dreg:s7], $0x5FFFF  }
0xac: {  	[dreg:$0x1] =	wrdreg $0xFFFFFFFF  }
0xad: {  	[dreg:$0x0] =	wrdreg $0x60  }
0xae: {  	[dreg:$0x2] =	wrdreg s2  }
0xaf: {  	[dreg:$0x3] =	wrdreg s24  }
0xb0: {  	[dreg:$0x4] =	wrdreg $0xA  }
0xb1: {  	_ =	task.clear_ibuf [dreg:s7], $0x5FFFF;
	_ =	strace $0x90000046  }
0xb2: {  	s29 =	simm.s32 $0xA;
	_ =	strace $0x80000048  }
0xb3: {  	_ =	swait.ge [sflag:s29], $0x1  }
0xb4: {  	[sflag:s29] =	ssyncadd.s32 $0xFFFFFFFF  }
0xb5: {  	_ =	strace $0x90000048  }
0xb6: {  	_ =	sfence  }
0xb7: {  	s30 =	sld [smem:$0x0];
	_ =	sdelay $0x2  }
0xb8: {  	s31 =	sshll.u32 s1, $0xD;
	s1 =	sshrl.u32 s1, $0x2  }
0xb9: {  	s3 =	sand.u32 $0x4000, s31;
	s1 =	sadd.s32 s1, s30  }
0xba: {  	s0 =	sor.u32 s3, s0;
	s1 =	sshll.u32 s1, $0x11  }
0xbb: {  	s0 =	sor.u32 s1, s0  }
0xbc: {  	s0 =	sadd.s32 $0x8F2B, s0  }
0xbd: {  	[sflag:s0] =	ssyncadd.remote.s32 $0x1  }
0xbe: {  	_ =	sfence.sel $0xFFFF  }
0xbf: {  	[dreg:$0x0] =	wrdreg $0xFFFFFFFF;
	(pc) =	sbr.abs _section_cstart, $3  }
0xc0: {  	[dreg:$0x1] =	wrdreg $0xFFFFFFFF  }
0xc1: {  	_ =	task.clear_ibuf [dreg:s7], $0x2FFFF;
	_ =	strace $0x9FFFFFFF  }
0xc2: {  	(tm) =	ssettm $0x7FFFFFFF  }
0xc3: {  	_ =	shalt  }
tec
execute0_lowered:
.L_overlay_start_1:
0x0: {  	(tag) =	ssettag $0x1  }
0x1: {  	s2 =	rddreg [dreg:$0x0];
	s1 =	srdreg.scid  }
0x2: {  	s0 =	stileid.u32;
	s4 =	rddreg [dreg:$0x1];
	s3 =	simm.s32 $0x0  }
0x3: {  	s14 =	simm.s32 $0x8300;
	s15 =	simm.s32 $0x180;
	s16 =	simm.s32 $0xC300  }
0x4: {  	s17 =	simm.s32 $0x200;
	s18 =	simm.s32 $0x10300;
	s19 =	simm.s32 $0x280  }
0x5: {  	s20 =	simm.s32 $0x14300;
	s21 =	simm.s32 $0x1;
	s22 =	simm.s32 $0x8  }
0x6: {  	s23 =	simm.s32 $0x0;
	s5 =	sand.u32 $0x1, s1;
	s1 =	rddreg [dreg:$0x2]  }
0x7: {  	s6 =	sshll.u32 s0, $0x1;
	[smem:$0x7FF] =	sst s3;
	s9 =	smul.u32 $0x2710, s0  }
0x8: {  	s8 =	sadd.s32 $0x3000, s4;
	s31 =	smul.u32 $0x27100, s0;
	s6 =	sor.u32 s5, s6  }
0x9: {  	s7 =	sadd.s32 $0x8000, s4;
	s30 =	ssub.s32 $0x2, s5;
	s6 =	smul.u32 $0x1388, s6  }
0xa: {  	_ =	strace $0x80000047;
	s12 =	smul.u32 $0x1388, s5;
	s10 =	sshrl.u32 s30, $0x1  }
0xb: {  	s13 =	smul.u32 $0x13880, s5;
	s10 =	ssub.s32 s30, s10;
	s6 =	sadd.s32 $0x1200, s6  }
0xc: {  	s9 =	sadd.s32 s12, s9;
	s12 =	simm.s32 $0x4300;
	s11 =	sshrl.u32 s6, $0x3  }
0xd: {  	s9 =	sshrl.u32 s9, $0x3;
	s6 =	sshll.u32 s6, $0x4;
	s4 =	sadd.s32 s8, s11  }
0xe: {  	s5 =	sadd.s32 s7, s6;
	s7 =	sadd.s32 s31, s7;
	s6 =	smax.u32 s10, $0x1  }
0xf: {  	s8 =	sadd.s32 s9, s8;
	s9 =	simm.s32 $0x2;
	s10 =	simm.s32 $0x80  }
0x10: {  	s11 =	simm.s32 $0x300;
	s7 =	sadd.s32 s13, s7;
	s13 =	simm.s32 $0x100  }
.LBB2_1:
0x11: {  	s24 =	sadd.s32 $0x0, s8  }
0x12: {  	[tilespmem:s3], [sflag:$0x2] =	stream.linear.gather [hbm4b:s24+s3], $0x300, $0x38;
	[tilespmem:$0x18300] =	vst v63  }
0x13: {  	_ =	swait.ge [sflag:s9], $0x300  }
0x14: {  	[sflag:s9] =	ssyncset.done $0x0  }
0x15: {  	[sflag:s9] =	ssyncadd.s32 $0xFFFFFD00  }
0x16: {  	[tilespmem:s11], [sflag:$0x1] =	stream.indirect.gather [hbm4b:s2+s10], $0x80, s3, s10, $0xb8;
	[tilespmem:$0x18300] =	vst v63  }
0x17: {  	_ = 	snop  }
0x18: {  	[tilespmem:s12], [sflag:$0x1] =	stream.indirect.gather [hbm4b:s2+s10], $0x80, s10, s10, $0xb8;
	[tilespmem:$0x18300] =	vst v63  }
0x19: {  	_ = 	snop  }
0x1a: {  	[tilespmem:s14], [sflag:$0x1] =	stream.indirect.gather [hbm4b:s2+s10], $0x80, s13, s10, $0xb8;
	[tilespmem:$0x18300] =	vst v63  }
0x1b: {  	_ = 	snop  }
0x1c: {  	[tilespmem:s16], [sflag:$0x1] =	stream.indirect.gather [hbm4b:s2+s10], $0x80, s15, s10, $0xb8;
	[tilespmem:$0x18300] =	vst v63  }
0x1d: {  	_ = 	snop  }
0x1e: {  	[tilespmem:s18], [sflag:$0x1] =	stream.indirect.gather [hbm4b:s2+s10], $0x80, s17, s10, $0xb8;
	[tilespmem:$0x18300] =	vst v63  }
0x1f: {  	_ = 	snop  }
0x20: {  	[tilespmem:s20], [sflag:$0x1] =	stream.indirect.gather [hbm4b:s2+s10], $0x80, s19, s10, $0xb8;
	[tilespmem:$0x18300] =	vst v63  }
0x21: {  	_ =	swait.ge [sflag:s21], $0x4000  }
0x22: {  	[sflag:s21] =	ssyncset.done $0x0  }
0x23: {  	[sflag:s21] =	ssyncadd.s32 $0xFFFFC000  }
0x24: {  	_ =	swait.ge [sflag:s21], $0x4000  }
0x25: {  	[sflag:s21] =	ssyncset.done $0x0  }
0x26: {  	[sflag:s21] =	ssyncadd.s32 $0xFFFFC000  }
0x27: {  	_ =	swait.ge [sflag:s21], $0x4000  }
0x28: {  	[sflag:s21] =	ssyncset.done $0x0  }
0x29: {  	[sflag:s21] =	ssyncadd.s32 $0xFFFFC000  }
0x2a: {  	_ =	swait.ge [sflag:s21], $0x4000  }
0x2b: {  	[sflag:s21] =	ssyncset.done $0x0  }
0x2c: {  	[sflag:s21] =	ssyncadd.s32 $0xFFFFC000  }
0x2d: {  	_ =	swait.ge [sflag:s21], $0x4000  }
0x2e: {  	[sflag:s21] =	ssyncset.done $0x0  }
0x2f: {  	[sflag:s21] =	ssyncadd.s32 $0xFFFFC000  }
0x30: {  	_ =	swait.ge [sflag:s21], $0x4000  }
0x31: {  	[sflag:s21] =	ssyncset.done $0x0  }
0x32: {  	[sflag:s21] =	ssyncadd.s32 $0xFFFFC000  }
0x33: {  	[hbm4b:s7+s3] =	stream.linear.scatter [tilespmem:s11], [sflag:$0x2], $0x18000, $0x38;
	[tilespmem:$0x18300] =	vst v63  }
0x34: {  	s25 =	simm.s32 $0x60;
	_ =	swait.ge [sflag:s9], $0x18000  }
0x35: {  	s28 =	simm.s32 $0xC0;
	s24 =	sadd.s32 $0x3000, s7;
	[sflag:s9] =	ssyncset.done $0x0  }
.LBB2_2:
0x36: {  	s29 =	sadd.s32 s25, s8  }
0x37: {  	[sflag:s9] =	ssyncadd.s32 $0xFFFE8000;
	s25 =	smov.u32 s28;
	s26 =	sadd.s32 $0x60, s28  }
0x38: {  	[tilespmem:s3], [sflag:$0x2] =	stream.linear.gather [hbm4b:s29+s3], $0x300, $0x38;
	[tilespmem:$0x18300] =	vst v63  }
0x39: {  	p0 =	sne.s32 s28, $0x1E0;
	_ =	swait.ge [sflag:s9], $0x300  }
0x3a: {  	[sflag:s9] =	ssyncset.done $0x0  }
0x3b: {  	[sflag:s9] =	ssyncadd.s32 $0xFFFFFD00  }
0x3c: {  	[tilespmem:s11], [sflag:$0x1] =	stream.indirect.gather [hbm4b:s2+s10], $0x80, s3, s10, $0xb8;
	[tilespmem:$0x18300] =	vst v63  }
0x3d: {  	_ = 	snop  }
0x3e: {  	[tilespmem:s12], [sflag:$0x1] =	stream.indirect.gather [hbm4b:s2+s10], $0x80, s10, s10, $0xb8;
	[tilespmem:$0x18300] =	vst v63  }
0x3f: {  	_ = 	snop  }
0x40: {  	[tilespmem:s14], [sflag:$0x1] =	stream.indirect.gather [hbm4b:s2+s10], $0x80, s13, s10, $0xb8;
	[tilespmem:$0x18300] =	vst v63  }
0x41: {  	_ = 	snop  }
0x42: {  	[tilespmem:s16], [sflag:$0x1] =	stream.indirect.gather [hbm4b:s2+s10], $0x80, s15, s10, $0xb8;
	[tilespmem:$0x18300] =	vst v63  }
0x43: {  	_ = 	snop  }
0x44: {  	[tilespmem:s18], [sflag:$0x1] =	stream.indirect.gather [hbm4b:s2+s10], $0x80, s17, s10, $0xb8;
	[tilespmem:$0x18300] =	vst v63  }
0x45: {  	_ = 	snop  }
0x46: {  	[tilespmem:s20], [sflag:$0x1] =	stream.indirect.gather [hbm4b:s2+s10], $0x80, s19, s10, $0xb8;
	[tilespmem:$0x18300] =	vst v63  }
0x47: {  	_ =	swait.ge [sflag:s21], $0x4000  }
0x48: {  	[sflag:s21] =	ssyncset.done $0x0  }
0x49: {  	[sflag:s21] =	ssyncadd.s32 $0xFFFFC000  }
0x4a: {  	_ =	swait.ge [sflag:s21], $0x4000  }
0x4b: {  	[sflag:s21] =	ssyncset.done $0x0  }
0x4c: {  	[sflag:s21] =	ssyncadd.s32 $0xFFFFC000  }
0x4d: {  	_ =	swait.ge [sflag:s21], $0x4000  }
0x4e: {  	[sflag:s21] =	ssyncset.done $0x0  }
0x4f: {  	[sflag:s21] =	ssyncadd.s32 $0xFFFFC000  }
0x50: {  	_ =	swait.ge [sflag:s21], $0x4000  }
0x51: {  	[sflag:s21] =	ssyncset.done $0x0  }
0x52: {  	[sflag:s21] =	ssyncadd.s32 $0xFFFFC000  }
0x53: {  	_ =	swait.ge [sflag:s21], $0x4000  }
0x54: {  	[sflag:s21] =	ssyncset.done $0x0  }
0x55: {  	[sflag:s21] =	ssyncadd.s32 $0xFFFFC000  }
0x56: {  	_ =	swait.ge [sflag:s21], $0x4000  }
.Ltmp0:
0x57: {  	[sflag:s21] =	ssyncset.done $0x0;
	(pc) =	sbr.rel @p0 .LBB2_2-.Ltmp0, $4  }
0x58: {  	[sflag:s21] =	ssyncadd.s32 $0xFFFFC000  }
0x59: {  	[hbm4b:s24+s3] =	stream.linear.scatter [tilespmem:s11], [sflag:$0x2], $0x18000, $0x38;
	[tilespmem:$0x18300] =	vst v63  }
0x5a: {  	_ =	swait.ge [sflag:s9], $0x18000  }
0x5b: {  	s28 =	smov.u32 s26;
	s24 =	sadd.s32 $0x3000, s24;
	[sflag:s9] =	ssyncset.done $0x0  }
0x5c: {  	s25 =	sadd.s32 s25, s8;
	[sflag:s9] =	ssyncadd.s32 $0xFFFE8000  }
0x5d: {  	[tilespmem:s3], [sflag:$0x2] =	stream.linear.gather [hbm4b:s25+s3], $0x300, $0x38;
	[tilespmem:$0x18300] =	vst v63  }
0x5e: {  	_ =	swait.ge [sflag:s9], $0x300  }
0x5f: {  	[sflag:s9] =	ssyncset.done $0x0  }
0x60: {  	[sflag:s9] =	ssyncadd.s32 $0xFFFFFD00  }
0x61: {  	[tilespmem:s11], [sflag:$0x1] =	stream.indirect.gather [hbm4b:s2+s10], $0x80, s3, s10, $0xb8;
	[tilespmem:$0x18300] =	vst v63  }
0x62: {  	_ = 	snop  }
0x63: {  	[tilespmem:s12], [sflag:$0x1] =	stream.indirect.gather [hbm4b:s2+s10], $0x80, s10, s10, $0xb8;
	[tilespmem:$0x18300] =	vst v63  }
0x64: {  	_ = 	snop  }
0x65: {  	[tilespmem:s14], [sflag:$0x1] =	stream.indirect.gather [hbm4b:s2+s10], $0x80, s13, s10, $0xb8;
	[tilespmem:$0x18300] =	vst v63  }
0x66: {  	_ = 	snop  }
0x67: {  	[tilespmem:s16], [sflag:$0x1] =	stream.indirect.gather [hbm4b:s2+s10], $0x80, s15, s10, $0xb8;
	[tilespmem:$0x18300] =	vst v63  }
0x68: {  	_ = 	snop  }
0x69: {  	[tilespmem:s18], [sflag:$0x1] =	stream.indirect.gather [hbm4b:s2+s10], $0x80, s17, s10, $0xb8;
	[tilespmem:$0x18300] =	vst v63  }
0x6a: {  	_ = 	snop  }
0x6b: {  	[tilespmem:s20], [sflag:$0x1] =	stream.indirect.gather [hbm4b:s2+s10], $0x80, s19, s10, $0xb8;
	[tilespmem:$0x18300] =	vst v63  }
0x6c: {  	_ =	swait.ge [sflag:s21], $0x4000  }
0x6d: {  	[sflag:s21] =	ssyncset.done $0x0  }
0x6e: {  	[sflag:s21] =	ssyncadd.s32 $0xFFFFC000  }
0x6f: {  	_ =	swait.ge [sflag:s21], $0x4000  }
0x70: {  	[sflag:s21] =	ssyncset.done $0x0  }
0x71: {  	[sflag:s21] =	ssyncadd.s32 $0xFFFFC000  }
0x72: {  	_ =	swait.ge [sflag:s21], $0x4000  }
0x73: {  	[sflag:s21] =	ssyncset.done $0x0  }
0x74: {  	[sflag:s21] =	ssyncadd.s32 $0xFFFFC000  }
0x75: {  	_ =	swait.ge [sflag:s21], $0x4000  }
0x76: {  	[sflag:s21] =	ssyncset.done $0x0  }
0x77: {  	[sflag:s21] =	ssyncadd.s32 $0xFFFFC000  }
0x78: {  	_ =	swait.ge [sflag:s21], $0x4000  }
0x79: {  	[sflag:s21] =	ssyncset.done $0x0  }
0x7a: {  	[sflag:s21] =	ssyncadd.s32 $0xFFFFC000  }
0x7b: {  	_ =	swait.ge [sflag:s21], $0x4000  }
0x7c: {  	[sflag:s21] =	ssyncset.done $0x0  }
0x7d: {  	[sflag:s21] =	ssyncadd.s32 $0xFFFFC000  }
0x7e: {  	[hbm4b:s24+s3] =	stream.linear.scatter [tilespmem:s11], [sflag:$0x2], $0x18000, $0x38;
	[tilespmem:$0x18300] =	vst v63  }
0x7f: {  	_ =	swait.ge [sflag:s9], $0x18000  }
0x80: {  	[sflag:s9] =	ssyncset.done $0x0  }
0x81: {  	[sflag:s9] =	ssyncadd.s32 $0xFFFE8000  }
0x82: {  	[tilespmem:s3], [sflag:$0x2] =	stream.linear.gather [hbm4b:s4+s3], $0x188, $0x38;
	[tilespmem:$0x18300] =	vst v63  }
0x83: {  	_ =	swait.ge [sflag:s9], $0x188  }
0x84: {  	[sflag:s9] =	ssyncset.done $0x0  }
0x85: {  	[sflag:s9] =	ssyncadd.s32 $0xFFFFFE78  }
0x86: {  	[tilespmem:s11], [sflag:$0x1] =	stream.indirect.gather [hbm4b:s2+s10], $0x80, s3, s10, $0xb8;
	[tilespmem:$0x18300] =	vst v63  }
0x87: {  	_ = 	snop  }
0x88: {  	[tilespmem:s12], [sflag:$0x1] =	stream.indirect.gather [hbm4b:s2+s10], $0x80, s10, s10, $0xb8;
	[tilespmem:$0x18300] =	vst v63  }
0x89: {  	_ = 	snop  }
0x8a: {  	[tilespmem:s14], [sflag:$0x1] =	stream.indirect.gather [hbm4b:s2+s10], $0x80, s13, s10, $0xb8;
	[tilespmem:$0x18300] =	vst v63  }
0x8b: {  	_ = 	snop  }
0x8c: {  	[tilespmem:s16], [sflag:$0x1] =	stream.indirect.gather [hbm4b:s2+s22], $0x80, s15, s22, $0xb8;
	[tilespmem:$0x18300] =	vst v63  }
0x8d: {  	_ =	swait.ge [sflag:s21], $0x4000  }
0x8e: {  	[sflag:s21] =	ssyncset.done $0x0  }
0x8f: {  	[sflag:s21] =	ssyncadd.s32 $0xFFFFC000  }
0x90: {  	_ =	swait.ge [sflag:s21], $0x4000  }
0x91: {  	[sflag:s21] =	ssyncset.done $0x0  }
0x92: {  	[sflag:s21] =	ssyncadd.s32 $0xFFFFC000  }
0x93: {  	_ =	swait.ge [sflag:s21], $0x4000  }
0x94: {  	[sflag:s21] =	ssyncset.done $0x0  }
0x95: {  	[sflag:s21] =	ssyncadd.s32 $0xFFFFC000  }
0x96: {  	s23 =	sadd.s32 $0x1, s23;
	_ =	swait.ge [sflag:s21], $0x400  }
0x97: {  	p0 =	sne.s32 s23, s6;
	[sflag:s21] =	ssyncset.done $0x0  }
.Ltmp1:
0x98: {  	[sflag:s21] =	ssyncadd.s32 $0xFFFFFC00;
	(pc) =	sbr.rel @p0 .LBB2_1-.Ltmp1, $4  }
0x99: {  	[hbm4b:s5+s3] =	stream.linear.scatter [tilespmem:s11], [sflag:$0x2], $0xC400, $0x38;
	[tilespmem:$0x18300] =	vst v63  }
0x9a: {  	_ =	swait.ge [sflag:s9], $0xC400  }
0x9b: {  	[sflag:s9] =	ssyncset.done $0x0  }
0x9c: {  	[sflag:s9] =	ssyncadd.s32 $0xFFFF3C00  }
0x9d: {  	_ =	sfence.sel $0x180000  }
0x9e: {  	[bflag:$0x0] =	sbarrier.arrive $0xFFFF  }
0x9f: {  	p0 =	sne.s32 s0, $0x0;
	_ =	strace $0x90000047  }
0xa0: {  	s0 =	sadd.s32 @!p0 $0x100000, s1;
	[bflag:$0x2] =	sbarrier.arrive $0xFFFF  }
0xa1: {  	[sflag:s0] =	ssyncadd.tile.s32 @!p0 $0x1;
	_ =	shalt  }
.Lfunc_end2:
_tile_overlayer_lowered:
.L_overlay_start_2:
0xa2: {  	(tag) =	ssettag $0x2  }
0xa3: {  	s0 =	rddreg [dreg:$0x0];
	s2 =	stileid.u32  }
0xa4: {  	s1 =	rddreg [dreg:$0x1];
	p0 =	sne.s32 s2, $0x0  }
0xa5: {  	s3 =	rddreg [dreg:$0x2];
	[bflag:$0x3] =	sbarrier.arrive $0xFFFF;
	s2 =	simm.s32 @!p0 $0x1C02  }
0xa6: {  	[timem:s3], [sflag:s2] =	dma.local @!p0 [hbm:s0], s1  }
0xa7: {  	s0 =	simm.s32 @!p0 $0x2  }
0xa8: {  	_ =	swait.ge @!p0 [sflag:s0], s1  }
0xa9: {  	s1 =	ssub.s32 @!p0 $0x0, s1;
	[sflag:s0] =	ssyncset.done @!p0 $0x0  }
0xaa: {  	[sflag:s0] =	ssyncadd.s32 @!p0 s1  }
0xab: {  	[bflag:$0x3] =	sbarrier.arrive $0xFFFF  }
0xac: {  	_ =	shalt  }

// kernel: kernel.18.cloned.1.call-start
scs
__scs_entry_jumppad:
0x0: {  	(pc) =	sbr.rel $0x88, $3  }
0x1: {  	(tag) =	ssettag $0x0;
	lr =	simm.s32 $0x1  }
0x2: {  	[smem:$0x3F96] =	sst lr;
	_ =	strace $0xD0000000  }
0x3: {  	_ = 	snop  }
0x4: {  	_ = 	snop  }
0x5: {  	_ = 	snop  }
0x6: {  	_ = 	snop  }
0x7: {  	_ = 	snop  }
__scs_overlays_trampoline_lowered:
0x8: {  	[smem:$0x3FA5] =	sst s0  }
0x9: {  	[smem:$0x3FA6] =	sst s1  }
0xa: {  	[smem:$0x3FA7] =	sst s2  }
0xb: {  	[smem:$0x3FA8] =	sst s3  }
0xc: {  	[smem:$0x3FA9] =	sst s4  }
0xd: {  	[smem:$0x3FAA] =	sst s5  }
0xe: {  	[smem:$0x3FAB] =	sst s6  }
0xf: {  	[smem:$0x3FAC] =	sst s7  }
0x10: {  	[smem:$0x3FAD] =	sst s8  }
0x11: {  	[smem:$0x3FAE] =	sst s9;
	s0 =	simm.s32 @!p0 $0x0  }
0x12: {  	s1 =	sld [smem:$0x3F94];
	s0 =	simm.s32 @p0 $0x1  }
0x13: {  	[smem:$0x3FAF] =	sst s0;
	s0 =	simm.s32 @!p1 $0x0  }
0x14: {  	s2 =	sld [smem:$0x3F93];
	s0 =	simm.s32 @p1 $0x1  }
0x15: {  	[smem:$0x3FB0] =	sst s0;
	s0 =	simm.s32 @!p2 $0x0  }
0x16: {  	s3 =	sld [smem:$0x3FDB];
	s0 =	simm.s32 @p2 $0x1  }
0x17: {  	s4 =	simm.s32 $0x1BF5;
	[smem:$0x3FB2] =	sst s0  }
0x18: {  	s0 =	sld [smem:$0x3F95];
	_ =	swait.ge [sflag:s4], $0x0  }
0x19: {  	s7 =	sld [smem:$0x3F96]  }
0x1a: {  	s8 =	sadd.s32 $0xFFFFE003, lr  }
0x1b: {  	s9 =	sadd.s32 $0xFFFFFEF7, lr;
	s5 =	simm.s32 $0xFFFFFFFF;
	p2 =	slt.u32 s8, $0xFFFFF086  }
0x1c: {  	p1 =	slt.u32 s9, $0xF7A;
	s5 =	simm.s32 @!p2 $0x0  }
0x1d: {  	s5 =	simm.s32 @p1 $0x1;
	p0 =	seq.s32 s7, s2  }
0x1e: {  	s7 =	smul.u32 @!p0 $0xF7A, s2;
	p2 =	seq.s32 @!p0 s5, $0x0  }
0x1f: {  	s9 =	smul.u32 $0xF7A, s1;
	s8 =	simm.s32 @!p0 $0x1BF5;
	p2 =	por !p2, p0  }
0x20: {  	[sflag:s8] =	ssyncset.s32 @!p0 $0xFFFFF086;
	s6 =	sadd.s32 @!p0 s3, s7;
	s7 =	simm.s32 @!p0 $0x108  }
0x21: {  	s3 =	sadd.s32 s3, s9;
	s6 =	sadd.s32 @!p0 $0x88, s6;
	s7 =	simm.s32 @p2 $0x1082  }
0x22: {  	[simem:s7], [sflag:s8] =	dma.local @!p0 [hbm:s6], $0xF7A  }
0x23: {  	s9 =	sor.u32 $0xD0000000, s2;
	s6 =	simm.s32 $0x108;
	_ =	swait.ge @!p0 [sflag:s8], $0x0  }
0x24: {  	s3 =	sadd.s32 $0x88, s3;
	s6 =	simm.s32 @!p1 $0x1082;
	[sflag:s4] =	ssyncset.s32 $0xFFFFF086  }
0x25: {  	[simem:s6], [sflag:s4] =	dma.local [hbm:s3], $0xF7A  }
0x26: {  	[smem:$0x3F96] =	sst s1;
	(tag) =	ssettag s2;
	_ =	strace s9  }
0x27: {  	s1 =	sld [smem:$0x3FA6]  }
0x28: {  	s2 =	sld [smem:$0x3FA7]  }
0x29: {  	s4 =	sld [smem:$0x3FA9]  }
0x2a: {  	p0 =	seq.s32 s5, $0x0;
	s5 =	sld [smem:$0x3FAA]  }
0x2b: {  	s6 =	sld [smem:$0x3FAB]  }
0x2c: {  	s7 =	sld [smem:$0x3FAC]  }
0x2d: {  	s3 =	simm.s32 $0x108;
	s8 =	sld [smem:$0x3FAD]  }
0x2e: {  	s3 =	simm.s32 @!p0 $0x1082;
	s9 =	sld [smem:$0x3FAE]  }
0x2f: {  	lr =	sadd.s32 s0, s3;
	s0 =	sld [smem:$0x3FA5]  }
0x30: {  	s3 =	sld [smem:$0x3FA8]  }
0x31: {  	[smem:$0x3FB1] =	sst s10  }
0x32: {  	s10 =	sld [smem:$0x3FAF];
	_ =	sdelay $0x3  }
0x33: {  	p0 =	seq.s32 s10, $0x1;
	s10 =	sld [smem:$0x3FB1];
	_ =	sdelay $0x3  }
0x34: {  	[smem:$0x3FB1] =	sst s10  }
0x35: {  	s10 =	sld [smem:$0x3FB0];
	_ =	sdelay $0x3  }
0x36: {  	p1 =	seq.s32 s10, $0x1;
	s10 =	sld [smem:$0x3FB1];
	_ =	sdelay $0x3  }
0x37: {  	[smem:$0x3FB1] =	sst s10  }
0x38: {  	s10 =	sld [smem:$0x3FB2]  }
0x39: {  	_ = 	snop;
	(pc) =	sbr.ind lr, $3  }
0x3a: {  	_ = 	snop  }
0x3b: {  	_ = 	snop  }
0x3c: {  	p2 =	seq.s32 s10, $0x1;
	s10 =	sld [smem:$0x3FB1]  }
0x3d: {  	_ =	shalt  }
0x3e: {  	_ =	shalt  }
0x3f: {  	_ =	shalt  }
0x40: {  	_ =	shalt  }
0x41: {  	_ =	shalt  }
0x42: {  	_ =	shalt  }
0x43: {  	_ =	shalt  }
0x44: {  	_ =	shalt  }
0x45: {  	_ =	shalt  }
0x46: {  	_ =	shalt  }
0x47: {  	_ =	shalt  }
0x48: {  	_ =	shalt  }
0x49: {  	_ =	shalt  }
0x4a: {  	_ =	shalt  }
0x4b: {  	_ =	shalt  }
0x4c: {  	_ =	shalt  }
0x4d: {  	_ =	shalt  }
0x4e: {  	_ =	shalt  }
0x4f: {  	_ =	shalt  }
0x50: {  	_ =	shalt  }
0x51: {  	_ =	shalt  }
0x52: {  	_ =	shalt  }
0x53: {  	_ =	shalt  }
0x54: {  	_ =	shalt  }
0x55: {  	_ =	shalt  }
0x56: {  	_ =	shalt  }
0x57: {  	_ =	shalt  }
0x58: {  	_ =	shalt  }
0x59: {  	_ =	shalt  }
0x5a: {  	_ =	shalt  }
0x5b: {  	_ =	shalt  }
0x5c: {  	_ =	shalt  }
0x5d: {  	_ =	shalt  }
0x5e: {  	_ =	shalt  }
0x5f: {  	_ =	shalt  }
0x60: {  	_ =	shalt  }
0x61: {  	_ =	shalt  }
0x62: {  	_ =	shalt  }
0x63: {  	_ =	shalt  }
0x64: {  	_ =	shalt  }
0x65: {  	_ =	shalt  }
0x66: {  	_ =	shalt  }
0x67: {  	_ =	shalt  }
0x68: {  	_ =	shalt  }
0x69: {  	_ =	shalt  }
0x6a: {  	_ =	shalt  }
0x6b: {  	_ =	shalt  }
0x6c: {  	_ =	shalt  }
0x6d: {  	_ =	shalt  }
0x6e: {  	_ =	shalt  }
0x6f: {  	_ =	shalt  }
0x70: {  	_ =	shalt  }
0x71: {  	_ =	shalt  }
0x72: {  	_ =	shalt  }
0x73: {  	_ =	shalt  }
0x74: {  	_ =	shalt  }
0x75: {  	_ =	shalt  }
0x76: {  	_ =	shalt  }
0x77: {  	_ =	shalt  }
0x78: {  	_ =	shalt  }
0x79: {  	_ =	shalt  }
0x7a: {  	_ =	shalt  }
0x7b: {  	_ =	shalt  }
0x7c: {  	_ =	shalt  }
0x7d: {  	_ =	shalt  }
0x7e: {  	_ =	shalt  }
0x7f: {  	_ =	shalt  }
0x80: {  	_ =	shalt  }
0x81: {  	_ =	shalt  }
0x82: {  	_ =	shalt  }
0x83: {  	_ =	shalt  }
0x84: {  	_ =	shalt  }
0x85: {  	_ =	shalt  }
0x86: {  	_ =	shalt  }
0x87: {  	_ =	shalt  }
.Lfunc_end0:
.L_simem_size_0:
called_computation.3_lowered:
.L_overlay_start_0:
0x88: {  	s2 =	sld [smem:$0x3FD9]  }
0x89: {  	s3 =	sld [smem:$0x3FFE];
	_ =	sdelay $0x1  }
0x8a: {  	s1 =	srdreg.scid  }
0x8b: {  	s0 =	sand.u32 $0x1, s1  }
0x8c: {  	s17 =	sshll.u32 s0, $0xA;
	s2 =	sadd.s32 s3, s2  }
0x8d: {  	s2 =	sadd.s32 s2, s17  }
0x8e: {  	[smem:$0x3FBD] =	sst s2  }
0x8f: {  	_ = 	snop  }
0x90: {  	s18 =	sld [smem:$0x3FD0];
	(tm) =	ssettm $0x1  }
0x91: {  	s19 =	sld [smem:$0x3FFB];
	_ =	sdelay $0x3  }
0x92: {  	_ =	strace s19  }
0x93: {  	s2 =	sld [smem:$0x3FFC];
	_ =	sdelay $0x3  }
0x94: {  	_ =	strace s2  }
0x95: {  	s2 =	sld [smem:$0x3FFD];
	_ =	sdelay $0x3  }
0x96: {  	_ =	strace s2  }
0x97: {  	_ =	strace $0x8FFFFFFF  }
0x98: {  	s20 =	sld [smem:$0x3FDB];
	_ =	sdelay $0x1  }
0x99: {  	s4 =	simm.s32 $_scs_section_size  }
0x9a: {  	s5 =	simm.s32 $_size__tile_overlayer_lowered;
	s6 =	simm.s32 $_tile_overlayer_lowered  }
0x9b: {  	s7 =	simm.s32 $0x1BFF;
	s21 =	sshll.u32 s6, $0x1;
	s4 =	sadd.s32 s4, s20  }
0x9c: {  	s22 =	simm.s32 $0x0;
	s5 =	sshll.u32 s5, $0x1;
	s6 =	sadd.s32 s21, s4  }
0x9d: {  	[timem:s22], [sflag:s7] =	dma.local [hbm:s6], s5  }
0x9e: {  	_ =	swait.ge [sflag:s7], s5  }
0x9f: {  	s5 =	ssub.s32 $0x0, s5;
	[sflag:s7] =	ssyncset.done $0x0  }
0xa0: {  	[sflag:s7] =	ssyncadd.s32 s5;
	_ =	sdelay $0x1  }
0xa1: {  	s23 =	simm.s32 $0x1B8B  }
0xa2: {  	_ =	swait.ge [sflag:s23], $0x1  }
0xa3: {  	[sflag:s23] =	ssyncset.done $0x0  }
0xa4: {  	[sflag:s23] =	ssyncadd.s32 $0xFFFFFFFF  }
0xa5: {  	s5 =	sld [smem:$0x0]  }
0xa6: {  	s6 =	sand.u32 $0xFFFFFFFE, s1  }
0xa7: {  	p0 =	sne.s32 s1, s6  }
0xa8: {  	s6 =	sshll.u32 @p0 s6, $0xE  }
0xa9: {  	s6 =	sadd.s32 @p0 $0x11B8D, s6;
	s7 =	sshll.u32 @p0 s5, $0x11  }
0xaa: {  	s6 =	sor.u32 @p0 s7, s6  }
0xab: {  	[sflag:s6] =	ssyncadd.remote.s32 @p0 $0x1;
	_ =	sdelay $0x1  }
0xac: {  	s6 =	simm.s32 @p0 $0x1B8D  }
0xad: {  	_ =	swait.eq @p0 [sflag:s6], $0x1  }
0xae: {  	[sflag:s6] =	ssyncadd.s32 @p0 $0xFFFFFFFF  }
0xaf: {  	s7 =	sshll.u32 @!p0 s1, $0xE  }
0xb0: {  	s7 =	sor.u32 @!p0 $0x4000, s7;
	s6 =	simm.s32 @!p0 $0x1B8D  }
0xb1: {  	s5 =	sshll.u32 @!p0 s5, $0x11;
	s7 =	sadd.s32 @!p0 $0x11B8D, s7;
	_ =	swait.eq @!p0 [sflag:s6], $0x1  }
0xb2: {  	s5 =	sor.u32 @!p0 s5, s7;
	[sflag:s6] =	ssyncadd.s32 @!p0 $0xFFFFFFFF  }
0xb3: {  	s25 =	simm.s32 $0x1B8E;
	s24 =	sld [smem:$0x3FFE];
	[sflag:s5] =	ssyncadd.remote.s32 @!p0 $0x1  }
0xb4: {  	s26 =	simm.s32 $execute0_lowered;
	[smem:$0x3FD2] =	sst s25  }
0xb5: {  	s6 =	sshll.u32 s26, $0x1;
	_ =	strace $0x8000004C;
	[dreg:$0x1] =	wrdreg $0xFFFFFFFF  }
0xb6: {  	s28 =	simm.s32 $_size_execute0_lowered;
	s4 =	sadd.s32 s4, s6;
	[dreg:$0x0] =	wrdreg $0x0  }
0xb7: {  	s6 =	sshll.u32 s28, $0x1;
	[dreg:$0x2] =	wrdreg s4  }
0xb8: {  	[dreg:$0x3] =	wrdreg s6  }
0xb9: {  	[dreg:$0x4] =	wrdreg $0xC0  }
0xba: {  	_ =	task [dreg:s22], $0x5FFFF  }
0xbb: {  	[dreg:$0x1] =	wrdreg $0xFFFFFFFF  }
0xbc: {  	[dreg:$0x0] =	wrdreg $0x60  }
0xbd: {  	[dreg:$0x2] =	wrdreg s24  }
0xbe: {  	[dreg:$0x3] =	wrdreg s18  }
0xbf: {  	[dreg:$0x4] =	wrdreg $0xC2000  }
0xc0: {  	[dreg:$0x5] =	wrdreg $0xA  }
0xc1: {  	_ =	task.clear_ibuf [dreg:s22], $0x6FFFF;
	_ =	strace $0x9000004C  }
0xc2: {  	s29 =	simm.s32 $0xA;
	_ =	strace $0x8000004E  }
0xc3: {  	_ =	swait.ge [sflag:s29], $0x1  }
0xc4: {  	[sflag:s29] =	ssyncadd.s32 $0xFFFFFFFF  }
0xc5: {  	_ =	strace $0x9000004E  }
0xc6: {  	_ =	sfence  }
0xc7: {  	s30 =	sld [smem:$0x0];
	_ =	sdelay $0x2  }
0xc8: {  	s31 =	sshll.u32 s1, $0xD;
	s1 =	sshrl.u32 s1, $0x2  }
0xc9: {  	s4 =	sand.u32 $0x4000, s31;
	s1 =	sadd.s32 s1, s30  }
0xca: {  	s0 =	sor.u32 s4, s0;
	s1 =	sshll.u32 s1, $0x11  }
0xcb: {  	s0 =	sor.u32 s1, s0  }
0xcc: {  	s0 =	sadd.s32 $0x8F2B, s0  }
0xcd: {  	[sflag:s0] =	ssyncadd.remote.s32 $0x1  }
0xce: {  	_ =	sfence.sel $0xFFFF  }
0xcf: {  	[dreg:$0x0] =	wrdreg $0xFFFFFFFF;
	(pc) =	sbr.abs _section_cstart, $3  }
0xd0: {  	[dreg:$0x1] =	wrdreg $0xFFFFFFFF  }
0xd1: {  	_ =	task.clear_ibuf [dreg:s22], $0x2FFFF;
	_ =	strace $0x9FFFFFFF  }
0xd2: {  	(tm) =	ssettm $0x7FFFFFFF  }
0xd3: {  	_ =	shalt  }
tec
execute0_lowered:
.L_overlay_start_1:
0x0: {  	(tag) =	ssettag $0x1  }
0x1: {  	s4 =	rddreg [dreg:$0x0]  }
0x2: {  	s5 =	rddreg [dreg:$0x1]  }
0x3: {  	s2 =	rddreg [dreg:$0x2]  }
0x4: {  	s0 =	rddreg [dreg:$0x3];
	s6 =	srdreg.scid  }
0x5: {  	s1 =	stileid.u32;
	s3 =	simm.s32 $0x0;
	s17 =	simm.s32 $0x200  }
0x6: {  	s18 =	simm.s32 $0x2;
	s19 =	simm.s32 $0x1;
	s21 =	smul.u32 $0x3E80, s1  }
0x7: {  	s20 =	simm.s32 $0x4200;
	s7 =	sand.u32 $0x1, s6;
	s11 =	smul.u32 $0x7D000, s1  }
0x8: {  	[smem:$0x7FF] =	sst s3;
	s9 =	sadd.s32 $0x4F9000, s4;
	s23 =	smul.u32 $0x27100, s1  }
0x9: {  	s12 =	sadd.s32 $0x4F4000, s4;
	s10 =	sshll.u32 s1, $0x1;
	s25 =	smul.u32 $0x2710, s1  }
0xa: {  	p0 =	sgt.u32 s1, $0x9;
	s8 =	smul.u32 $0x27100, s7;
	_ =	strace $0x8000004D  }
0xb: {  	s22 =	ssub.s32 $0x2, s7;
	s10 =	sor.u32 s7, s10;
	s16 =	smul.u32 $0x1388, s7  }
0xc: {  	s28 =	smul.u32 $0x13880, s7;
	s13 =	sshrl.u32 s22, $0x1;
	s11 =	sshrl.u32 s11, $0x2  }
0xd: {  	s10 =	smul.u32 $0x1388, s10;
	s8 =	sadd.s32 s21, s8;
	s13 =	ssub.s32 s22, s13  }
0xe: {  	s14 =	sadd.s32 s11, s2;
	s29 =	sadd.s32 s16, s25;
	s16 =	simm.s32 $0x100  }
0xf: {  	s22 =	simm.s32 $0x180;
	s8 =	sadd.s32 s8, s4;
	s4 =	sadd.s32 s5, s21  }
0x10: {  	s24 =	sadd.s32 $0x1380, s10;
	s10 =	sshrl.u32 s29, $0x3;
	s30 =	sadd.s32 $0x100, s29  }
0x11: {  	s11 =	sadd.s32 $0x80, s29;
	s14 =	sshrl.u32 @!p0 s14, $0x3;
	s21 =	simm.s32 $0x8200  }
0x12: {  	s26 =	sshrl.u32 s24, $0x3;
	s15 =	sshll.u32 s24, $0x4;
	s7 =	sadd.s32 $0x3000, s8  }
0x13: {  	s8 =	smax.u32 s13, $0x1;
	s10 =	sadd.s32 s10, s12;
	s13 =	sshrl.u32 s30, $0x3  }
0x14: {  	s31 =	sshrl.u32 s11, $0x3;
	s24 =	simm.s32 $0x0;
	s5 =	sadd.s32 s12, s26  }
0x15: {  	s6 =	sadd.s32 s9, s15;
	s9 =	sadd.s32 s23, s9;
	s11 =	sadd.s32 s13, s12  }
0x16: {  	s12 =	sadd.s32 s31, s12;
	s13 =	sshll.u32 @!p0 s1, $0x6;
	s15 =	simm.s32 $0x80  }
0x17: {  	s23 =	simm.s32 $0x8;
	s9 =	sadd.s32 s28, s9;
	s13 =	sor.u32 @!p0 $0x1C02, s13  }
.LBB2_1:
0x18: {  	[spmem:s14], [sflag:s13] =	dma.local @!p0 [hbm:s4], $0x3E80  }
0x19: {  	s25 =	simm.s32 @!p0 $0x2  }
0x1a: {  	_ =	swait.ge @!p0 [sflag:s25], $0x3E80  }
0x1b: {  	[sflag:s25] =	ssyncset.done @!p0 $0x0  }
0x1c: {  	[sflag:s25] =	ssyncadd.s32 @!p0 $0xFFFFC180  }
0x1d: {  	s28 =	sadd.s32 $0x0, s10;
	[bflag:$0x0] =	sbarrier.arrive $0xFFFF  }
0x1e: {  	[tilespmem:s3], [sflag:$0x1] =	stream.linear.gather [hbm4b:s28+s3], $0x80, $0x38;
	[tilespmem:$0x1FA80] =	vst v63  }
0x1f: {  	s30 =	sadd.s32 $0x0, s12  }
0x20: {  	[tilespmem:s15], [sflag:$0x1] =	stream.linear.gather [hbm4b:s30+s3], $0x80, $0x38;
	[tilespmem:$0x1FA80] =	vst v63  }
0x21: {  	s31 =	sadd.s32 $0x0, s11  }
0x22: {  	[tilespmem:s16], [sflag:$0x1] =	stream.linear.gather [hbm4b:s31+s3], $0x80, $0x38;
	[tilespmem:$0x1FA80] =	vst v63  }
0x23: {  	_ = 	snop  }
0x24: {  	[tilespmem:s17], [sflag:$0x2] =	stream.linear.gather [hbm4b:s9+s3], $0xC000, $0x38;
	[tilespmem:$0x1FA80] =	vst v63  }
0x25: {  	_ =	swait.ge [sflag:s18], $0xC000  }
0x26: {  	[sflag:s18] =	ssyncset.done $0x0  }
0x27: {  	[sflag:s18] =	ssyncadd.s32 $0xFFFF4000  }
0x28: {  	_ =	swait.ge [sflag:s19], $0x80  }
0x29: {  	[sflag:s19] =	ssyncset.done $0x0  }
0x2a: {  	[sflag:s19] =	ssyncadd.s32 $0xFFFFFF80  }
0x2b: {  	_ =	swait.ge [sflag:s19], $0x80  }
0x2c: {  	[sflag:s19] =	ssyncset.done $0x0  }
0x2d: {  	[sflag:s19] =	ssyncadd.s32 $0xFFFFFF80  }
0x2e: {  	_ =	swait.ge [sflag:s19], $0x80  }
0x2f: {  	[sflag:s19] =	ssyncset.done $0x0  }
0x30: {  	[sflag:s19] =	ssyncadd.s32 $0xFFFFFF80  }
0x31: {  	[spmem:s2] =	stream.indirect.scatter.add.f32 [tilespmem:s17], [sflag:$0x2], $0x80, s3, s15, $0xb8;
	[tilespmem:$0x1FA80] =	vst v63  }
0x32: {  	_ =	swait.ge [sflag:s18], $0x4000  }
0x33: {  	[sflag:s18] =	ssyncset.done $0x0  }
0x34: {  	[sflag:s18] =	ssyncadd.s32 $0xFFFFC000  }
0x35: {  	[spmem:s2] =	stream.indirect.scatter.add.f32 [tilespmem:s20], [sflag:$0x2], $0x80, s15, s15, $0xb8;
	[tilespmem:$0x1FA80] =	vst v63  }
0x36: {  	_ =	swait.ge [sflag:s18], $0x4000  }
0x37: {  	[sflag:s18] =	ssyncset.done $0x0  }
0x38: {  	[sflag:s18] =	ssyncadd.s32 $0xFFFFC000  }
0x39: {  	[spmem:s2] =	stream.indirect.scatter.add.f32 [tilespmem:s21], [sflag:$0x2], $0x80, s16, s15, $0xb8;
	[tilespmem:$0x1FA80] =	vst v63  }
0x3a: {  	s29 =	simm.s32 $0x60;
	_ =	swait.ge [sflag:s18], $0x4000  }
0x3b: {  	s26 =	sadd.s32 $0x1800, s9;
	s25 =	simm.s32 $0x30;
	[sflag:s18] =	ssyncset.done $0x0  }
.LBB2_2:
0x3c: {  	s30 =	sadd.s32 s25, s10  }
0x3d: {  	[sflag:s18] =	ssyncadd.s32 $0xFFFFC000;
	s31 =	smov.u32 s29;
	s28 =	sadd.s32 $0x30, s29  }
0x3e: {  	[tilespmem:s3], [sflag:$0x1] =	stream.linear.gather [hbm4b:s30+s3], $0x80, $0x38;
	[tilespmem:$0x1FA80] =	vst v63  }
0x3f: {  	p1 =	sne.s32 s29, $0x240;
	s29 =	sadd.s32 s25, s12  }
0x40: {  	[tilespmem:s15], [sflag:$0x1] =	stream.linear.gather [hbm4b:s29+s3], $0x80, $0x38;
	[tilespmem:$0x1FA80] =	vst v63  }
0x41: {  	s29 =	sadd.s32 s25, s11;
	s25 =	smov.u32 s31  }
0x42: {  	[tilespmem:s16], [sflag:$0x1] =	stream.linear.gather [hbm4b:s29+s3], $0x80, $0x38;
	[tilespmem:$0x1FA80] =	vst v63  }
0x43: {  	_ = 	snop  }
0x44: {  	[tilespmem:s17], [sflag:$0x2] =	stream.linear.gather [hbm4b:s26+s3], $0xC000, $0x38;
	[tilespmem:$0x1FA80] =	vst v63  }
0x45: {  	_ =	swait.ge [sflag:s18], $0xC000  }
0x46: {  	[sflag:s18] =	ssyncset.done $0x0  }
0x47: {  	[sflag:s18] =	ssyncadd.s32 $0xFFFF4000  }
0x48: {  	_ =	swait.ge [sflag:s19], $0x80  }
0x49: {  	[sflag:s19] =	ssyncset.done $0x0  }
0x4a: {  	[sflag:s19] =	ssyncadd.s32 $0xFFFFFF80  }
0x4b: {  	_ =	swait.ge [sflag:s19], $0x80  }
0x4c: {  	[sflag:s19] =	ssyncset.done $0x0  }
0x4d: {  	[sflag:s19] =	ssyncadd.s32 $0xFFFFFF80  }
0x4e: {  	_ =	swait.ge [sflag:s19], $0x80  }
0x4f: {  	[sflag:s19] =	ssyncset.done $0x0  }
0x50: {  	[sflag:s19] =	ssyncadd.s32 $0xFFFFFF80  }
0x51: {  	[spmem:s2] =	stream.indirect.scatter.add.f32 [tilespmem:s17], [sflag:$0x2], $0x80, s3, s15, $0xb8;
	[tilespmem:$0x1FA80] =	vst v63  }
0x52: {  	_ =	swait.ge [sflag:s18], $0x4000  }
0x53: {  	[sflag:s18] =	ssyncset.done $0x0  }
0x54: {  	[sflag:s18] =	ssyncadd.s32 $0xFFFFC000  }
0x55: {  	[spmem:s2] =	stream.indirect.scatter.add.f32 [tilespmem:s20], [sflag:$0x2], $0x80, s15, s15, $0xb8;
	[tilespmem:$0x1FA80] =	vst v63  }
0x56: {  	_ =	swait.ge [sflag:s18], $0x4000  }
.Ltmp0:
0x57: {  	[sflag:s18] =	ssyncset.done $0x0;
	(pc) =	sbr.rel @p1 .LBB2_2-.Ltmp0, $4  }
0x58: {  	[sflag:s18] =	ssyncadd.s32 $0xFFFFC000  }
0x59: {  	[spmem:s2] =	stream.indirect.scatter.add.f32 [tilespmem:s21], [sflag:$0x2], $0x80, s16, s15, $0xb8;
	[tilespmem:$0x1FA80] =	vst v63  }
0x5a: {  	_ =	swait.ge [sflag:s18], $0x4000  }
0x5b: {  	s29 =	smov.u32 s28;
	s26 =	sadd.s32 $0x1800, s26;
	[sflag:s18] =	ssyncset.done $0x0  }
0x5c: {  	s28 =	sadd.s32 s25, s10;
	[sflag:s18] =	ssyncadd.s32 $0xFFFFC000  }
0x5d: {  	[tilespmem:s3], [sflag:$0x1] =	stream.linear.gather [hbm4b:s28+s3], $0x80, $0x38;
	[tilespmem:$0x1FA80] =	vst v63  }
0x5e: {  	s30 =	sadd.s32 s25, s12  }
0x5f: {  	[tilespmem:s15], [sflag:$0x1] =	stream.linear.gather [hbm4b:s30+s3], $0x80, $0x38;
	[tilespmem:$0x1FA80] =	vst v63  }
0x60: {  	s31 =	sadd.s32 s25, s11  }
0x61: {  	[tilespmem:s16], [sflag:$0x1] =	stream.linear.gather [hbm4b:s31+s3], $0x80, $0x38;
	[tilespmem:$0x1FA80] =	vst v63  }
0x62: {  	_ = 	snop  }
0x63: {  	[tilespmem:s17], [sflag:$0x2] =	stream.linear.gather [hbm4b:s26+s3], $0xC000, $0x38;
	[tilespmem:$0x1FA80] =	vst v63  }
0x64: {  	_ =	swait.ge [sflag:s18], $0xC000  }
0x65: {  	[sflag:s18] =	ssyncset.done $0x0  }
0x66: {  	[sflag:s18] =	ssyncadd.s32 $0xFFFF4000  }
0x67: {  	_ =	swait.ge [sflag:s19], $0x80  }
0x68: {  	[sflag:s19] =	ssyncset.done $0x0  }
0x69: {  	[sflag:s19] =	ssyncadd.s32 $0xFFFFFF80  }
0x6a: {  	_ =	swait.ge [sflag:s19], $0x80  }
0x6b: {  	[sflag:s19] =	ssyncset.done $0x0  }
0x6c: {  	[sflag:s19] =	ssyncadd.s32 $0xFFFFFF80  }
0x6d: {  	_ =	swait.ge [sflag:s19], $0x80  }
0x6e: {  	[sflag:s19] =	ssyncset.done $0x0  }
0x6f: {  	[sflag:s19] =	ssyncadd.s32 $0xFFFFFF80  }
0x70: {  	[spmem:s2] =	stream.indirect.scatter.add.f32 [tilespmem:s17], [sflag:$0x2], $0x80, s3, s15, $0xb8;
	[tilespmem:$0x1FA80] =	vst v63  }
0x71: {  	_ =	swait.ge [sflag:s18], $0x4000  }
0x72: {  	[sflag:s18] =	ssyncset.done $0x0  }
0x73: {  	[sflag:s18] =	ssyncadd.s32 $0xFFFFC000  }
0x74: {  	[spmem:s2] =	stream.indirect.scatter.add.f32 [tilespmem:s20], [sflag:$0x2], $0x80, s15, s15, $0xb8;
	[tilespmem:$0x1FA80] =	vst v63  }
0x75: {  	_ =	swait.ge [sflag:s18], $0x4000  }
0x76: {  	[sflag:s18] =	ssyncset.done $0x0  }
0x77: {  	[sflag:s18] =	ssyncadd.s32 $0xFFFFC000  }
0x78: {  	[spmem:s2] =	stream.indirect.scatter.add.f32 [tilespmem:s21], [sflag:$0x2], $0x80, s16, s15, $0xb8;
	[tilespmem:$0x1FA80] =	vst v63  }
0x79: {  	_ =	swait.ge [sflag:s18], $0x4000  }
0x7a: {  	[sflag:s18] =	ssyncset.done $0x0  }
0x7b: {  	[sflag:s18] =	ssyncadd.s32 $0xFFFFC000  }
0x7c: {  	[tilespmem:s22], [sflag:$0x1] =	stream.linear.gather [hbm4b:s5+s3], $0x8, $0x38;
	[tilespmem:$0x1FA80] =	vst v63  }
0x7d: {  	_ = 	snop  }
0x7e: {  	[tilespmem:s17], [sflag:$0x2] =	stream.linear.gather [hbm4b:s6+s3], $0x400, $0x38;
	[tilespmem:$0x1FA80] =	vst v63  }
0x7f: {  	_ =	swait.ge [sflag:s18], $0x400  }
0x80: {  	[sflag:s18] =	ssyncset.done $0x0  }
0x81: {  	[sflag:s18] =	ssyncadd.s32 $0xFFFFFC00  }
0x82: {  	_ =	swait.ge [sflag:s19], $0x8  }
0x83: {  	[sflag:s19] =	ssyncset.done $0x0  }
0x84: {  	[sflag:s19] =	ssyncadd.s32 $0xFFFFFFF8  }
0x85: {  	[spmem:s2] =	stream.indirect.scatter.add.f32 [tilespmem:s17], [sflag:$0x2], $0x80, s22, s23, $0xb8;
	[tilespmem:$0x1FA80] =	vst v63  }
0x86: {  	_ =	swait.ge [sflag:s18], $0x400  }
0x87: {  	s24 =	sadd.s32 $0x1, s24;
	[sflag:s18] =	ssyncset.done $0x0  }
0x88: {  	p1 =	sne.s32 s24, s8;
	[sflag:s18] =	ssyncadd.s32 $0xFFFFFC00  }
.Ltmp1:
0x89: {  	s25 =	simm.s32 @!p0 $0x2;
	[bflag:$0x0] =	sbarrier.arrive $0xFFFF;
	(pc) =	sbr.rel @p1 .LBB2_1-.Ltmp1, $4  }
0x8a: {  	[hbm:s7], [sflag:s13] =	dma.local @!p0 [spmem:s14], $0x3E80  }
0x8b: {  	_ =	swait.ge @!p0 [sflag:s25], $0x3E80  }
0x8c: {  	[sflag:s25] =	ssyncset.done @!p0 $0x0  }
0x8d: {  	[sflag:s25] =	ssyncadd.s32 @!p0 $0xFFFFC180  }
0x8e: {  	_ =	sfence.sel $0x180000  }
0x8f: {  	[bflag:$0x0] =	sbarrier.arrive $0xFFFF  }
0x90: {  	p0 =	sne.s32 s1, $0x0;
	_ =	strace $0x9000004D  }
0x91: {  	s0 =	sadd.s32 @!p0 $0x100000, s0;
	[bflag:$0x2] =	sbarrier.arrive $0xFFFF  }
0x92: {  	[sflag:s0] =	ssyncadd.tile.s32 @!p0 $0x1;
	_ =	shalt  }
.Lfunc_end2:
_tile_overlayer_lowered:
.L_overlay_start_2:
0x93: {  	(tag) =	ssettag $0x2  }
0x94: {  	s0 =	rddreg [dreg:$0x0];
	s2 =	stileid.u32  }
0x95: {  	s1 =	rddreg [dreg:$0x1];
	p0 =	sne.s32 s2, $0x0  }
0x96: {  	s3 =	rddreg [dreg:$0x2];
	[bflag:$0x3] =	sbarrier.arrive $0xFFFF;
	s2 =	simm.s32 @!p0 $0x1C02  }
0x97: {  	[timem:s3], [sflag:s2] =	dma.local @!p0 [hbm:s0], s1  }
0x98: {  	s0 =	simm.s32 @!p0 $0x2  }
0x99: {  	_ =	swait.ge @!p0 [sflag:s0], s1  }
0x9a: {  	s1 =	ssub.s32 @!p0 $0x0, s1;
	[sflag:s0] =	ssyncset.done @!p0 $0x0  }
0x9b: {  	[sflag:s0] =	ssyncadd.s32 @!p0 s1  }
0x9c: {  	[bflag:$0x3] =	sbarrier.arrive $0xFFFF  }
0x9d: {  	_ =	shalt  }

// kernel: kernel.9.cloned.1.call-start
scs
__scs_entry_jumppad:
0x0: {  	(pc) =	sbr.rel $0x88, $3  }
0x1: {  	(tag) =	ssettag $0x0;
	lr =	simm.s32 $0x1  }
0x2: {  	[smem:$0x3F96] =	sst lr;
	_ =	strace $0xD0000000  }
0x3: {  	_ = 	snop  }
0x4: {  	_ = 	snop  }
0x5: {  	_ = 	snop  }
0x6: {  	_ = 	snop  }
0x7: {  	_ = 	snop  }
__scs_overlays_trampoline_lowered:
0x8: {  	[smem:$0x3FA5] =	sst s0  }
0x9: {  	[smem:$0x3FA6] =	sst s1  }
0xa: {  	[smem:$0x3FA7] =	sst s2  }
0xb: {  	[smem:$0x3FA8] =	sst s3  }
0xc: {  	[smem:$0x3FA9] =	sst s4  }
0xd: {  	[smem:$0x3FAA] =	sst s5  }
0xe: {  	[smem:$0x3FAB] =	sst s6  }
0xf: {  	[smem:$0x3FAC] =	sst s7  }
0x10: {  	[smem:$0x3FAD] =	sst s8  }
0x11: {  	[smem:$0x3FAE] =	sst s9;
	s0 =	simm.s32 @!p0 $0x0  }
0x12: {  	s1 =	sld [smem:$0x3F94];
	s0 =	simm.s32 @p0 $0x1  }
0x13: {  	[smem:$0x3FAF] =	sst s0;
	s0 =	simm.s32 @!p1 $0x0  }
0x14: {  	s2 =	sld [smem:$0x3F93];
	s0 =	simm.s32 @p1 $0x1  }
0x15: {  	[smem:$0x3FB0] =	sst s0;
	s0 =	simm.s32 @!p2 $0x0  }
0x16: {  	s3 =	sld [smem:$0x3FDB];
	s0 =	simm.s32 @p2 $0x1  }
0x17: {  	s4 =	simm.s32 $0x1BF5;
	[smem:$0x3FB2] =	sst s0  }
0x18: {  	s0 =	sld [smem:$0x3F95];
	_ =	swait.ge [sflag:s4], $0x0  }
0x19: {  	s7 =	sld [smem:$0x3F96]  }
0x1a: {  	s8 =	sadd.s32 $0xFFFFE003, lr  }
0x1b: {  	s9 =	sadd.s32 $0xFFFFFEF7, lr;
	s5 =	simm.s32 $0xFFFFFFFF;
	p2 =	slt.u32 s8, $0xFFFFF086  }
0x1c: {  	p1 =	slt.u32 s9, $0xF7A;
	s5 =	simm.s32 @!p2 $0x0  }
0x1d: {  	s5 =	simm.s32 @p1 $0x1;
	p0 =	seq.s32 s7, s2  }
0x1e: {  	s7 =	smul.u32 @!p0 $0xF7A, s2;
	p2 =	seq.s32 @!p0 s5, $0x0  }
0x1f: {  	s9 =	smul.u32 $0xF7A, s1;
	s8 =	simm.s32 @!p0 $0x1BF5;
	p2 =	por !p2, p0  }
0x20: {  	[sflag:s8] =	ssyncset.s32 @!p0 $0xFFFFF086;
	s6 =	sadd.s32 @!p0 s3, s7;
	s7 =	simm.s32 @!p0 $0x108  }
0x21: {  	s3 =	sadd.s32 s3, s9;
	s6 =	sadd.s32 @!p0 $0x88, s6;
	s7 =	simm.s32 @p2 $0x1082  }
0x22: {  	[simem:s7], [sflag:s8] =	dma.local @!p0 [hbm:s6], $0xF7A  }
0x23: {  	s9 =	sor.u32 $0xD0000000, s2;
	s6 =	simm.s32 $0x108;
	_ =	swait.ge @!p0 [sflag:s8], $0x0  }
0x24: {  	s3 =	sadd.s32 $0x88, s3;
	s6 =	simm.s32 @!p1 $0x1082;
	[sflag:s4] =	ssyncset.s32 $0xFFFFF086  }
0x25: {  	[simem:s6], [sflag:s4] =	dma.local [hbm:s3], $0xF7A  }
0x26: {  	[smem:$0x3F96] =	sst s1;
	(tag) =	ssettag s2;
	_ =	strace s9  }
0x27: {  	s1 =	sld [smem:$0x3FA6]  }
0x28: {  	s2 =	sld [smem:$0x3FA7]  }
0x29: {  	s4 =	sld [smem:$0x3FA9]  }
0x2a: {  	p0 =	seq.s32 s5, $0x0;
	s5 =	sld [smem:$0x3FAA]  }
0x2b: {  	s6 =	sld [smem:$0x3FAB]  }
0x2c: {  	s7 =	sld [smem:$0x3FAC]  }
0x2d: {  	s3 =	simm.s32 $0x108;
	s8 =	sld [smem:$0x3FAD]  }
0x2e: {  	s3 =	simm.s32 @!p0 $0x1082;
	s9 =	sld [smem:$0x3FAE]  }
0x2f: {  	lr =	sadd.s32 s0, s3;
	s0 =	sld [smem:$0x3FA5]  }
0x30: {  	s3 =	sld [smem:$0x3FA8]  }
0x31: {  	[smem:$0x3FB1] =	sst s10  }
0x32: {  	s10 =	sld [smem:$0x3FAF];
	_ =	sdelay $0x3  }
0x33: {  	p0 =	seq.s32 s10, $0x1;
	s10 =	sld [smem:$0x3FB1];
	_ =	sdelay $0x3  }
0x34: {  	[smem:$0x3FB1] =	sst s10  }
0x35: {  	s10 =	sld [smem:$0x3FB0];
	_ =	sdelay $0x3  }
0x36: {  	p1 =	seq.s32 s10, $0x1;
	s10 =	sld [smem:$0x3FB1];
	_ =	sdelay $0x3  }
0x37: {  	[smem:$0x3FB1] =	sst s10  }
0x38: {  	s10 =	sld [smem:$0x3FB2]  }
0x39: {  	_ = 	snop;
	(pc) =	sbr.ind lr, $3  }
0x3a: {  	_ = 	snop  }
0x3b: {  	_ = 	snop  }
0x3c: {  	p2 =	seq.s32 s10, $0x1;
	s10 =	sld [smem:$0x3FB1]  }
0x3d: {  	_ =	shalt  }
0x3e: {  	_ =	shalt  }
0x3f: {  	_ =	shalt  }
0x40: {  	_ =	shalt  }
0x41: {  	_ =	shalt  }
0x42: {  	_ =	shalt  }
0x43: {  	_ =	shalt  }
0x44: {  	_ =	shalt  }
0x45: {  	_ =	shalt  }
0x46: {  	_ =	shalt  }
0x47: {  	_ =	shalt  }
0x48: {  	_ =	shalt  }
0x49: {  	_ =	shalt  }
0x4a: {  	_ =	shalt  }
0x4b: {  	_ =	shalt  }
0x4c: {  	_ =	shalt  }
0x4d: {  	_ =	shalt  }
0x4e: {  	_ =	shalt  }
0x4f: {  	_ =	shalt  }
0x50: {  	_ =	shalt  }
0x51: {  	_ =	shalt  }
0x52: {  	_ =	shalt  }
0x53: {  	_ =	shalt  }
0x54: {  	_ =	shalt  }
0x55: {  	_ =	shalt  }
0x56: {  	_ =	shalt  }
0x57: {  	_ =	shalt  }
0x58: {  	_ =	shalt  }
0x59: {  	_ =	shalt  }
0x5a: {  	_ =	shalt  }
0x5b: {  	_ =	shalt  }
0x5c: {  	_ =	shalt  }
0x5d: {  	_ =	shalt  }
0x5e: {  	_ =	shalt  }
0x5f: {  	_ =	shalt  }
0x60: {  	_ =	shalt  }
0x61: {  	_ =	shalt  }
0x62: {  	_ =	shalt  }
0x63: {  	_ =	shalt  }
0x64: {  	_ =	shalt  }
0x65: {  	_ =	shalt  }
0x66: {  	_ =	shalt  }
0x67: {  	_ =	shalt  }
0x68: {  	_ =	shalt  }
0x69: {  	_ =	shalt  }
0x6a: {  	_ =	shalt  }
0x6b: {  	_ =	shalt  }
0x6c: {  	_ =	shalt  }
0x6d: {  	_ =	shalt  }
0x6e: {  	_ =	shalt  }
0x6f: {  	_ =	shalt  }
0x70: {  	_ =	shalt  }
0x71: {  	_ =	shalt  }
0x72: {  	_ =	shalt  }
0x73: {  	_ =	shalt  }
0x74: {  	_ =	shalt  }
0x75: {  	_ =	shalt  }
0x76: {  	_ =	shalt  }
0x77: {  	_ =	shalt  }
0x78: {  	_ =	shalt  }
0x79: {  	_ =	shalt  }
0x7a: {  	_ =	shalt  }
0x7b: {  	_ =	shalt  }
0x7c: {  	_ =	shalt  }
0x7d: {  	_ =	shalt  }
0x7e: {  	_ =	shalt  }
0x7f: {  	_ =	shalt  }
0x80: {  	_ =	shalt  }
0x81: {  	_ =	shalt  }
0x82: {  	_ =	shalt  }
0x83: {  	_ =	shalt  }
0x84: {  	_ =	shalt  }
0x85: {  	_ =	shalt  }
0x86: {  	_ =	shalt  }
0x87: {  	_ =	shalt  }
.Lfunc_end0:
.L_simem_size_0:
called_computation_lowered:
.L_overlay_start_0:
0x88: {  	s2 =	sld [smem:$0x3FD9]  }
0x89: {  	s3 =	sld [smem:$0x3FFE];
	_ =	sdelay $0x1  }
0x8a: {  	s1 =	srdreg.scid  }
0x8b: {  	s0 =	sand.u32 $0x1, s1  }
0x8c: {  	s17 =	sshll.u32 s0, $0xA;
	s2 =	sadd.s32 s3, s2  }
0x8d: {  	s2 =	sadd.s32 s2, s17  }
0x8e: {  	[smem:$0x3FBD] =	sst s2  }
0x8f: {  	_ = 	snop  }
0x90: {  	s18 =	sld [smem:$0x3FC9];
	(tm) =	ssettm $0x1  }
0x91: {  	s19 =	sld [smem:$0x3FFB];
	_ =	sdelay $0x3  }
0x92: {  	_ =	strace s19  }
0x93: {  	s2 =	sld [smem:$0x3FFC];
	_ =	sdelay $0x3  }
0x94: {  	_ =	strace s2  }
0x95: {  	s2 =	sld [smem:$0x3FFD];
	_ =	sdelay $0x3  }
0x96: {  	_ =	strace s2  }
0x97: {  	_ =	strace $0x8FFFFFFF  }
0x98: {  	s20 =	sld [smem:$0x3FDB];
	_ =	sdelay $0x1  }
0x99: {  	s4 =	simm.s32 $_scs_section_size  }
0x9a: {  	s5 =	simm.s32 $_size__tile_overlayer_lowered;
	s6 =	simm.s32 $_tile_overlayer_lowered  }
0x9b: {  	s7 =	simm.s32 $0x1BFF;
	s21 =	sshll.u32 s6, $0x1;
	s4 =	sadd.s32 s4, s20  }
0x9c: {  	s22 =	simm.s32 $0x0;
	s5 =	sshll.u32 s5, $0x1;
	s6 =	sadd.s32 s21, s4  }
0x9d: {  	[timem:s22], [sflag:s7] =	dma.local [hbm:s6], s5  }
0x9e: {  	_ =	swait.ge [sflag:s7], s5  }
0x9f: {  	s5 =	ssub.s32 $0x0, s5;
	[sflag:s7] =	ssyncset.done $0x0  }
0xa0: {  	[sflag:s7] =	ssyncadd.s32 s5;
	_ =	sdelay $0x1  }
0xa1: {  	s23 =	simm.s32 $0x1B8B  }
0xa2: {  	_ =	swait.ge [sflag:s23], $0x1  }
0xa3: {  	[sflag:s23] =	ssyncset.done $0x0  }
0xa4: {  	[sflag:s23] =	ssyncadd.s32 $0xFFFFFFFF  }
0xa5: {  	s5 =	sld [smem:$0x0]  }
0xa6: {  	s6 =	sand.u32 $0xFFFFFFFE, s1  }
0xa7: {  	p0 =	sne.s32 s1, s6  }
0xa8: {  	s6 =	sshll.u32 @p0 s6, $0xE  }
0xa9: {  	s6 =	sadd.s32 @p0 $0x11B8D, s6;
	s7 =	sshll.u32 @p0 s5, $0x11  }
0xaa: {  	s6 =	sor.u32 @p0 s7, s6  }
0xab: {  	[sflag:s6] =	ssyncadd.remote.s32 @p0 $0x1;
	_ =	sdelay $0x1  }
0xac: {  	s6 =	simm.s32 @p0 $0x1B8D  }
0xad: {  	_ =	swait.eq @p0 [sflag:s6], $0x1  }
0xae: {  	[sflag:s6] =	ssyncadd.s32 @p0 $0xFFFFFFFF  }
0xaf: {  	s7 =	sshll.u32 @!p0 s1, $0xE  }
0xb0: {  	s7 =	sor.u32 @!p0 $0x4000, s7;
	s6 =	simm.s32 @!p0 $0x1B8D  }
0xb1: {  	s5 =	sshll.u32 @!p0 s5, $0x11;
	s7 =	sadd.s32 @!p0 $0x11B8D, s7;
	_ =	swait.eq @!p0 [sflag:s6], $0x1  }
0xb2: {  	s5 =	sor.u32 @!p0 s5, s7;
	[sflag:s6] =	ssyncadd.s32 @!p0 $0xFFFFFFFF  }
0xb3: {  	s25 =	simm.s32 $0x1B8E;
	s24 =	sld [smem:$0x3FFE];
	[sflag:s5] =	ssyncadd.remote.s32 @!p0 $0x1  }
0xb4: {  	s26 =	simm.s32 $execute0_lowered;
	[smem:$0x3FD2] =	sst s25  }
0xb5: {  	s6 =	sshll.u32 s26, $0x1;
	_ =	strace $0x80000049;
	[dreg:$0x1] =	wrdreg $0xFFFFFFFF  }
0xb6: {  	s28 =	simm.s32 $_size_execute0_lowered;
	s4 =	sadd.s32 s4, s6;
	[dreg:$0x0] =	wrdreg $0x0  }
0xb7: {  	s6 =	sshll.u32 s28, $0x1;
	[dreg:$0x2] =	wrdreg s4  }
0xb8: {  	[dreg:$0x3] =	wrdreg s6  }
0xb9: {  	[dreg:$0x4] =	wrdreg $0xC0  }
0xba: {  	_ =	task [dreg:s22], $0x5FFFF  }
0xbb: {  	[dreg:$0x1] =	wrdreg $0xFFFFFFFF  }
0xbc: {  	[dreg:$0x0] =	wrdreg $0x60  }
0xbd: {  	[dreg:$0x2] =	wrdreg s18  }
0xbe: {  	[dreg:$0x3] =	wrdreg s24  }
0xbf: {  	[dreg:$0x4] =	wrdreg $0x9  }
0xc0: {  	_ =	task.clear_ibuf [dreg:s22], $0x5FFFF;
	_ =	strace $0x90000049  }
0xc1: {  	s29 =	simm.s32 $0x9;
	_ =	strace $0x8000004B  }
0xc2: {  	_ =	swait.ge [sflag:s29], $0x1  }
0xc3: {  	[sflag:s29] =	ssyncadd.s32 $0xFFFFFFFF  }
0xc4: {  	_ =	strace $0x9000004B  }
0xc5: {  	_ =	sfence  }
0xc6: {  	s30 =	sld [smem:$0x0];
	_ =	sdelay $0x2  }
0xc7: {  	s31 =	sshll.u32 s1, $0xD;
	s1 =	sshrl.u32 s1, $0x2  }
0xc8: {  	s4 =	sand.u32 $0x4000, s31;
	s1 =	sadd.s32 s1, s30  }
0xc9: {  	s0 =	sor.u32 s4, s0;
	s1 =	sshll.u32 s1, $0x11  }
0xca: {  	s0 =	sor.u32 s1, s0  }
0xcb: {  	s0 =	sadd.s32 $0x8F2B, s0  }
0xcc: {  	[sflag:s0] =	ssyncadd.remote.s32 $0x1  }
0xcd: {  	_ =	sfence.sel $0xFFFF  }
0xce: {  	[dreg:$0x0] =	wrdreg $0xFFFFFFFF;
	(pc) =	sbr.abs _section_cstart, $3  }
0xcf: {  	[dreg:$0x1] =	wrdreg $0xFFFFFFFF  }
0xd0: {  	_ =	task.clear_ibuf [dreg:s22], $0x2FFFF;
	_ =	strace $0x9FFFFFFF  }
0xd1: {  	(tm) =	ssettm $0x7FFFFFFF  }
tec
execute0_lowered:
.L_overlay_start_1:
0x0: {  	(tag) =	ssettag $0x1  }
0x1: {  	s2 =	rddreg [dreg:$0x0];
	s1 =	srdreg.scid  }
0x2: {  	s0 =	stileid.u32;
	s4 =	rddreg [dreg:$0x1];
	s3 =	simm.s32 $0x0  }
0x3: {  	s14 =	simm.s32 $0x8300;
	s15 =	simm.s32 $0x180;
	s16 =	simm.s32 $0xC300  }
0x4: {  	s17 =	simm.s32 $0x200;
	s18 =	simm.s32 $0x10300;
	s19 =	simm.s32 $0x280  }
0x5: {  	s20 =	simm.s32 $0x14300;
	s21 =	simm.s32 $0x1;
	s22 =	simm.s32 $0x8  }
0x6: {  	s23 =	simm.s32 $0x0;
	s5 =	sand.u32 $0x1, s1;
	s1 =	rddreg [dreg:$0x2]  }
0x7: {  	s6 =	sshll.u32 s0, $0x1;
	[smem:$0x7FF] =	sst s3;
	s9 =	smul.u32 $0x2710, s0  }
0x8: {  	s8 =	sadd.s32 $0x279000, s4;
	s31 =	smul.u32 $0x27100, s0;
	s6 =	sor.u32 s5, s6  }
0x9: {  	s7 =	sadd.s32 $0x283000, s4;
	s30 =	ssub.s32 $0x2, s5;
	s6 =	smul.u32 $0x1388, s6  }
0xa: {  	_ =	strace $0x8000004A;
	s12 =	smul.u32 $0x1388, s5;
	s10 =	sshrl.u32 s30, $0x1  }
0xb: {  	s13 =	smul.u32 $0x13880, s5;
	s10 =	ssub.s32 s30, s10;
	s6 =	sadd.s32 $0x1200, s6  }
0xc: {  	s9 =	sadd.s32 s12, s9;
	s12 =	simm.s32 $0x4300;
	s11 =	sshrl.u32 s6, $0x3  }
0xd: {  	s9 =	sshrl.u32 s9, $0x3;
	s6 =	sshll.u32 s6, $0x4;
	s4 =	sadd.s32 s8, s11  }
0xe: {  	s5 =	sadd.s32 s7, s6;
	s7 =	sadd.s32 s31, s7;
	s6 =	smax.u32 s10, $0x1  }
0xf: {  	s8 =	sadd.s32 s9, s8;
	s9 =	simm.s32 $0x2;
	s10 =	simm.s32 $0x80  }
0x10: {  	s11 =	simm.s32 $0x300;
	s7 =	sadd.s32 s13, s7;
	s13 =	simm.s32 $0x100  }
.LBB2_1:
0x11: {  	s24 =	sadd.s32 $0x0, s8  }
0x12: {  	[tilespmem:s3], [sflag:$0x2] =	stream.linear.gather [hbm4b:s24+s3], $0x300, $0x38;
	[tilespmem:$0x18300] =	vst v63  }
0x13: {  	_ =	swait.ge [sflag:s9], $0x300  }
0x14: {  	[sflag:s9] =	ssyncset.done $0x0  }
0x15: {  	[sflag:s9] =	ssyncadd.s32 $0xFFFFFD00  }
0x16: {  	[tilespmem:s11], [sflag:$0x1] =	stream.indirect.gather [hbm4b:s2+s10], $0x80, s3, s10, $0xb8;
	[tilespmem:$0x18300] =	vst v63  }
0x17: {  	_ = 	snop  }
0x18: {  	[tilespmem:s12], [sflag:$0x1] =	stream.indirect.gather [hbm4b:s2+s10], $0x80, s10, s10, $0xb8;
	[tilespmem:$0x18300] =	vst v63  }
0x19: {  	_ = 	snop  }
0x1a: {  	[tilespmem:s14], [sflag:$0x1] =	stream.indirect.gather [hbm4b:s2+s10], $0x80, s13, s10, $0xb8;
	[tilespmem:$0x18300] =	vst v63  }
0x1b: {  	_ = 	snop  }
0x1c: {  	[tilespmem:s16], [sflag:$0x1] =	stream.indirect.gather [hbm4b:s2+s10], $0x80, s15, s10, $0xb8;
	[tilespmem:$0x18300] =	vst v63  }
0x1d: {  	_ = 	snop  }
0x1e: {  	[tilespmem:s18], [sflag:$0x1] =	stream.indirect.gather [hbm4b:s2+s10], $0x80, s17, s10, $0xb8;
	[tilespmem:$0x18300] =	vst v63  }
0x1f: {  	_ = 	snop  }
0x20: {  	[tilespmem:s20], [sflag:$0x1] =	stream.indirect.gather [hbm4b:s2+s10], $0x80, s19, s10, $0xb8;
	[tilespmem:$0x18300] =	vst v63  }
0x21: {  	_ =	swait.ge [sflag:s21], $0x4000  }
0x22: {  	[sflag:s21] =	ssyncset.done $0x0  }
0x23: {  	[sflag:s21] =	ssyncadd.s32 $0xFFFFC000  }
0x24: {  	_ =	swait.ge [sflag:s21], $0x4000  }
0x25: {  	[sflag:s21] =	ssyncset.done $0x0  }
0x26: {  	[sflag:s21] =	ssyncadd.s32 $0xFFFFC000  }
0x27: {  	_ =	swait.ge [sflag:s21], $0x4000  }
0x28: {  	[sflag:s21] =	ssyncset.done $0x0  }
0x29: {  	[sflag:s21] =	ssyncadd.s32 $0xFFFFC000  }
0x2a: {  	_ =	swait.ge [sflag:s21], $0x4000  }
0x2b: {  	[sflag:s21] =	ssyncset.done $0x0  }
0x2c: {  	[sflag:s21] =	ssyncadd.s32 $0xFFFFC000  }
0x2d: {  	_ =	swait.ge [sflag:s21], $0x4000  }
0x2e: {  	[sflag:s21] =	ssyncset.done $0x0  }
0x2f: {  	[sflag:s21] =	ssyncadd.s32 $0xFFFFC000  }
0x30: {  	_ =	swait.ge [sflag:s21], $0x4000  }
0x31: {  	[sflag:s21] =	ssyncset.done $0x0  }
0x32: {  	[sflag:s21] =	ssyncadd.s32 $0xFFFFC000  }
0x33: {  	[hbm4b:s7+s3] =	stream.linear.scatter [tilespmem:s11], [sflag:$0x2], $0x18000, $0x38;
	[tilespmem:$0x18300] =	vst v63  }
0x34: {  	s25 =	simm.s32 $0x60;
	_ =	swait.ge [sflag:s9], $0x18000  }
0x35: {  	s28 =	simm.s32 $0xC0;
	s24 =	sadd.s32 $0x3000, s7;
	[sflag:s9] =	ssyncset.done $0x0  }
.LBB2_2:
0x36: {  	s29 =	sadd.s32 s25, s8  }
0x37: {  	[sflag:s9] =	ssyncadd.s32 $0xFFFE8000;
	s25 =	smov.u32 s28;
	s26 =	sadd.s32 $0x60, s28  }
0x38: {  	[tilespmem:s3], [sflag:$0x2] =	stream.linear.gather [hbm4b:s29+s3], $0x300, $0x38;
	[tilespmem:$0x18300] =	vst v63  }
0x39: {  	p0 =	sne.s32 s28, $0x1E0;
	_ =	swait.ge [sflag:s9], $0x300  }
0x3a: {  	[sflag:s9] =	ssyncset.done $0x0  }
0x3b: {  	[sflag:s9] =	ssyncadd.s32 $0xFFFFFD00  }
0x3c: {  	[tilespmem:s11], [sflag:$0x1] =	stream.indirect.gather [hbm4b:s2+s10], $0x80, s3, s10, $0xb8;
	[tilespmem:$0x18300] =	vst v63  }
0x3d: {  	_ = 	snop  }
0x3e: {  	[tilespmem:s12], [sflag:$0x1] =	stream.indirect.gather [hbm4b:s2+s10], $0x80, s10, s10, $0xb8;
	[tilespmem:$0x18300] =	vst v63  }
0x3f: {  	_ = 	snop  }
0x40: {  	[tilespmem:s14], [sflag:$0x1] =	stream.indirect.gather [hbm4b:s2+s10], $0x80, s13, s10, $0xb8;
	[tilespmem:$0x18300] =	vst v63  }
0x41: {  	_ = 	snop  }
0x42: {  	[tilespmem:s16], [sflag:$0x1] =	stream.indirect.gather [hbm4b:s2+s10], $0x80, s15, s10, $0xb8;
	[tilespmem:$0x18300] =	vst v63  }
0x43: {  	_ = 	snop  }
0x44: {  	[tilespmem:s18], [sflag:$0x1] =	stream.indirect.gather [hbm4b:s2+s10], $0x80, s17, s10, $0xb8;
	[tilespmem:$0x18300] =	vst v63  }
0x45: {  	_ = 	snop  }
0x46: {  	[tilespmem:s20], [sflag:$0x1] =	stream.indirect.gather [hbm4b:s2+s10], $0x80, s19, s10, $0xb8;
	[tilespmem:$0x18300] =	vst v63  }
0x47: {  	_ =	swait.ge [sflag:s21], $0x4000  }
0x48: {  	[sflag:s21] =	ssyncset.done $0x0  }
0x49: {  	[sflag:s21] =	ssyncadd.s32 $0xFFFFC000  }
0x4a: {  	_ =	swait.ge [sflag:s21], $0x4000  }
0x4b: {  	[sflag:s21] =	ssyncset.done $0x0  }
0x4c: {  	[sflag:s21] =	ssyncadd.s32 $0xFFFFC000  }
0x4d: {  	_ =	swait.ge [sflag:s21], $0x4000  }
0x4e: {  	[sflag:s21] =	ssyncset.done $0x0  }
0x4f: {  	[sflag:s21] =	ssyncadd.s32 $0xFFFFC000  }
0x50: {  	_ =	swait.ge [sflag:s21], $0x4000  }
0x51: {  	[sflag:s21] =	ssyncset.done $0x0  }
0x52: {  	[sflag:s21] =	ssyncadd.s32 $0xFFFFC000  }
0x53: {  	_ =	swait.ge [sflag:s21], $0x4000  }
0x54: {  	[sflag:s21] =	ssyncset.done $0x0  }
0x55: {  	[sflag:s21] =	ssyncadd.s32 $0xFFFFC000  }
0x56: {  	_ =	swait.ge [sflag:s21], $0x4000  }
.Ltmp0:
0x57: {  	[sflag:s21] =	ssyncset.done $0x0;
	(pc) =	sbr.rel @p0 .LBB2_2-.Ltmp0, $4  }
0x58: {  	[sflag:s21] =	ssyncadd.s32 $0xFFFFC000  }
0x59: {  	[hbm4b:s24+s3] =	stream.linear.scatter [tilespmem:s11], [sflag:$0x2], $0x18000, $0x38;
	[tilespmem:$0x18300] =	vst v63  }
0x5a: {  	_ =	swait.ge [sflag:s9], $0x18000  }
0x5b: {  	s28 =	smov.u32 s26;
	s24 =	sadd.s32 $0x3000, s24;
	[sflag:s9] =	ssyncset.done $0x0  }
0x5c: {  	s25 =	sadd.s32 s25, s8;
	[sflag:s9] =	ssyncadd.s32 $0xFFFE8000  }
0x5d: {  	[tilespmem:s3], [sflag:$0x2] =	stream.linear.gather [hbm4b:s25+s3], $0x300, $0x38;
	[tilespmem:$0x18300] =	vst v63  }
0x5e: {  	_ =	swait.ge [sflag:s9], $0x300  }
0x5f: {  	[sflag:s9] =	ssyncset.done $0x0  }
0x60: {  	[sflag:s9] =	ssyncadd.s32 $0xFFFFFD00  }
0x61: {  	[tilespmem:s11], [sflag:$0x1] =	stream.indirect.gather [hbm4b:s2+s10], $0x80, s3, s10, $0xb8;
	[tilespmem:$0x18300] =	vst v63  }
0x62: {  	_ = 	snop  }
0x63: {  	[tilespmem:s12], [sflag:$0x1] =	stream.indirect.gather [hbm4b:s2+s10], $0x80, s10, s10, $0xb8;
	[tilespmem:$0x18300] =	vst v63  }
0x64: {  	_ = 	snop  }
0x65: {  	[tilespmem:s14], [sflag:$0x1] =	stream.indirect.gather [hbm4b:s2+s10], $0x80, s13, s10, $0xb8;
	[tilespmem:$0x18300] =	vst v63  }
0x66: {  	_ = 	snop  }
0x67: {  	[tilespmem:s16], [sflag:$0x1] =	stream.indirect.gather [hbm4b:s2+s10], $0x80, s15, s10, $0xb8;
	[tilespmem:$0x18300] =	vst v63  }
0x68: {  	_ = 	snop  }
0x69: {  	[tilespmem:s18], [sflag:$0x1] =	stream.indirect.gather [hbm4b:s2+s10], $0x80, s17, s10, $0xb8;
	[tilespmem:$0x18300] =	vst v63  }
0x6a: {  	_ = 	snop  }
0x6b: {  	[tilespmem:s20], [sflag:$0x1] =	stream.indirect.gather [hbm4b:s2+s10], $0x80, s19, s10, $0xb8;
	[tilespmem:$0x18300] =	vst v63  }
0x6c: {  	_ =	swait.ge [sflag:s21], $0x4000  }
0x6d: {  	[sflag:s21] =	ssyncset.done $0x0  }
0x6e: {  	[sflag:s21] =	ssyncadd.s32 $0xFFFFC000  }
0x6f: {  	_ =	swait.ge [sflag:s21], $0x4000  }
0x70: {  	[sflag:s21] =	ssyncset.done $0x0  }
0x71: {  	[sflag:s21] =	ssyncadd.s32 $0xFFFFC000  }
0x72: {  	_ =	swait.ge [sflag:s21], $0x4000  }
0x73: {  	[sflag:s21] =	ssyncset.done $0x0  }
0x74: {  	[sflag:s21] =	ssyncadd.s32 $0xFFFFC000  }
0x75: {  	_ =	swait.ge [sflag:s21], $0x4000  }
0x76: {  	[sflag:s21] =	ssyncset.done $0x0  }
0x77: {  	[sflag:s21] =	ssyncadd.s32 $0xFFFFC000  }
0x78: {  	_ =	swait.ge [sflag:s21], $0x4000  }
0x79: {  	[sflag:s21] =	ssyncset.done $0x0  }
0x7a: {  	[sflag:s21] =	ssyncadd.s32 $0xFFFFC000  }
0x7b: {  	_ =	swait.ge [sflag:s21], $0x4000  }
0x7c: {  	[sflag:s21] =	ssyncset.done $0x0  }
0x7d: {  	[sflag:s21] =	ssyncadd.s32 $0xFFFFC000  }
0x7e: {  	[hbm4b:s24+s3] =	stream.linear.scatter [tilespmem:s11], [sflag:$0x2], $0x18000, $0x38;
	[tilespmem:$0x18300] =	vst v63  }
0x7f: {  	_ =	swait.ge [sflag:s9], $0x18000  }
0x80: {  	[sflag:s9] =	ssyncset.done $0x0  }
0x81: {  	[sflag:s9] =	ssyncadd.s32 $0xFFFE8000  }
0x82: {  	[tilespmem:s3], [sflag:$0x2] =	stream.linear.gather [hbm4b:s4+s3], $0x188, $0x38;
	[tilespmem:$0x18300] =	vst v63  }
0x83: {  	_ =	swait.ge [sflag:s9], $0x188  }
0x84: {  	[sflag:s9] =	ssyncset.done $0x0  }
0x85: {  	[sflag:s9] =	ssyncadd.s32 $0xFFFFFE78  }
0x86: {  	[tilespmem:s11], [sflag:$0x1] =	stream.indirect.gather [hbm4b:s2+s10], $0x80, s3, s10, $0xb8;
	[tilespmem:$0x18300] =	vst v63  }
0x87: {  	_ = 	snop  }
0x88: {  	[tilespmem:s12], [sflag:$0x1] =	stream.indirect.gather [hbm4b:s2+s10], $0x80, s10, s10, $0xb8;
	[tilespmem:$0x18300] =	vst v63  }
0x89: {  	_ = 	snop  }
0x8a: {  	[tilespmem:s14], [sflag:$0x1] =	stream.indirect.gather [hbm4b:s2+s10], $0x80, s13, s10, $0xb8;
	[tilespmem:$0x18300] =	vst v63  }
0x8b: {  	_ = 	snop  }
0x8c: {  	[tilespmem:s16], [sflag:$0x1] =	stream.indirect.gather [hbm4b:s2+s22], $0x80, s15, s22, $0xb8;
	[tilespmem:$0x18300] =	vst v63  }
0x8d: {  	_ =	swait.ge [sflag:s21], $0x4000  }
0x8e: {  	[sflag:s21] =	ssyncset.done $0x0  }
0x8f: {  	[sflag:s21] =	ssyncadd.s32 $0xFFFFC000  }
0x90: {  	_ =	swait.ge [sflag:s21], $0x4000  }
0x91: {  	[sflag:s21] =	ssyncset.done $0x0  }
0x92: {  	[sflag:s21] =	ssyncadd.s32 $0xFFFFC000  }
0x93: {  	_ =	swait.ge [sflag:s21], $0x4000  }
0x94: {  	[sflag:s21] =	ssyncset.done $0x0  }
0x95: {  	[sflag:s21] =	ssyncadd.s32 $0xFFFFC000  }
0x96: {  	s23 =	sadd.s32 $0x1, s23;
	_ =	swait.ge [sflag:s21], $0x400  }
0x97: {  	p0 =	sne.s32 s23, s6;
	[sflag:s21] =	ssyncset.done $0x0  }
.Ltmp1:
0x98: {  	[sflag:s21] =	ssyncadd.s32 $0xFFFFFC00;
	(pc) =	sbr.rel @p0 .LBB2_1-.Ltmp1, $4  }
0x99: {  	[hbm4b:s5+s3] =	stream.linear.scatter [tilespmem:s11], [sflag:$0x2], $0xC400, $0x38;
	[tilespmem:$0x18300] =	vst v63  }
0x9a: {  	_ =	swait.ge [sflag:s9], $0xC400  }
0x9b: {  	[sflag:s9] =	ssyncset.done $0x0  }
0x9c: {  	[sflag:s9] =	ssyncadd.s32 $0xFFFF3C00  }
0x9d: {  	_ =	sfence.sel $0x180000  }
0x9e: {  	[bflag:$0x0] =	sbarrier.arrive $0xFFFF  }
0x9f: {  	p0 =	sne.s32 s0, $0x0;
	_ =	strace $0x9000004A  }
0xa0: {  	s0 =	sadd.s32 @!p0 $0x100000, s1;
	[bflag:$0x2] =	sbarrier.arrive $0xFFFF  }
0xa1: {  	[sflag:s0] =	ssyncadd.tile.s32 @!p0 $0x1;
	_ =	shalt  }
.Lfunc_end2:
_tile_overlayer_lowered:
.L_overlay_start_2:
0xa2: {  	(tag) =	ssettag $0x2  }
0xa3: {  	s0 =	rddreg [dreg:$0x0];
	s2 =	stileid.u32  }
0xa4: {  	s1 =	rddreg [dreg:$0x1];
	p0 =	sne.s32 s2, $0x0  }
0xa5: {  	s3 =	rddreg [dreg:$0x2];
	[bflag:$0x3] =	sbarrier.arrive $0xFFFF;
	s2 =	simm.s32 @!p0 $0x1C02  }
0xa6: {  	[timem:s3], [sflag:s2] =	dma.local @!p0 [hbm:s0], s1  }
0xa7: {  	s0 =	simm.s32 @!p0 $0x2  }
0xa8: {  	_ =	swait.ge @!p0 [sflag:s0], s1  }
0xa9: {  	s1 =	ssub.s32 @!p0 $0x0, s1;
	[sflag:s0] =	ssyncset.done @!p0 $0x0  }
0xaa: {  	[sflag:s0] =	ssyncadd.s32 @!p0 s1  }
0xab: {  	[bflag:$0x3] =	sbarrier.arrive $0xFFFF  }
0xac: {  	_ =	shalt  }

</sc_bundles>
